<compile_context>
chip_gen: v7x
topology: tpu7x:2x2x1
jax: 0.10.2.dev20260603
libtpu: 0.0.44.dev20260713+nightly
codegen_flags: <defaults>
</compile_context>

<pallas_src>
import jax
import jax.numpy as jnp
from jax import lax
from jax.experimental import pallas as pl
from jax.experimental.pallas import tpu as pltpu
from jax.experimental.pallas import tpu_sc as plsc

N_TOKENS = 16384
D_MODEL = 2048
N_EXPERTS = 16
LANES = 16

N_CHUNKS = 2
CHUNK = N_TOKENS // N_CHUNKS


_BLK = 1024


def _logits_body(x_ref, w_ref, b_ref, o_ref):
    o_ref[...] = lax.dot_general(
        x_ref[...], w_ref[...],
        dimension_numbers=(((1,), (1,)), ((), ())),
        preferred_element_type=jnp.float32,
    ) + b_ref[...]


def _make_logits_call(chunk_idx):
    off = chunk_idx * (CHUNK // _BLK)
    return pl.pallas_call(
        _logits_body,
        grid=(CHUNK // _BLK,),
        in_specs=[
            pl.BlockSpec((_BLK, D_MODEL), lambda i: (off + i, 0)),
            pl.BlockSpec((N_EXPERTS, D_MODEL), lambda i: (0, 0)),
            pl.BlockSpec((1, N_EXPERTS), lambda i: (0, 0)),
        ],
        out_specs=pl.BlockSpec((_BLK, N_EXPERTS), lambda i: (i, 0)),
        out_shape=jax.ShapeDtypeStruct((CHUNK, N_EXPERTS), jnp.float32),
    )


_logits_calls = [_make_logits_call(c) for c in range(N_CHUNKS)]


_NC = 2
_NS = 16
_NW = _NC * _NS
_ROWS_PER_W = CHUNK // _NW
_TILES_PER_W = _ROWS_PER_W // LANES


def _route_body(lg_hbm, out_hbm, idx_hbm, lg_v, out_v, idx_v):
    wid = lax.axis_index("s") * _NC + lax.axis_index("c")
    base = wid * _ROWS_PER_W
    pltpu.sync_copy(lg_hbm.at[pl.ds(base * N_EXPERTS, _ROWS_PER_W * N_EXPERTS)], lg_v)

    lane = lax.iota(jnp.int32, LANES)
    zero_i = jnp.zeros((LANES,), jnp.int32)
    zero_f = jnp.zeros((LANES,), jnp.float32)
    neg_inf = jnp.full((LANES,), -jnp.inf, jnp.float32)

    def tile(t, carry):
        rows = t * LANES + lane
        rbase = rows * N_EXPERTS
        cols = [plsc.load_gather(lg_v, [rbase + e]) for e in range(N_EXPERTS)]
        m1 = cols[0]
        for e in range(1, N_EXPERTS):
            m1 = jnp.maximum(m1, cols[e])
        i1 = zero_i
        for e in range(N_EXPERTS - 1, -1, -1):
            i1 = jnp.where(cols[e] == m1, e, i1)
        m2 = neg_inf
        for e in range(N_EXPERTS):
            m2 = jnp.maximum(m2, jnp.where(i1 == e, neg_inf, cols[e]))
        i2 = zero_i
        for e in range(N_EXPERTS - 1, -1, -1):
            i2 = jnp.where((cols[e] == m2) & (i1 != e), e, i2)
        t2 = jnp.exp(m2 - m1)
        denom = t2 + 1.0
        w1 = 1.0 / denom
        w2 = t2 / denom
        for e in range(N_EXPERTS):
            col = jnp.where(i1 == e, w1, jnp.where(i2 == e, w2, zero_f))
            plsc.store_scatter(out_v, [rbase + e], col)
        rows2 = rows * 2
        plsc.store_scatter(idx_v, [rows2], i1)
        plsc.store_scatter(idx_v, [rows2 + 1], i2)
        return carry

    lax.fori_loop(0, _TILES_PER_W, tile, 0, unroll=False)

    pltpu.sync_copy(out_v, out_hbm.at[pl.ds(base * N_EXPERTS, _ROWS_PER_W * N_EXPERTS)])
    pltpu.sync_copy(idx_v, idx_hbm.at[pl.ds(base * 2, _ROWS_PER_W * 2)])


_route_call = pl.kernel(
    _route_body,
    out_type=(
        jax.ShapeDtypeStruct((CHUNK * N_EXPERTS,), jnp.float32),
        jax.ShapeDtypeStruct((CHUNK * 2,), jnp.int32),
    ),
    mesh=plsc.VectorSubcoreMesh(core_axis_name="c", subcore_axis_name="s"),
    compiler_params=pltpu.CompilerParams(needs_layout_passes=False),
    scratch_types=[
        pltpu.VMEM((_ROWS_PER_W * N_EXPERTS,), jnp.float32),
        pltpu.VMEM((_ROWS_PER_W * N_EXPERTS,), jnp.float32),
        pltpu.VMEM((_ROWS_PER_W * 2,), jnp.int32),
    ],
)


def kernel(mh_output, W, b):
    b2 = b.reshape(1, N_EXPERTS)
    outs = []
    for c in range(N_CHUNKS):
        logits = _logits_calls[c](mh_output, W, b2)
        outs.append(_route_call(logits.reshape(-1)))
    router = jnp.concatenate(
        [o[0].reshape(CHUNK, N_EXPERTS) for o in outs], axis=0)
    indices = jnp.concatenate(
        [o[1].reshape(CHUNK, 2) for o in outs], axis=0)
    return router, indices

# --- scband reference (transcript-rebuilt; emitter-appended) ---
"""Pipeline reference for scband-topk-router-16226386444875 (READ-ONLY COPY).

The authoritative reference and input builder live on the scoring server;
editing this copy changes nothing except your own understanding.
"""

import jax, jax.numpy as jnp
import numpy as np

TOP_K = 2

def setup_inputs(seed: int = 0) -> dict:
    key = jax.random.key(seed)
    k1, k2, k3 = jax.random.split(key, 3)
    mh_output = jax.random.normal(k1, (16384, 2048), dtype=jnp.float32)
    # nn.Linear(n_embed=2048, num_experts=16): weight [16, 2048], bias [16]
    bound = 1.0 / np.sqrt(2048.0)
    W = jax.random.uniform(k2, (16, 2048), dtype=jnp.float32, minval=-bound, maxval=bound)
    b = jax.random.uniform(k3, (16,), dtype=jnp.float32, minval=-bound, maxval=bound)
    return {"mh_output": mh_output, "W": W, "b": b}

def reference(mh_output, W, b):
    # logits = self.linear(mh_output)
    logits = mh_output @ W.T + b
    # top_k_logits, indices = logits.topk(self.top_k, dim=-1)
    top_k_logits, indices = jax.lax.top_k(logits, TOP_K)
    # zeros = torch.full_like(logits, -inf); sparse = zeros.scatter(-1, indices, top_k_logits)
    rows = jnp.arange(logits.shape[0])[:, None]
    sparse_logits = jnp.full_like(logits, -jnp.inf).at[rows, indices].set(top_k_logits)
    # router_output = F.softmax(sparse_logits, dim=-1)
    router_output = jax.nn.softmax(sparse_logits, axis=-1)
    return (router_output, indices)

if __name__ == "__main__":
    import jax
    _d = setup_inputs()
    print(jax.jit(kernel)(*tuple(_d.values())))

</pallas_src>

<mosaic_0001>
#map = affine_map<(d0, d1) -> (0)>
module attributes {stable_mosaic.version = 14 : i64} {
  func.func @_route_body(%arg0: i32, %arg1: i32, %arg2: memref<131072xf32, #tpu.memory_space<hbm>>, %arg3: memref<131072xf32, #tpu.memory_space<hbm>>, %arg4: memref<16384xi32, #tpu.memory_space<hbm>>, %arg5: memref<4096xf32, #tpu.memory_space<vmem>>, %arg6: memref<4096xf32, #tpu.memory_space<vmem>>, %arg7: memref<512xi32, #tpu.memory_space<vmem>>) attributes {dimension_semantics = [#tpu.dimension_semantics<core_parallel>, #tpu.dimension_semantics<subcore_parallel>], iteration_bounds = array<i64: 2, 16>, scalar_prefetch = 0 : i64, scratch_operands = 3 : i64, tpu.core_type = #tpu.core_type<sc_vector_subcore>, window_params = [{transform_indices = #map}, {transform_indices = #map}, {transform_indices = #map}]} {
    %mul3A = arith.constant 2 : i32
    %mul3A_0 = arith.muli %arg1, %mul3A : i32
    %add3A = arith.addi %mul3A_0, %arg0 : i32
    %mul3A_1 = arith.constant 256 : i32
    %mul3A_2 = arith.muli %add3A, %mul3A_1 : i32
    %mul3A_3 = arith.constant 16 : i32
    %mul3A_4 = arith.muli %mul3A_2, %mul3A_3 : i32
    "tpu.region"() ({
      %run_scoped3A = tpu.sem_alloc : memref<!tpu.dma_semaphore, #tpu.memory_space<semaphore_mem>>
      %dma_start3A = tpu.memref_slice %arg2[%mul3A_4] : memref<131072xf32, #tpu.memory_space<hbm>> -> memref<4096xf32, #tpu.memory_space<hbm>>
      %dma_start3A_19 = tpu.memref_slice %arg2[%mul3A_4] : memref<131072xf32, #tpu.memory_space<hbm>> -> memref<4096xf32, #tpu.memory_space<hbm>>
      tpu.enqueue_dma source(%dma_start3A_19 : memref<4096xf32, #tpu.memory_space<hbm>>) target(%arg5 : memref<4096xf32, #tpu.memory_space<vmem>>) target_semaphore(%run_scoped3A : memref<!tpu.dma_semaphore, #tpu.memory_space<semaphore_mem>>)
      %dma_wait3A = tpu.memref_slice %arg2[%mul3A_4] : memref<131072xf32, #tpu.memory_space<hbm>> -> memref<4096xf32, #tpu.memory_space<hbm>>
      %dma_wait3A_20 = tpu.memref_slice %arg2[%mul3A_4] : memref<131072xf32, #tpu.memory_space<hbm>> -> memref<4096xf32, #tpu.memory_space<hbm>>
      tpu.wait_dma2 semaphore(%run_scoped3A : memref<!tpu.dma_semaphore, #tpu.memory_space<semaphore_mem>>) src(%dma_wait3A_20 : memref<4096xf32, #tpu.memory_space<hbm>>) dst(%arg5 : memref<4096xf32, #tpu.memory_space<vmem>>)
      tpu.yield
    }) : () -> ()
    %iota3A = tpu.iota {dimensions = array<i32: 0>} : vector<16xi32>
    %broadcast_in_dim3A = arith.constant 0 : i32
    %broadcast_in_dim3A_5 = vector.broadcast %broadcast_in_dim3A : i32 to vector<16xi32>
    %broadcast_in_dim3A_6 = arith.constant 0.000000e+00 : f32
    %broadcast_in_dim3A_7 = vector.broadcast %broadcast_in_dim3A_6 : f32 to vector<16xf32>
    %broadcast_in_dim3A_8 = arith.constant 0xFF800000 : f32
    %broadcast_in_dim3A_9 = vector.broadcast %broadcast_in_dim3A_8 : f32 to vector<16xf32>
    %scan3A = arith.constant 0 : i32
    %scan3A_10 = arith.constant 0 : i32
    %scan3A_11 = arith.constant 16 : i32
    %scan3A_12 = arith.addi %scan3A_10, %scan3A_11 : i32
    %scan3A_13 = arith.constant 1 : i32
    scf.for %scan3A_19 = %scan3A_10 to %scan3A_12 step %scan3A_13  : i32 {
      %mul3A_20 = arith.constant 16 : i32
      %mul3A_21 = arith.muli %scan3A_19, %mul3A_20 : i32
      %add3A_22 = vector.broadcast %mul3A_21 : i32 to vector<16xi32>
      %add3A_23 = arith.addi %add3A_22, %iota3A : vector<16xi32>
      %mul3A_24 = arith.constant 16 : i32
      %mul3A_25 = vector.broadcast %mul3A_24 : i32 to vector<16xi32>
      %mul3A_26 = arith.muli %add3A_23, %mul3A_25 : vector<16xi32>
      %add3A_27 = arith.constant 0 : i32
      %add3A_28 = vector.broadcast %add3A_27 : i32 to vector<16xi32>
      %add3A_29 = arith.addi %mul3A_26, %add3A_28 : vector<16xi32>
      %gather3A = tpu.vector_load_idx %arg5[%add3A_29] : memref<4096xf32, #tpu.memory_space<vmem>>[vector<16xi32>], vector<16xf32>,
      %add3A_30 = arith.constant 1 : i32
      %add3A_31 = vector.broadcast %add3A_30 : i32 to vector<16xi32>
      %add3A_32 = arith.addi %mul3A_26, %add3A_31 : vector<16xi32>
      %gather3A_33 = tpu.vector_load_idx %arg5[%add3A_32] : memref<4096xf32, #tpu.memory_space<vmem>>[vector<16xi32>], vector<16xf32>,
      %add3A_34 = arith.constant 2 : i32
      %add3A_35 = vector.broadcast %add3A_34 : i32 to vector<16xi32>
      %add3A_36 = arith.addi %mul3A_26, %add3A_35 : vector<16xi32>
      %gather3A_37 = tpu.vector_load_idx %arg5[%add3A_36] : memref<4096xf32, #tpu.memory_space<vmem>>[vector<16xi32>], vector<16xf32>,
      %add3A_38 = arith.constant 3 : i32
      %add3A_39 = vector.broadcast %add3A_38 : i32 to vector<16xi32>
      %add3A_40 = arith.addi %mul3A_26, %add3A_39 : vector<16xi32>
      %gather3A_41 = tpu.vector_load_idx %arg5[%add3A_40] : memref<4096xf32, #tpu.memory_space<vmem>>[vector<16xi32>], vector<16xf32>,
      %add3A_42 = arith.constant 4 : i32
      %add3A_43 = vector.broadcast %add3A_42 : i32 to vector<16xi32>
      %add3A_44 = arith.addi %mul3A_26, %add3A_43 : vector<16xi32>
      %gather3A_45 = tpu.vector_load_idx %arg5[%add3A_44] : memref<4096xf32, #tpu.memory_space<vmem>>[vector<16xi32>], vector<16xf32>,
      %add3A_46 = arith.constant 5 : i32
      %add3A_47 = vector.broadcast %add3A_46 : i32 to vector<16xi32>
      %add3A_48 = arith.addi %mul3A_26, %add3A_47 : vector<16xi32>
      %gather3A_49 = tpu.vector_load_idx %arg5[%add3A_48] : memref<4096xf32, #tpu.memory_space<vmem>>[vector<16xi32>], vector<16xf32>,
      %add3A_50 = arith.constant 6 : i32
      %add3A_51 = vector.broadcast %add3A_50 : i32 to vector<16xi32>
      %add3A_52 = arith.addi %mul3A_26, %add3A_51 : vector<16xi32>
      %gather3A_53 = tpu.vector_load_idx %arg5[%add3A_52] : memref<4096xf32, #tpu.memory_space<vmem>>[vector<16xi32>], vector<16xf32>,
      %add3A_54 = arith.constant 7 : i32
      %add3A_55 = vector.broadcast %add3A_54 : i32 to vector<16xi32>
      %add3A_56 = arith.addi %mul3A_26, %add3A_55 : vector<16xi32>
      %gather3A_57 = tpu.vector_load_idx %arg5[%add3A_56] : memref<4096xf32, #tpu.memory_space<vmem>>[vector<16xi32>], vector<16xf32>,
      %add3A_58 = arith.constant 8 : i32
      %add3A_59 = vector.broadcast %add3A_58 : i32 to vector<16xi32>
      %add3A_60 = arith.addi %mul3A_26, %add3A_59 : vector<16xi32>
      %gather3A_61 = tpu.vector_load_idx %arg5[%add3A_60] : memref<4096xf32, #tpu.memory_space<vmem>>[vector<16xi32>], vector<16xf32>,
      %add3A_62 = arith.constant 9 : i32
      %add3A_63 = vector.broadcast %add3A_62 : i32 to vector<16xi32>
      %add3A_64 = arith.addi %mul3A_26, %add3A_63 : vector<16xi32>
      %gather3A_65 = tpu.vector_load_idx %arg5[%add3A_64] : memref<4096xf32, #tpu.memory_space<vmem>>[vector<16xi32>], vector<16xf32>,
      %add3A_66 = arith.constant 10 : i32
      %add3A_67 = vector.broadcast %add3A_66 : i32 to vector<16xi32>
      %add3A_68 = arith.addi %mul3A_26, %add3A_67 : vector<16xi32>
      %gather3A_69 = tpu.vector_load_idx %arg5[%add3A_68] : memref<4096xf32, #tpu.memory_space<vmem>>[vector<16xi32>], vector<16xf32>,
      %add3A_70 = arith.constant 11 : i32
      %add3A_71 = vector.broadcast %add3A_70 : i32 to vector<16xi32>
      %add3A_72 = arith.addi %mul3A_26, %add3A_71 : vector<16xi32>
      %gather3A_73 = tpu.vector_load_idx %arg5[%add3A_72] : memref<4096xf32, #tpu.memory_space<vmem>>[vector<16xi32>], vector<16xf32>,
      %add3A_74 = arith.constant 12 : i32
      %add3A_75 = vector.broadcast %add3A_74 : i32 to vector<16xi32>
      %add3A_76 = arith.addi %mul3A_26, %add3A_75 : vector<16xi32>
      %gather3A_77 = tpu.vector_load_idx %arg5[%add3A_76] : memref<4096xf32, #tpu.memory_space<vmem>>[vector<16xi32>], vector<16xf32>,
      %add3A_78 = arith.constant 13 : i32
      %add3A_79 = vector.broadcast %add3A_78 : i32 to vector<16xi32>
      %add3A_80 = arith.addi %mul3A_26, %add3A_79 : vector<16xi32>
      %gather3A_81 = tpu.vector_load_idx %arg5[%add3A_80] : memref<4096xf32, #tpu.memory_space<vmem>>[vector<16xi32>], vector<16xf32>,
      %add3A_82 = arith.constant 14 : i32
      %add3A_83 = vector.broadcast %add3A_82 : i32 to vector<16xi32>
      %add3A_84 = arith.addi %mul3A_26, %add3A_83 : vector<16xi32>
      %gather3A_85 = tpu.vector_load_idx %arg5[%add3A_84] : memref<4096xf32, #tpu.memory_space<vmem>>[vector<16xi32>], vector<16xf32>,
      %add3A_86 = arith.constant 15 : i32
      %add3A_87 = vector.broadcast %add3A_86 : i32 to vector<16xi32>
      %add3A_88 = arith.addi %mul3A_26, %add3A_87 : vector<16xi32>
      %gather3A_89 = tpu.vector_load_idx %arg5[%add3A_88] : memref<4096xf32, #tpu.memory_space<vmem>>[vector<16xi32>], vector<16xf32>,
      %max3A = arith.maximumf %gather3A, %gather3A_33 : vector<16xf32>
      %max3A_90 = arith.maximumf %max3A, %gather3A_37 : vector<16xf32>
      %max3A_91 = arith.maximumf %max3A_90, %gather3A_41 : vector<16xf32>
      %max3A_92 = arith.maximumf %max3A_91, %gather3A_45 : vector<16xf32>
      %max3A_93 = arith.maximumf %max3A_92, %gather3A_49 : vector<16xf32>
      %max3A_94 = arith.maximumf %max3A_93, %gather3A_53 : vector<16xf32>
      %max3A_95 = arith.maximumf %max3A_94, %gather3A_57 : vector<16xf32>
      %max3A_96 = arith.maximumf %max3A_95, %gather3A_61 : vector<16xf32>
      %max3A_97 = arith.maximumf %max3A_96, %gather3A_65 : vector<16xf32>
      %max3A_98 = arith.maximumf %max3A_97, %gather3A_69 : vector<16xf32>
      %max3A_99 = arith.maximumf %max3A_98, %gather3A_73 : vector<16xf32>
      %max3A_100 = arith.maximumf %max3A_99, %gather3A_77 : vector<16xf32>
      %max3A_101 = arith.maximumf %max3A_100, %gather3A_81 : vector<16xf32>
      %max3A_102 = arith.maximumf %max3A_101, %gather3A_85 : vector<16xf32>
      %max3A_103 = arith.maximumf %max3A_102, %gather3A_89 : vector<16xf32>
      %eq3A = arith.cmpf oeq, %gather3A_89, %max3A_103 : vector<16xf32>
      %jit3A = arith.constant 15 : i32
      %broadcast_in_dim3A_104 = vector.broadcast %jit3A : i32 to vector<16xi32>
      %select_n3A = arith.select %eq3A, %broadcast_in_dim3A_104, %broadcast_in_dim3A_5 : vector<16xi1>, vector<16xi32>
      %eq3A_105 = arith.cmpf oeq, %gather3A_85, %max3A_103 : vector<16xf32>
      %jit3A_106 = arith.constant 14 : i32
      %broadcast_in_dim3A_107 = vector.broadcast %jit3A_106 : i32 to vector<16xi32>
      %select_n3A_108 = arith.select %eq3A_105, %broadcast_in_dim3A_107, %select_n3A : vector<16xi1>, vector<16xi32>
      %eq3A_109 = arith.cmpf oeq, %gather3A_81, %max3A_103 : vector<16xf32>
      %jit3A_110 = arith.constant 13 : i32
      %broadcast_in_dim3A_111 = vector.broadcast %jit3A_110 : i32 to vector<16xi32>
      %select_n3A_112 = arith.select %eq3A_109, %broadcast_in_dim3A_111, %select_n3A_108 : vector<16xi1>, vector<16xi32>
      %eq3A_113 = arith.cmpf oeq, %gather3A_77, %max3A_103 : vector<16xf32>
      %jit3A_114 = arith.constant 12 : i32
      %broadcast_in_dim3A_115 = vector.broadcast %jit3A_114 : i32 to vector<16xi32>
      %select_n3A_116 = arith.select %eq3A_113, %broadcast_in_dim3A_115, %select_n3A_112 : vector<16xi1>, vector<16xi32>
      %eq3A_117 = arith.cmpf oeq, %gather3A_73, %max3A_103 : vector<16xf32>
      %jit3A_118 = arith.constant 11 : i32
      %broadcast_in_dim3A_119 = vector.broadcast %jit3A_118 : i32 to vector<16xi32>
      %select_n3A_120 = arith.select %eq3A_117, %broadcast_in_dim3A_119, %select_n3A_116 : vector<16xi1>, vector<16xi32>
      %eq3A_121 = arith.cmpf oeq, %gather3A_69, %max3A_103 : vector<16xf32>
      %jit3A_122 = arith.constant 10 : i32
      %broadcast_in_dim3A_123 = vector.broadcast %jit3A_122 : i32 to vector<16xi32>
      %select_n3A_124 = arith.select %eq3A_121, %broadcast_in_dim3A_123, %select_n3A_120 : vector<16xi1>, vector<16xi32>
      %eq3A_125 = arith.cmpf oeq, %gather3A_65, %max3A_103 : vector<16xf32>
      %jit3A_126 = arith.constant 9 : i32
      %broadcast_in_dim3A_127 = vector.broadcast %jit3A_126 : i32 to vector<16xi32>
      %select_n3A_128 = arith.select %eq3A_125, %broadcast_in_dim3A_127, %select_n3A_124 : vector<16xi1>, vector<16xi32>
      %eq3A_129 = arith.cmpf oeq, %gather3A_61, %max3A_103 : vector<16xf32>
      %jit3A_130 = arith.constant 8 : i32
      %broadcast_in_dim3A_131 = vector.broadcast %jit3A_130 : i32 to vector<16xi32>
      %select_n3A_132 = arith.select %eq3A_129, %broadcast_in_dim3A_131, %select_n3A_128 : vector<16xi1>, vector<16xi32>
      %eq3A_133 = arith.cmpf oeq, %gather3A_57, %max3A_103 : vector<16xf32>
      %jit3A_134 = arith.constant 7 : i32
      %broadcast_in_dim3A_135 = vector.broadcast %jit3A_134 : i32 to vector<16xi32>
      %select_n3A_136 = arith.select %eq3A_133, %broadcast_in_dim3A_135, %select_n3A_132 : vector<16xi1>, vector<16xi32>
      %eq3A_137 = arith.cmpf oeq, %gather3A_53, %max3A_103 : vector<16xf32>
      %jit3A_138 = arith.constant 6 : i32
      %broadcast_in_dim3A_139 = vector.broadcast %jit3A_138 : i32 to vector<16xi32>
      %select_n3A_140 = arith.select %eq3A_137, %broadcast_in_dim3A_139, %select_n3A_136 : vector<16xi1>, vector<16xi32>
      %eq3A_141 = arith.cmpf oeq, %gather3A_49, %max3A_103 : vector<16xf32>
      %jit3A_142 = arith.constant 5 : i32
      %broadcast_in_dim3A_143 = vector.broadcast %jit3A_142 : i32 to vector<16xi32>
      %select_n3A_144 = arith.select %eq3A_141, %broadcast_in_dim3A_143, %select_n3A_140 : vector<16xi1>, vector<16xi32>
      %eq3A_145 = arith.cmpf oeq, %gather3A_45, %max3A_103 : vector<16xf32>
      %jit3A_146 = arith.constant 4 : i32
      %broadcast_in_dim3A_147 = vector.broadcast %jit3A_146 : i32 to vector<16xi32>
      %select_n3A_148 = arith.select %eq3A_145, %broadcast_in_dim3A_147, %select_n3A_144 : vector<16xi1>, vector<16xi32>
      %eq3A_149 = arith.cmpf oeq, %gather3A_41, %max3A_103 : vector<16xf32>
      %jit3A_150 = arith.constant 3 : i32
      %broadcast_in_dim3A_151 = vector.broadcast %jit3A_150 : i32 to vector<16xi32>
      %select_n3A_152 = arith.select %eq3A_149, %broadcast_in_dim3A_151, %select_n3A_148 : vector<16xi1>, vector<16xi32>
      %eq3A_153 = arith.cmpf oeq, %gather3A_37, %max3A_103 : vector<16xf32>
      %jit3A_154 = arith.constant 2 : i32
      %broadcast_in_dim3A_155 = vector.broadcast %jit3A_154 : i32 to vector<16xi32>
      %select_n3A_156 = arith.select %eq3A_153, %broadcast_in_dim3A_155, %select_n3A_152 : vector<16xi1>, vector<16xi32>
      %eq3A_157 = arith.cmpf oeq, %gather3A_33, %max3A_103 : vector<16xf32>
      %jit3A_158 = arith.constant 1 : i32
      %broadcast_in_dim3A_159 = vector.broadcast %jit3A_158 : i32 to vector<16xi32>
      %select_n3A_160 = arith.select %eq3A_157, %broadcast_in_dim3A_159, %select_n3A_156 : vector<16xi1>, vector<16xi32>
      %eq3A_161 = arith.cmpf oeq, %gather3A, %max3A_103 : vector<16xf32>
      %jit3A_162 = arith.constant 0 : i32
      %broadcast_in_dim3A_163 = vector.broadcast %jit3A_162 : i32 to vector<16xi32>
      %select_n3A_164 = arith.select %eq3A_161, %broadcast_in_dim3A_163, %select_n3A_160 : vector<16xi1>, vector<16xi32>
      %eq3A_165 = arith.constant 0 : i32
      %eq3A_166 = vector.broadcast %eq3A_165 : i32 to vector<16xi32>
      %eq3A_167 = arith.cmpi eq, %select_n3A_164, %eq3A_166 : vector<16xi32>
      %select_n3A_168 = arith.select %eq3A_167, %broadcast_in_dim3A_9, %gather3A : vector<16xi1>, vector<16xf32>
      %max3A_169 = arith.maximumf %broadcast_in_dim3A_9, %select_n3A_168 : vector<16xf32>
      %eq3A_170 = arith.constant 1 : i32
      %eq3A_171 = vector.broadcast %eq3A_170 : i32 to vector<16xi32>
      %eq3A_172 = arith.cmpi eq, %select_n3A_164, %eq3A_171 : vector<16xi32>
      %select_n3A_173 = arith.select %eq3A_172, %broadcast_in_dim3A_9, %gather3A_33 : vector<16xi1>, vector<16xf32>
      %max3A_174 = arith.maximumf %max3A_169, %select_n3A_173 : vector<16xf32>
      %eq3A_175 = arith.constant 2 : i32
      %eq3A_176 = vector.broadcast %eq3A_175 : i32 to vector<16xi32>
      %eq3A_177 = arith.cmpi eq, %select_n3A_164, %eq3A_176 : vector<16xi32>
      %select_n3A_178 = arith.select %eq3A_177, %broadcast_in_dim3A_9, %gather3A_37 : vector<16xi1>, vector<16xf32>
      %max3A_179 = arith.maximumf %max3A_174, %select_n3A_178 : vector<16xf32>
      %eq3A_180 = arith.constant 3 : i32
      %eq3A_181 = vector.broadcast %eq3A_180 : i32 to vector<16xi32>
      %eq3A_182 = arith.cmpi eq, %select_n3A_164, %eq3A_181 : vector<16xi32>
      %select_n3A_183 = arith.select %eq3A_182, %broadcast_in_dim3A_9, %gather3A_41 : vector<16xi1>, vector<16xf32>
      %max3A_184 = arith.maximumf %max3A_179, %select_n3A_183 : vector<16xf32>
      %eq3A_185 = arith.constant 4 : i32
      %eq3A_186 = vector.broadcast %eq3A_185 : i32 to vector<16xi32>
      %eq3A_187 = arith.cmpi eq, %select_n3A_164, %eq3A_186 : vector<16xi32>
      %select_n3A_188 = arith.select %eq3A_187, %broadcast_in_dim3A_9, %gather3A_45 : vector<16xi1>, vector<16xf32>
      %max3A_189 = arith.maximumf %max3A_184, %select_n3A_188 : vector<16xf32>
      %eq3A_190 = arith.constant 5 : i32
      %eq3A_191 = vector.broadcast %eq3A_190 : i32 to vector<16xi32>
      %eq3A_192 = arith.cmpi eq, %select_n3A_164, %eq3A_191 : vector<16xi32>
      %select_n3A_193 = arith.select %eq3A_192, %broadcast_in_dim3A_9, %gather3A_49 : vector<16xi1>, vector<16xf32>
      %max3A_194 = arith.maximumf %max3A_189, %select_n3A_193 : vector<16xf32>
      %eq3A_195 = arith.constant 6 : i32
      %eq3A_196 = vector.broadcast %eq3A_195 : i32 to vector<16xi32>
      %eq3A_197 = arith.cmpi eq, %select_n3A_164, %eq3A_196 : vector<16xi32>
      %select_n3A_198 = arith.select %eq3A_197, %broadcast_in_dim3A_9, %gather3A_53 : vector<16xi1>, vector<16xf32>
      %max3A_199 = arith.maximumf %max3A_194, %select_n3A_198 : vector<16xf32>
      %eq3A_200 = arith.constant 7 : i32
      %eq3A_201 = vector.broadcast %eq3A_200 : i32 to vector<16xi32>
      %eq3A_202 = arith.cmpi eq, %select_n3A_164, %eq3A_201 : vector<16xi32>
      %select_n3A_203 = arith.select %eq3A_202, %broadcast_in_dim3A_9, %gather3A_57 : vector<16xi1>, vector<16xf32>
      %max3A_204 = arith.maximumf %max3A_199, %select_n3A_203 : vector<16xf32>
      %eq3A_205 = arith.constant 8 : i32
      %eq3A_206 = vector.broadcast %eq3A_205 : i32 to vector<16xi32>
      %eq3A_207 = arith.cmpi eq, %select_n3A_164, %eq3A_206 : vector<16xi32>
      %select_n3A_208 = arith.select %eq3A_207, %broadcast_in_dim3A_9, %gather3A_61 : vector<16xi1>, vector<16xf32>
      %max3A_209 = arith.maximumf %max3A_204, %select_n3A_208 : vector<16xf32>
      %eq3A_210 = arith.constant 9 : i32
      %eq3A_211 = vector.broadcast %eq3A_210 : i32 to vector<16xi32>
      %eq3A_212 = arith.cmpi eq, %select_n3A_164, %eq3A_211 : vector<16xi32>
      %select_n3A_213 = arith.select %eq3A_212, %broadcast_in_dim3A_9, %gather3A_65 : vector<16xi1>, vector<16xf32>
      %max3A_214 = arith.maximumf %max3A_209, %select_n3A_213 : vector<16xf32>
      %eq3A_215 = arith.constant 10 : i32
      %eq3A_216 = vector.broadcast %eq3A_215 : i32 to vector<16xi32>
      %eq3A_217 = arith.cmpi eq, %select_n3A_164, %eq3A_216 : vector<16xi32>
      %select_n3A_218 = arith.select %eq3A_217, %broadcast_in_dim3A_9, %gather3A_69 : vector<16xi1>, vector<16xf32>
      %max3A_219 = arith.maximumf %max3A_214, %select_n3A_218 : vector<16xf32>
      %eq3A_220 = arith.constant 11 : i32
      %eq3A_221 = vector.broadcast %eq3A_220 : i32 to vector<16xi32>
      %eq3A_222 = arith.cmpi eq, %select_n3A_164, %eq3A_221 : vector<16xi32>
      %select_n3A_223 = arith.select %eq3A_222, %broadcast_in_dim3A_9, %gather3A_73 : vector<16xi1>, vector<16xf32>
      %max3A_224 = arith.maximumf %max3A_219, %select_n3A_223 : vector<16xf32>
      %eq3A_225 = arith.constant 12 : i32
      %eq3A_226 = vector.broadcast %eq3A_225 : i32 to vector<16xi32>
      %eq3A_227 = arith.cmpi eq, %select_n3A_164, %eq3A_226 : vector<16xi32>
      %select_n3A_228 = arith.select %eq3A_227, %broadcast_in_dim3A_9, %gather3A_77 : vector<16xi1>, vector<16xf32>
      %max3A_229 = arith.maximumf %max3A_224, %select_n3A_228 : vector<16xf32>
      %eq3A_230 = arith.constant 13 : i32
      %eq3A_231 = vector.broadcast %eq3A_230 : i32 to vector<16xi32>
      %eq3A_232 = arith.cmpi eq, %select_n3A_164, %eq3A_231 : vector<16xi32>
      %select_n3A_233 = arith.select %eq3A_232, %broadcast_in_dim3A_9, %gather3A_81 : vector<16xi1>, vector<16xf32>
      %max3A_234 = arith.maximumf %max3A_229, %select_n3A_233 : vector<16xf32>
      %eq3A_235 = arith.constant 14 : i32
      %eq3A_236 = vector.broadcast %eq3A_235 : i32 to vector<16xi32>
      %eq3A_237 = arith.cmpi eq, %select_n3A_164, %eq3A_236 : vector<16xi32>
      %select_n3A_238 = arith.select %eq3A_237, %broadcast_in_dim3A_9, %gather3A_85 : vector<16xi1>, vector<16xf32>
      %max3A_239 = arith.maximumf %max3A_234, %select_n3A_238 : vector<16xf32>
      %eq3A_240 = arith.constant 15 : i32
      %eq3A_241 = vector.broadcast %eq3A_240 : i32 to vector<16xi32>
      %eq3A_242 = arith.cmpi eq, %select_n3A_164, %eq3A_241 : vector<16xi32>
      %select_n3A_243 = arith.select %eq3A_242, %broadcast_in_dim3A_9, %gather3A_89 : vector<16xi1>, vector<16xf32>
      %max3A_244 = arith.maximumf %max3A_239, %select_n3A_243 : vector<16xf32>
      %eq3A_245 = arith.cmpf oeq, %gather3A_89, %max3A_244 : vector<16xf32>
      %ne3A = arith.constant 15 : i32
      %ne3A_246 = vector.broadcast %ne3A : i32 to vector<16xi32>
      %ne3A_247 = arith.cmpi ne, %select_n3A_164, %ne3A_246 : vector<16xi32>
      %and3A = arith.andi %eq3A_245, %ne3A_247 : vector<16xi1>
      %jit3A_248 = arith.constant 15 : i32
      %broadcast_in_dim3A_249 = vector.broadcast %jit3A_248 : i32 to vector<16xi32>
      %select_n3A_250 = arith.select %and3A, %broadcast_in_dim3A_249, %broadcast_in_dim3A_5 : vector<16xi1>, vector<16xi32>
      %eq3A_251 = arith.cmpf oeq, %gather3A_85, %max3A_244 : vector<16xf32>
      %ne3A_252 = arith.constant 14 : i32
      %ne3A_253 = vector.broadcast %ne3A_252 : i32 to vector<16xi32>
      %ne3A_254 = arith.cmpi ne, %select_n3A_164, %ne3A_253 : vector<16xi32>
      %and3A_255 = arith.andi %eq3A_251, %ne3A_254 : vector<16xi1>
      %jit3A_256 = arith.constant 14 : i32
      %broadcast_in_dim3A_257 = vector.broadcast %jit3A_256 : i32 to vector<16xi32>
      %select_n3A_258 = arith.select %and3A_255, %broadcast_in_dim3A_257, %select_n3A_250 : vector<16xi1>, vector<16xi32>
      %eq3A_259 = arith.cmpf oeq, %gather3A_81, %max3A_244 : vector<16xf32>
      %ne3A_260 = arith.constant 13 : i32
      %ne3A_261 = vector.broadcast %ne3A_260 : i32 to vector<16xi32>
      %ne3A_262 = arith.cmpi ne, %select_n3A_164, %ne3A_261 : vector<16xi32>
      %and3A_263 = arith.andi %eq3A_259, %ne3A_262 : vector<16xi1>
      %jit3A_264 = arith.constant 13 : i32
      %broadcast_in_dim3A_265 = vector.broadcast %jit3A_264 : i32 to vector<16xi32>
      %select_n3A_266 = arith.select %and3A_263, %broadcast_in_dim3A_265, %select_n3A_258 : vector<16xi1>, vector<16xi32>
      %eq3A_267 = arith.cmpf oeq, %gather3A_77, %max3A_244 : vector<16xf32>
      %ne3A_268 = arith.constant 12 : i32
      %ne3A_269 = vector.broadcast %ne3A_268 : i32 to vector<16xi32>
      %ne3A_270 = arith.cmpi ne, %select_n3A_164, %ne3A_269 : vector<16xi32>
      %and3A_271 = arith.andi %eq3A_267, %ne3A_270 : vector<16xi1>
      %jit3A_272 = arith.constant 12 : i32
      %broadcast_in_dim3A_273 = vector.broadcast %jit3A_272 : i32 to vector<16xi32>
      %select_n3A_274 = arith.select %and3A_271, %broadcast_in_dim3A_273, %select_n3A_266 : vector<16xi1>, vector<16xi32>
      %eq3A_275 = arith.cmpf oeq, %gather3A_73, %max3A_244 : vector<16xf32>
      %ne3A_276 = arith.constant 11 : i32
      %ne3A_277 = vector.broadcast %ne3A_276 : i32 to vector<16xi32>
      %ne3A_278 = arith.cmpi ne, %select_n3A_164, %ne3A_277 : vector<16xi32>
      %and3A_279 = arith.andi %eq3A_275, %ne3A_278 : vector<16xi1>
      %jit3A_280 = arith.constant 11 : i32
      %broadcast_in_dim3A_281 = vector.broadcast %jit3A_280 : i32 to vector<16xi32>
      %select_n3A_282 = arith.select %and3A_279, %broadcast_in_dim3A_281, %select_n3A_274 : vector<16xi1>, vector<16xi32>
      %eq3A_283 = arith.cmpf oeq, %gather3A_69, %max3A_244 : vector<16xf32>
      %ne3A_284 = arith.constant 10 : i32
      %ne3A_285 = vector.broadcast %ne3A_284 : i32 to vector<16xi32>
      %ne3A_286 = arith.cmpi ne, %select_n3A_164, %ne3A_285 : vector<16xi32>
      %and3A_287 = arith.andi %eq3A_283, %ne3A_286 : vector<16xi1>
      %jit3A_288 = arith.constant 10 : i32
      %broadcast_in_dim3A_289 = vector.broadcast %jit3A_288 : i32 to vector<16xi32>
      %select_n3A_290 = arith.select %and3A_287, %broadcast_in_dim3A_289, %select_n3A_282 : vector<16xi1>, vector<16xi32>
      %eq3A_291 = arith.cmpf oeq, %gather3A_65, %max3A_244 : vector<16xf32>
      %ne3A_292 = arith.constant 9 : i32
      %ne3A_293 = vector.broadcast %ne3A_292 : i32 to vector<16xi32>
      %ne3A_294 = arith.cmpi ne, %select_n3A_164, %ne3A_293 : vector<16xi32>
      %and3A_295 = arith.andi %eq3A_291, %ne3A_294 : vector<16xi1>
      %jit3A_296 = arith.constant 9 : i32
      %broadcast_in_dim3A_297 = vector.broadcast %jit3A_296 : i32 to vector<16xi32>
      %select_n3A_298 = arith.select %and3A_295, %broadcast_in_dim3A_297, %select_n3A_290 : vector<16xi1>, vector<16xi32>
      %eq3A_299 = arith.cmpf oeq, %gather3A_61, %max3A_244 : vector<16xf32>
      %ne3A_300 = arith.constant 8 : i32
      %ne3A_301 = vector.broadcast %ne3A_300 : i32 to vector<16xi32>
      %ne3A_302 = arith.cmpi ne, %select_n3A_164, %ne3A_301 : vector<16xi32>
      %and3A_303 = arith.andi %eq3A_299, %ne3A_302 : vector<16xi1>
      %jit3A_304 = arith.constant 8 : i32
      %broadcast_in_dim3A_305 = vector.broadcast %jit3A_304 : i32 to vector<16xi32>
      %select_n3A_306 = arith.select %and3A_303, %broadcast_in_dim3A_305, %select_n3A_298 : vector<16xi1>, vector<16xi32>
      %eq3A_307 = arith.cmpf oeq, %gather3A_57, %max3A_244 : vector<16xf32>
      %ne3A_308 = arith.constant 7 : i32
      %ne3A_309 = vector.broadcast %ne3A_308 : i32 to vector<16xi32>
      %ne3A_310 = arith.cmpi ne, %select_n3A_164, %ne3A_309 : vector<16xi32>
      %and3A_311 = arith.andi %eq3A_307, %ne3A_310 : vector<16xi1>
      %jit3A_312 = arith.constant 7 : i32
      %broadcast_in_dim3A_313 = vector.broadcast %jit3A_312 : i32 to vector<16xi32>
      %select_n3A_314 = arith.select %and3A_311, %broadcast_in_dim3A_313, %select_n3A_306 : vector<16xi1>, vector<16xi32>
      %eq3A_315 = arith.cmpf oeq, %gather3A_53, %max3A_244 : vector<16xf32>
      %ne3A_316 = arith.constant 6 : i32
      %ne3A_317 = vector.broadcast %ne3A_316 : i32 to vector<16xi32>
      %ne3A_318 = arith.cmpi ne, %select_n3A_164, %ne3A_317 : vector<16xi32>
      %and3A_319 = arith.andi %eq3A_315, %ne3A_318 : vector<16xi1>
      %jit3A_320 = arith.constant 6 : i32
      %broadcast_in_dim3A_321 = vector.broadcast %jit3A_320 : i32 to vector<16xi32>
      %select_n3A_322 = arith.select %and3A_319, %broadcast_in_dim3A_321, %select_n3A_314 : vector<16xi1>, vector<16xi32>
      %eq3A_323 = arith.cmpf oeq, %gather3A_49, %max3A_244 : vector<16xf32>
      %ne3A_324 = arith.constant 5 : i32
      %ne3A_325 = vector.broadcast %ne3A_324 : i32 to vector<16xi32>
      %ne3A_326 = arith.cmpi ne, %select_n3A_164, %ne3A_325 : vector<16xi32>
      %and3A_327 = arith.andi %eq3A_323, %ne3A_326 : vector<16xi1>
      %jit3A_328 = arith.constant 5 : i32
      %broadcast_in_dim3A_329 = vector.broadcast %jit3A_328 : i32 to vector<16xi32>
      %select_n3A_330 = arith.select %and3A_327, %broadcast_in_dim3A_329, %select_n3A_322 : vector<16xi1>, vector<16xi32>
      %eq3A_331 = arith.cmpf oeq, %gather3A_45, %max3A_244 : vector<16xf32>
      %ne3A_332 = arith.constant 4 : i32
      %ne3A_333 = vector.broadcast %ne3A_332 : i32 to vector<16xi32>
      %ne3A_334 = arith.cmpi ne, %select_n3A_164, %ne3A_333 : vector<16xi32>
      %and3A_335 = arith.andi %eq3A_331, %ne3A_334 : vector<16xi1>
      %jit3A_336 = arith.constant 4 : i32
      %broadcast_in_dim3A_337 = vector.broadcast %jit3A_336 : i32 to vector<16xi32>
      %select_n3A_338 = arith.select %and3A_335, %broadcast_in_dim3A_337, %select_n3A_330 : vector<16xi1>, vector<16xi32>
      %eq3A_339 = arith.cmpf oeq, %gather3A_41, %max3A_244 : vector<16xf32>
      %ne3A_340 = arith.constant 3 : i32
      %ne3A_341 = vector.broadcast %ne3A_340 : i32 to vector<16xi32>
      %ne3A_342 = arith.cmpi ne, %select_n3A_164, %ne3A_341 : vector<16xi32>
      %and3A_343 = arith.andi %eq3A_339, %ne3A_342 : vector<16xi1>
      %jit3A_344 = arith.constant 3 : i32
      %broadcast_in_dim3A_345 = vector.broadcast %jit3A_344 : i32 to vector<16xi32>
      %select_n3A_346 = arith.select %and3A_343, %broadcast_in_dim3A_345, %select_n3A_338 : vector<16xi1>, vector<16xi32>
      %eq3A_347 = arith.cmpf oeq, %gather3A_37, %max3A_244 : vector<16xf32>
      %ne3A_348 = arith.constant 2 : i32
      %ne3A_349 = vector.broadcast %ne3A_348 : i32 to vector<16xi32>
      %ne3A_350 = arith.cmpi ne, %select_n3A_164, %ne3A_349 : vector<16xi32>
      %and3A_351 = arith.andi %eq3A_347, %ne3A_350 : vector<16xi1>
      %jit3A_352 = arith.constant 2 : i32
      %broadcast_in_dim3A_353 = vector.broadcast %jit3A_352 : i32 to vector<16xi32>
      %select_n3A_354 = arith.select %and3A_351, %broadcast_in_dim3A_353, %select_n3A_346 : vector<16xi1>, vector<16xi32>
      %eq3A_355 = arith.cmpf oeq, %gather3A_33, %max3A_244 : vector<16xf32>
      %ne3A_356 = arith.constant 1 : i32
      %ne3A_357 = vector.broadcast %ne3A_356 : i32 to vector<16xi32>
      %ne3A_358 = arith.cmpi ne, %select_n3A_164, %ne3A_357 : vector<16xi32>
      %and3A_359 = arith.andi %eq3A_355, %ne3A_358 : vector<16xi1>
      %jit3A_360 = arith.constant 1 : i32
      %broadcast_in_dim3A_361 = vector.broadcast %jit3A_360 : i32 to vector<16xi32>
      %select_n3A_362 = arith.select %and3A_359, %broadcast_in_dim3A_361, %select_n3A_354 : vector<16xi1>, vector<16xi32>
      %eq3A_363 = arith.cmpf oeq, %gather3A, %max3A_244 : vector<16xf32>
      %ne3A_364 = arith.constant 0 : i32
      %ne3A_365 = vector.broadcast %ne3A_364 : i32 to vector<16xi32>
      %ne3A_366 = arith.cmpi ne, %select_n3A_164, %ne3A_365 : vector<16xi32>
      %and3A_367 = arith.andi %eq3A_363, %ne3A_366 : vector<16xi1>
      %jit3A_368 = arith.constant 0 : i32
      %broadcast_in_dim3A_369 = vector.broadcast %jit3A_368 : i32 to vector<16xi32>
      %select_n3A_370 = arith.select %and3A_367, %broadcast_in_dim3A_369, %select_n3A_362 : vector<16xi1>, vector<16xi32>
      %sub3A = arith.subf %max3A_244, %max3A_103 : vector<16xf32>
      %exp3A = math.exp %sub3A : vector<16xf32>
      %add3A_371 = arith.constant 1.000000e+00 : f32
      %add3A_372 = vector.broadcast %add3A_371 : f32 to vector<16xf32>
      %add3A_373 = arith.addf %exp3A, %add3A_372 : vector<16xf32>
      %div3A = arith.constant 1.000000e+00 : f32
      %div3A_374 = vector.broadcast %div3A : f32 to vector<16xf32>
      %div3A_375 = arith.divf %div3A_374, %add3A_373 : vector<16xf32>
      %div3A_376 = arith.divf %exp3A, %add3A_373 : vector<16xf32>
      %eq3A_377 = arith.constant 0 : i32
      %eq3A_378 = vector.broadcast %eq3A_377 : i32 to vector<16xi32>
      %eq3A_379 = arith.cmpi eq, %select_n3A_164, %eq3A_378 : vector<16xi32>
      %eq3A_380 = arith.constant 0 : i32
      %eq3A_381 = vector.broadcast %eq3A_380 : i32 to vector<16xi32>
      %eq3A_382 = arith.cmpi eq, %select_n3A_370, %eq3A_381 : vector<16xi32>
      %select_n3A_383 = arith.select %eq3A_382, %div3A_376, %broadcast_in_dim3A_7 : vector<16xi1>, vector<16xf32>
      %select_n3A_384 = arith.select %eq3A_379, %div3A_375, %select_n3A_383 : vector<16xi1>, vector<16xf32>
      %add3A_385 = arith.constant 0 : i32
      %add3A_386 = vector.broadcast %add3A_385 : i32 to vector<16xi32>
      %add3A_387 = arith.addi %mul3A_26, %add3A_386 : vector<16xi32>
      tpu.vector_store_idx %arg6[%add3A_387], %select_n3A_384 : memref<4096xf32, #tpu.memory_space<vmem>>[vector<16xi32>], vector<16xf32>,
      %eq3A_388 = arith.constant 1 : i32
      %eq3A_389 = vector.broadcast %eq3A_388 : i32 to vector<16xi32>
      %eq3A_390 = arith.cmpi eq, %select_n3A_164, %eq3A_389 : vector<16xi32>
      %eq3A_391 = arith.constant 1 : i32
      %eq3A_392 = vector.broadcast %eq3A_391 : i32 to vector<16xi32>
      %eq3A_393 = arith.cmpi eq, %select_n3A_370, %eq3A_392 : vector<16xi32>
      %select_n3A_394 = arith.select %eq3A_393, %div3A_376, %broadcast_in_dim3A_7 : vector<16xi1>, vector<16xf32>
      %select_n3A_395 = arith.select %eq3A_390, %div3A_375, %select_n3A_394 : vector<16xi1>, vector<16xf32>
      %add3A_396 = arith.constant 1 : i32
      %add3A_397 = vector.broadcast %add3A_396 : i32 to vector<16xi32>
      %add3A_398 = arith.addi %mul3A_26, %add3A_397 : vector<16xi32>
      tpu.vector_store_idx %arg6[%add3A_398], %select_n3A_395 : memref<4096xf32, #tpu.memory_space<vmem>>[vector<16xi32>], vector<16xf32>,
      %eq3A_399 = arith.constant 2 : i32
      %eq3A_400 = vector.broadcast %eq3A_399 : i32 to vector<16xi32>
      %eq3A_401 = arith.cmpi eq, %select_n3A_164, %eq3A_400 : vector<16xi32>
      %eq3A_402 = arith.constant 2 : i32
      %eq3A_403 = vector.broadcast %eq3A_402 : i32 to vector<16xi32>
      %eq3A_404 = arith.cmpi eq, %select_n3A_370, %eq3A_403 : vector<16xi32>
      %select_n3A_405 = arith.select %eq3A_404, %div3A_376, %broadcast_in_dim3A_7 : vector<16xi1>, vector<16xf32>
      %select_n3A_406 = arith.select %eq3A_401, %div3A_375, %select_n3A_405 : vector<16xi1>, vector<16xf32>
      %add3A_407 = arith.constant 2 : i32
      %add3A_408 = vector.broadcast %add3A_407 : i32 to vector<16xi32>
      %add3A_409 = arith.addi %mul3A_26, %add3A_408 : vector<16xi32>
      tpu.vector_store_idx %arg6[%add3A_409], %select_n3A_406 : memref<4096xf32, #tpu.memory_space<vmem>>[vector<16xi32>], vector<16xf32>,
      %eq3A_410 = arith.constant 3 : i32
      %eq3A_411 = vector.broadcast %eq3A_410 : i32 to vector<16xi32>
      %eq3A_412 = arith.cmpi eq, %select_n3A_164, %eq3A_411 : vector<16xi32>
      %eq3A_413 = arith.constant 3 : i32
      %eq3A_414 = vector.broadcast %eq3A_413 : i32 to vector<16xi32>
      %eq3A_415 = arith.cmpi eq, %select_n3A_370, %eq3A_414 : vector<16xi32>
      %select_n3A_416 = arith.select %eq3A_415, %div3A_376, %broadcast_in_dim3A_7 : vector<16xi1>, vector<16xf32>
      %select_n3A_417 = arith.select %eq3A_412, %div3A_375, %select_n3A_416 : vector<16xi1>, vector<16xf32>
      %add3A_418 = arith.constant 3 : i32
      %add3A_419 = vector.broadcast %add3A_418 : i32 to vector<16xi32>
      %add3A_420 = arith.addi %mul3A_26, %add3A_419 : vector<16xi32>
      tpu.vector_store_idx %arg6[%add3A_420], %select_n3A_417 : memref<4096xf32, #tpu.memory_space<vmem>>[vector<16xi32>], vector<16xf32>,
      %eq3A_421 = arith.constant 4 : i32
      %eq3A_422 = vector.broadcast %eq3A_421 : i32 to vector<16xi32>
      %eq3A_423 = arith.cmpi eq, %select_n3A_164, %eq3A_422 : vector<16xi32>
      %eq3A_424 = arith.constant 4 : i32
      %eq3A_425 = vector.broadcast %eq3A_424 : i32 to vector<16xi32>
      %eq3A_426 = arith.cmpi eq, %select_n3A_370, %eq3A_425 : vector<16xi32>
      %select_n3A_427 = arith.select %eq3A_426, %div3A_376, %broadcast_in_dim3A_7 : vector<16xi1>, vector<16xf32>
      %select_n3A_428 = arith.select %eq3A_423, %div3A_375, %select_n3A_427 : vector<16xi1>, vector<16xf32>
      %add3A_429 = arith.constant 4 : i32
      %add3A_430 = vector.broadcast %add3A_429 : i32 to vector<16xi32>
      %add3A_431 = arith.addi %mul3A_26, %add3A_430 : vector<16xi32>
      tpu.vector_store_idx %arg6[%add3A_431], %select_n3A_428 : memref<4096xf32, #tpu.memory_space<vmem>>[vector<16xi32>], vector<16xf32>,
      %eq3A_432 = arith.constant 5 : i32
      %eq3A_433 = vector.broadcast %eq3A_432 : i32 to vector<16xi32>
      %eq3A_434 = arith.cmpi eq, %select_n3A_164, %eq3A_433 : vector<16xi32>
      %eq3A_435 = arith.constant 5 : i32
      %eq3A_436 = vector.broadcast %eq3A_435 : i32 to vector<16xi32>
      %eq3A_437 = arith.cmpi eq, %select_n3A_370, %eq3A_436 : vector<16xi32>
      %select_n3A_438 = arith.select %eq3A_437, %div3A_376, %broadcast_in_dim3A_7 : vector<16xi1>, vector<16xf32>
      %select_n3A_439 = arith.select %eq3A_434, %div3A_375, %select_n3A_438 : vector<16xi1>, vector<16xf32>
      %add3A_440 = arith.constant 5 : i32
      %add3A_441 = vector.broadcast %add3A_440 : i32 to vector<16xi32>
      %add3A_442 = arith.addi %mul3A_26, %add3A_441 : vector<16xi32>
      tpu.vector_store_idx %arg6[%add3A_442], %select_n3A_439 : memref<4096xf32, #tpu.memory_space<vmem>>[vector<16xi32>], vector<16xf32>,
      %eq3A_443 = arith.constant 6 : i32
      %eq3A_444 = vector.broadcast %eq3A_443 : i32 to vector<16xi32>
      %eq3A_445 = arith.cmpi eq, %select_n3A_164, %eq3A_444 : vector<16xi32>
      %eq3A_446 = arith.constant 6 : i32
      %eq3A_447 = vector.broadcast %eq3A_446 : i32 to vector<16xi32>
      %eq3A_448 = arith.cmpi eq, %select_n3A_370, %eq3A_447 : vector<16xi32>
      %select_n3A_449 = arith.select %eq3A_448, %div3A_376, %broadcast_in_dim3A_7 : vector<16xi1>, vector<16xf32>
      %select_n3A_450 = arith.select %eq3A_445, %div3A_375, %select_n3A_449 : vector<16xi1>, vector<16xf32>
      %add3A_451 = arith.constant 6 : i32
      %add3A_452 = vector.broadcast %add3A_451 : i32 to vector<16xi32>
      %add3A_453 = arith.addi %mul3A_26, %add3A_452 : vector<16xi32>
      tpu.vector_store_idx %arg6[%add3A_453], %select_n3A_450 : memref<4096xf32, #tpu.memory_space<vmem>>[vector<16xi32>], vector<16xf32>,
      %eq3A_454 = arith.constant 7 : i32
      %eq3A_455 = vector.broadcast %eq3A_454 : i32 to vector<16xi32>
      %eq3A_456 = arith.cmpi eq, %select_n3A_164, %eq3A_455 : vector<16xi32>
      %eq3A_457 = arith.constant 7 : i32
      %eq3A_458 = vector.broadcast %eq3A_457 : i32 to vector<16xi32>
      %eq3A_459 = arith.cmpi eq, %select_n3A_370, %eq3A_458 : vector<16xi32>
      %select_n3A_460 = arith.select %eq3A_459, %div3A_376, %broadcast_in_dim3A_7 : vector<16xi1>, vector<16xf32>
      %select_n3A_461 = arith.select %eq3A_456, %div3A_375, %select_n3A_460 : vector<16xi1>, vector<16xf32>
      %add3A_462 = arith.constant 7 : i32
      %add3A_463 = vector.broadcast %add3A_462 : i32 to vector<16xi32>
      %add3A_464 = arith.addi %mul3A_26, %add3A_463 : vector<16xi32>
      tpu.vector_store_idx %arg6[%add3A_464], %select_n3A_461 : memref<4096xf32, #tpu.memory_space<vmem>>[vector<16xi32>], vector<16xf32>,
      %eq3A_465 = arith.constant 8 : i32
      %eq3A_466 = vector.broadcast %eq3A_465 : i32 to vector<16xi32>
      %eq3A_467 = arith.cmpi eq, %select_n3A_164, %eq3A_466 : vector<16xi32>
      %eq3A_468 = arith.constant 8 : i32
      %eq3A_469 = vector.broadcast %eq3A_468 : i32 to vector<16xi32>
      %eq3A_470 = arith.cmpi eq, %select_n3A_370, %eq3A_469 : vector<16xi32>
      %select_n3A_471 = arith.select %eq3A_470, %div3A_376, %broadcast_in_dim3A_7 : vector<16xi1>, vector<16xf32>
      %select_n3A_472 = arith.select %eq3A_467, %div3A_375, %select_n3A_471 : vector<16xi1>, vector<16xf32>
      %add3A_473 = arith.constant 8 : i32
      %add3A_474 = vector.broadcast %add3A_473 : i32 to vector<16xi32>
      %add3A_475 = arith.addi %mul3A_26, %add3A_474 : vector<16xi32>
      tpu.vector_store_idx %arg6[%add3A_475], %select_n3A_472 : memref<4096xf32, #tpu.memory_space<vmem>>[vector<16xi32>], vector<16xf32>,
      %eq3A_476 = arith.constant 9 : i32
      %eq3A_477 = vector.broadcast %eq3A_476 : i32 to vector<16xi32>
      %eq3A_478 = arith.cmpi eq, %select_n3A_164, %eq3A_477 : vector<16xi32>
      %eq3A_479 = arith.constant 9 : i32
      %eq3A_480 = vector.broadcast %eq3A_479 : i32 to vector<16xi32>
      %eq3A_481 = arith.cmpi eq, %select_n3A_370, %eq3A_480 : vector<16xi32>
      %select_n3A_482 = arith.select %eq3A_481, %div3A_376, %broadcast_in_dim3A_7 : vector<16xi1>, vector<16xf32>
      %select_n3A_483 = arith.select %eq3A_478, %div3A_375, %select_n3A_482 : vector<16xi1>, vector<16xf32>
      %add3A_484 = arith.constant 9 : i32
      %add3A_485 = vector.broadcast %add3A_484 : i32 to vector<16xi32>
      %add3A_486 = arith.addi %mul3A_26, %add3A_485 : vector<16xi32>
      tpu.vector_store_idx %arg6[%add3A_486], %select_n3A_483 : memref<4096xf32, #tpu.memory_space<vmem>>[vector<16xi32>], vector<16xf32>,
      %eq3A_487 = arith.constant 10 : i32
      %eq3A_488 = vector.broadcast %eq3A_487 : i32 to vector<16xi32>
      %eq3A_489 = arith.cmpi eq, %select_n3A_164, %eq3A_488 : vector<16xi32>
      %eq3A_490 = arith.constant 10 : i32
      %eq3A_491 = vector.broadcast %eq3A_490 : i32 to vector<16xi32>
      %eq3A_492 = arith.cmpi eq, %select_n3A_370, %eq3A_491 : vector<16xi32>
      %select_n3A_493 = arith.select %eq3A_492, %div3A_376, %broadcast_in_dim3A_7 : vector<16xi1>, vector<16xf32>
      %select_n3A_494 = arith.select %eq3A_489, %div3A_375, %select_n3A_493 : vector<16xi1>, vector<16xf32>
      %add3A_495 = arith.constant 10 : i32
      %add3A_496 = vector.broadcast %add3A_495 : i32 to vector<16xi32>
      %add3A_497 = arith.addi %mul3A_26, %add3A_496 : vector<16xi32>
      tpu.vector_store_idx %arg6[%add3A_497], %select_n3A_494 : memref<4096xf32, #tpu.memory_space<vmem>>[vector<16xi32>], vector<16xf32>,
      %eq3A_498 = arith.constant 11 : i32
      %eq3A_499 = vector.broadcast %eq3A_498 : i32 to vector<16xi32>
      %eq3A_500 = arith.cmpi eq, %select_n3A_164, %eq3A_499 : vector<16xi32>
      %eq3A_501 = arith.constant 11 : i32
      %eq3A_502 = vector.broadcast %eq3A_501 : i32 to vector<16xi32>
      %eq3A_503 = arith.cmpi eq, %select_n3A_370, %eq3A_502 : vector<16xi32>
      %select_n3A_504 = arith.select %eq3A_503, %div3A_376, %broadcast_in_dim3A_7 : vector<16xi1>, vector<16xf32>
      %select_n3A_505 = arith.select %eq3A_500, %div3A_375, %select_n3A_504 : vector<16xi1>, vector<16xf32>
      %add3A_506 = arith.constant 11 : i32
      %add3A_507 = vector.broadcast %add3A_506 : i32 to vector<16xi32>
      %add3A_508 = arith.addi %mul3A_26, %add3A_507 : vector<16xi32>
      tpu.vector_store_idx %arg6[%add3A_508], %select_n3A_505 : memref<4096xf32, #tpu.memory_space<vmem>>[vector<16xi32>], vector<16xf32>,
      %eq3A_509 = arith.constant 12 : i32
      %eq3A_510 = vector.broadcast %eq3A_509 : i32 to vector<16xi32>
      %eq3A_511 = arith.cmpi eq, %select_n3A_164, %eq3A_510 : vector<16xi32>
      %eq3A_512 = arith.constant 12 : i32
      %eq3A_513 = vector.broadcast %eq3A_512 : i32 to vector<16xi32>
      %eq3A_514 = arith.cmpi eq, %select_n3A_370, %eq3A_513 : vector<16xi32>
      %select_n3A_515 = arith.select %eq3A_514, %div3A_376, %broadcast_in_dim3A_7 : vector<16xi1>, vector<16xf32>
      %select_n3A_516 = arith.select %eq3A_511, %div3A_375, %select_n3A_515 : vector<16xi1>, vector<16xf32>
      %add3A_517 = arith.constant 12 : i32
      %add3A_518 = vector.broadcast %add3A_517 : i32 to vector<16xi32>
      %add3A_519 = arith.addi %mul3A_26, %add3A_518 : vector<16xi32>
      tpu.vector_store_idx %arg6[%add3A_519], %select_n3A_516 : memref<4096xf32, #tpu.memory_space<vmem>>[vector<16xi32>], vector<16xf32>,
      %eq3A_520 = arith.constant 13 : i32
      %eq3A_521 = vector.broadcast %eq3A_520 : i32 to vector<16xi32>
      %eq3A_522 = arith.cmpi eq, %select_n3A_164, %eq3A_521 : vector<16xi32>
      %eq3A_523 = arith.constant 13 : i32
      %eq3A_524 = vector.broadcast %eq3A_523 : i32 to vector<16xi32>
      %eq3A_525 = arith.cmpi eq, %select_n3A_370, %eq3A_524 : vector<16xi32>
      %select_n3A_526 = arith.select %eq3A_525, %div3A_376, %broadcast_in_dim3A_7 : vector<16xi1>, vector<16xf32>
      %select_n3A_527 = arith.select %eq3A_522, %div3A_375, %select_n3A_526 : vector<16xi1>, vector<16xf32>
      %add3A_528 = arith.constant 13 : i32
      %add3A_529 = vector.broadcast %add3A_528 : i32 to vector<16xi32>
      %add3A_530 = arith.addi %mul3A_26, %add3A_529 : vector<16xi32>
      tpu.vector_store_idx %arg6[%add3A_530], %select_n3A_527 : memref<4096xf32, #tpu.memory_space<vmem>>[vector<16xi32>], vector<16xf32>,
      %eq3A_531 = arith.constant 14 : i32
      %eq3A_532 = vector.broadcast %eq3A_531 : i32 to vector<16xi32>
      %eq3A_533 = arith.cmpi eq, %select_n3A_164, %eq3A_532 : vector<16xi32>
      %eq3A_534 = arith.constant 14 : i32
      %eq3A_535 = vector.broadcast %eq3A_534 : i32 to vector<16xi32>
      %eq3A_536 = arith.cmpi eq, %select_n3A_370, %eq3A_535 : vector<16xi32>
      %select_n3A_537 = arith.select %eq3A_536, %div3A_376, %broadcast_in_dim3A_7 : vector<16xi1>, vector<16xf32>
      %select_n3A_538 = arith.select %eq3A_533, %div3A_375, %select_n3A_537 : vector<16xi1>, vector<16xf32>
      %add3A_539 = arith.constant 14 : i32
      %add3A_540 = vector.broadcast %add3A_539 : i32 to vector<16xi32>
      %add3A_541 = arith.addi %mul3A_26, %add3A_540 : vector<16xi32>
      tpu.vector_store_idx %arg6[%add3A_541], %select_n3A_538 : memref<4096xf32, #tpu.memory_space<vmem>>[vector<16xi32>], vector<16xf32>,
      %eq3A_542 = arith.constant 15 : i32
      %eq3A_543 = vector.broadcast %eq3A_542 : i32 to vector<16xi32>
      %eq3A_544 = arith.cmpi eq, %select_n3A_164, %eq3A_543 : vector<16xi32>
      %eq3A_545 = arith.constant 15 : i32
      %eq3A_546 = vector.broadcast %eq3A_545 : i32 to vector<16xi32>
      %eq3A_547 = arith.cmpi eq, %select_n3A_370, %eq3A_546 : vector<16xi32>
      %select_n3A_548 = arith.select %eq3A_547, %div3A_376, %broadcast_in_dim3A_7 : vector<16xi1>, vector<16xf32>
      %select_n3A_549 = arith.select %eq3A_544, %div3A_375, %select_n3A_548 : vector<16xi1>, vector<16xf32>
      %add3A_550 = arith.constant 15 : i32
      %add3A_551 = vector.broadcast %add3A_550 : i32 to vector<16xi32>
      %add3A_552 = arith.addi %mul3A_26, %add3A_551 : vector<16xi32>
      tpu.vector_store_idx %arg6[%add3A_552], %select_n3A_549 : memref<4096xf32, #tpu.memory_space<vmem>>[vector<16xi32>], vector<16xf32>,
      %mul3A_553 = arith.constant 2 : i32
      %mul3A_554 = vector.broadcast %mul3A_553 : i32 to vector<16xi32>
      %mul3A_555 = arith.muli %add3A_23, %mul3A_554 : vector<16xi32>
      tpu.vector_store_idx %arg7[%mul3A_555], %select_n3A_164 : memref<512xi32, #tpu.memory_space<vmem>>[vector<16xi32>], vector<16xi32>,
      %add3A_556 = arith.constant 1 : i32
      %add3A_557 = vector.broadcast %add3A_556 : i32 to vector<16xi32>
      %add3A_558 = arith.addi %mul3A_555, %add3A_557 : vector<16xi32>
      tpu.vector_store_idx %arg7[%add3A_558], %select_n3A_370 : memref<512xi32, #tpu.memory_space<vmem>>[vector<16xi32>], vector<16xi32>,
    }
    %scan3A_14 = arith.constant 16 : i32
    %mul3A_15 = arith.constant 16 : i32
    %mul3A_16 = arith.muli %mul3A_2, %mul3A_15 : i32
    "tpu.region"() ({
      %run_scoped3A = tpu.sem_alloc : memref<!tpu.dma_semaphore, #tpu.memory_space<semaphore_mem>>
      %dma_start3A = tpu.memref_slice %arg3[%mul3A_16] : memref<131072xf32, #tpu.memory_space<hbm>> -> memref<4096xf32, #tpu.memory_space<hbm>>
      %dma_start3A_19 = tpu.memref_slice %arg3[%mul3A_16] : memref<131072xf32, #tpu.memory_space<hbm>> -> memref<4096xf32, #tpu.memory_space<hbm>>
      tpu.enqueue_dma source(%arg6 : memref<4096xf32, #tpu.memory_space<vmem>>) target(%dma_start3A_19 : memref<4096xf32, #tpu.memory_space<hbm>>) target_semaphore(%run_scoped3A : memref<!tpu.dma_semaphore, #tpu.memory_space<semaphore_mem>>)
      %dma_wait3A = tpu.memref_slice %arg3[%mul3A_16] : memref<131072xf32, #tpu.memory_space<hbm>> -> memref<4096xf32, #tpu.memory_space<hbm>>
      %dma_wait3A_20 = tpu.memref_slice %arg3[%mul3A_16] : memref<131072xf32, #tpu.memory_space<hbm>> -> memref<4096xf32, #tpu.memory_space<hbm>>
      tpu.wait_dma2 semaphore(%run_scoped3A : memref<!tpu.dma_semaphore, #tpu.memory_space<semaphore_mem>>) src(%arg6 : memref<4096xf32, #tpu.memory_space<vmem>>) dst(%dma_wait3A_20 : memref<4096xf32, #tpu.memory_space<hbm>>)
      tpu.yield
    }) : () -> ()
    %mul3A_17 = arith.constant 2 : i32
    %mul3A_18 = arith.muli %mul3A_2, %mul3A_17 : i32
    "tpu.region"() ({
      %run_scoped3A = tpu.sem_alloc : memref<!tpu.dma_semaphore, #tpu.memory_space<semaphore_mem>>
      %dma_start3A = tpu.memref_slice %arg4[%mul3A_18] : memref<16384xi32, #tpu.memory_space<hbm>> -> memref<512xi32, #tpu.memory_space<hbm>>
      %dma_start3A_19 = tpu.memref_slice %arg4[%mul3A_18] : memref<16384xi32, #tpu.memory_space<hbm>> -> memref<512xi32, #tpu.memory_space<hbm>>
      tpu.enqueue_dma source(%arg7 : memref<512xi32, #tpu.memory_space<vmem>>) target(%dma_start3A_19 : memref<512xi32, #tpu.memory_space<hbm>>) target_semaphore(%run_scoped3A : memref<!tpu.dma_semaphore, #tpu.memory_space<semaphore_mem>>)
      %dma_wait3A = tpu.memref_slice %arg4[%mul3A_18] : memref<16384xi32, #tpu.memory_space<hbm>> -> memref<512xi32, #tpu.memory_space<hbm>>
      %dma_wait3A_20 = tpu.memref_slice %arg4[%mul3A_18] : memref<16384xi32, #tpu.memory_space<hbm>> -> memref<512xi32, #tpu.memory_space<hbm>>
      tpu.wait_dma2 semaphore(%run_scoped3A : memref<!tpu.dma_semaphore, #tpu.memory_space<semaphore_mem>>) src(%arg7 : memref<512xi32, #tpu.memory_space<vmem>>) dst(%dma_wait3A_20 : memref<512xi32, #tpu.memory_space<hbm>>)
      tpu.yield
    }) : () -> ()
    return
  }
}

#map = affine_map<(d0, d1) -> (0)>
module attributes {stable_mosaic.version = 14 : i64} {
  func.func @_route_body(%arg0: i32, %arg1: i32, %arg2: memref<131072xf32, #tpu.memory_space<hbm>>, %arg3: memref<131072xf32, #tpu.memory_space<hbm>>, %arg4: memref<16384xi32, #tpu.memory_space<hbm>>, %arg5: memref<4096xf32, #tpu.memory_space<vmem>>, %arg6: memref<4096xf32, #tpu.memory_space<vmem>>, %arg7: memref<512xi32, #tpu.memory_space<vmem>>) attributes {dimension_semantics = [#tpu.dimension_semantics<core_parallel>, #tpu.dimension_semantics<subcore_parallel>], iteration_bounds = array<i64: 2, 16>, scalar_prefetch = 0 : i64, scratch_operands = 3 : i64, tpu.core_type = #tpu.core_type<sc_vector_subcore>, window_params = [{transform_indices = #map}, {transform_indices = #map}, {transform_indices = #map}]} {
    %mul3A = arith.constant 2 : i32
    %mul3A_0 = arith.muli %arg1, %mul3A : i32
    %add3A = arith.addi %mul3A_0, %arg0 : i32
    %mul3A_1 = arith.constant 256 : i32
    %mul3A_2 = arith.muli %add3A, %mul3A_1 : i32
    %mul3A_3 = arith.constant 16 : i32
    %mul3A_4 = arith.muli %mul3A_2, %mul3A_3 : i32
    "tpu.region"() ({
      %run_scoped3A = tpu.sem_alloc : memref<!tpu.dma_semaphore, #tpu.memory_space<semaphore_mem>>
      %dma_start3A = tpu.memref_slice %arg2[%mul3A_4] : memref<131072xf32, #tpu.memory_space<hbm>> -> memref<4096xf32, #tpu.memory_space<hbm>>
      %dma_start3A_19 = tpu.memref_slice %arg2[%mul3A_4] : memref<131072xf32, #tpu.memory_space<hbm>> -> memref<4096xf32, #tpu.memory_space<hbm>>
      tpu.enqueue_dma source(%dma_start3A_19 : memref<4096xf32, #tpu.memory_space<hbm>>) target(%arg5 : memref<4096xf32, #tpu.memory_space<vmem>>) target_semaphore(%run_scoped3A : memref<!tpu.dma_semaphore, #tpu.memory_space<semaphore_mem>>)
      %dma_wait3A = tpu.memref_slice %arg2[%mul3A_4] : memref<131072xf32, #tpu.memory_space<hbm>> -> memref<4096xf32, #tpu.memory_space<hbm>>
      %dma_wait3A_20 = tpu.memref_slice %arg2[%mul3A_4] : memref<131072xf32, #tpu.memory_space<hbm>> -> memref<4096xf32, #tpu.memory_space<hbm>>
      tpu.wait_dma2 semaphore(%run_scoped3A : memref<!tpu.dma_semaphore, #tpu.memory_space<semaphore_mem>>) src(%dma_wait3A_20 : memref<4096xf32, #tpu.memory_space<hbm>>) dst(%arg5 : memref<4096xf32, #tpu.memory_space<vmem>>)
      tpu.yield
    }) : () -> ()
    %iota3A = tpu.iota {dimensions = array<i32: 0>} : vector<16xi32>
    %broadcast_in_dim3A = arith.constant 0 : i32
    %broadcast_in_dim3A_5 = vector.broadcast %broadcast_in_dim3A : i32 to vector<16xi32>
    %broadcast_in_dim3A_6 = arith.constant 0.000000e+00 : f32
    %broadcast_in_dim3A_7 = vector.broadcast %broadcast_in_dim3A_6 : f32 to vector<16xf32>
    %broadcast_in_dim3A_8 = arith.constant 0xFF800000 : f32
    %broadcast_in_dim3A_9 = vector.broadcast %broadcast_in_dim3A_8 : f32 to vector<16xf32>
    %scan3A = arith.constant 0 : i32
    %scan3A_10 = arith.constant 0 : i32
    %scan3A_11 = arith.constant 16 : i32
    %scan3A_12 = arith.addi %scan3A_10, %scan3A_11 : i32
    %scan3A_13 = arith.constant 1 : i32
    scf.for %scan3A_19 = %scan3A_10 to %scan3A_12 step %scan3A_13  : i32 {
      %mul3A_20 = arith.constant 16 : i32
      %mul3A_21 = arith.muli %scan3A_19, %mul3A_20 : i32
      %add3A_22 = vector.broadcast %mul3A_21 : i32 to vector<16xi32>
      %add3A_23 = arith.addi %add3A_22, %iota3A : vector<16xi32>
      %mul3A_24 = arith.constant 16 : i32
      %mul3A_25 = vector.broadcast %mul3A_24 : i32 to vector<16xi32>
      %mul3A_26 = arith.muli %add3A_23, %mul3A_25 : vector<16xi32>
      %add3A_27 = arith.constant 0 : i32
      %add3A_28 = vector.broadcast %add3A_27 : i32 to vector<16xi32>
      %add3A_29 = arith.addi %mul3A_26, %add3A_28 : vector<16xi32>
      %gather3A = tpu.vector_load_idx %arg5[%add3A_29] : memref<4096xf32, #tpu.memory_space<vmem>>[vector<16xi32>], vector<16xf32>,
      %add3A_30 = arith.constant 1 : i32
      %add3A_31 = vector.broadcast %add3A_30 : i32 to vector<16xi32>
      %add3A_32 = arith.addi %mul3A_26, %add3A_31 : vector<16xi32>
      %gather3A_33 = tpu.vector_load_idx %arg5[%add3A_32] : memref<4096xf32, #tpu.memory_space<vmem>>[vector<16xi32>], vector<16xf32>,
      %add3A_34 = arith.constant 2 : i32
      %add3A_35 = vector.broadcast %add3A_34 : i32 to vector<16xi32>
      %add3A_36 = arith.addi %mul3A_26, %add3A_35 : vector<16xi32>
      %gather3A_37 = tpu.vector_load_idx %arg5[%add3A_36] : memref<4096xf32, #tpu.memory_space<vmem>>[vector<16xi32>], vector<16xf32>,
      %add3A_38 = arith.constant 3 : i32
      %add3A_39 = vector.broadcast %add3A_38 : i32 to vector<16xi32>
      %add3A_40 = arith.addi %mul3A_26, %add3A_39 : vector<16xi32>
      %gather3A_41 = tpu.vector_load_idx %arg5[%add3A_40] : memref<4096xf32, #tpu.memory_space<vmem>>[vector<16xi32>], vector<16xf32>,
      %add3A_42 = arith.constant 4 : i32
      %add3A_43 = vector.broadcast %add3A_42 : i32 to vector<16xi32>
      %add3A_44 = arith.addi %mul3A_26, %add3A_43 : vector<16xi32>
      %gather3A_45 = tpu.vector_load_idx %arg5[%add3A_44] : memref<4096xf32, #tpu.memory_space<vmem>>[vector<16xi32>], vector<16xf32>,
      %add3A_46 = arith.constant 5 : i32
      %add3A_47 = vector.broadcast %add3A_46 : i32 to vector<16xi32>
      %add3A_48 = arith.addi %mul3A_26, %add3A_47 : vector<16xi32>
      %gather3A_49 = tpu.vector_load_idx %arg5[%add3A_48] : memref<4096xf32, #tpu.memory_space<vmem>>[vector<16xi32>], vector<16xf32>,
      %add3A_50 = arith.constant 6 : i32
      %add3A_51 = vector.broadcast %add3A_50 : i32 to vector<16xi32>
      %add3A_52 = arith.addi %mul3A_26, %add3A_51 : vector<16xi32>
      %gather3A_53 = tpu.vector_load_idx %arg5[%add3A_52] : memref<4096xf32, #tpu.memory_space<vmem>>[vector<16xi32>], vector<16xf32>,
      %add3A_54 = arith.constant 7 : i32
      %add3A_55 = vector.broadcast %add3A_54 : i32 to vector<16xi32>
      %add3A_56 = arith.addi %mul3A_26, %add3A_55 : vector<16xi32>
      %gather3A_57 = tpu.vector_load_idx %arg5[%add3A_56] : memref<4096xf32, #tpu.memory_space<vmem>>[vector<16xi32>], vector<16xf32>,
      %add3A_58 = arith.constant 8 : i32
      %add3A_59 = vector.broadcast %add3A_58 : i32 to vector<16xi32>
      %add3A_60 = arith.addi %mul3A_26, %add3A_59 : vector<16xi32>
      %gather3A_61 = tpu.vector_load_idx %arg5[%add3A_60] : memref<4096xf32, #tpu.memory_space<vmem>>[vector<16xi32>], vector<16xf32>,
      %add3A_62 = arith.constant 9 : i32
      %add3A_63 = vector.broadcast %add3A_62 : i32 to vector<16xi32>
      %add3A_64 = arith.addi %mul3A_26, %add3A_63 : vector<16xi32>
      %gather3A_65 = tpu.vector_load_idx %arg5[%add3A_64] : memref<4096xf32, #tpu.memory_space<vmem>>[vector<16xi32>], vector<16xf32>,
      %add3A_66 = arith.constant 10 : i32
      %add3A_67 = vector.broadcast %add3A_66 : i32 to vector<16xi32>
      %add3A_68 = arith.addi %mul3A_26, %add3A_67 : vector<16xi32>
      %gather3A_69 = tpu.vector_load_idx %arg5[%add3A_68] : memref<4096xf32, #tpu.memory_space<vmem>>[vector<16xi32>], vector<16xf32>,
      %add3A_70 = arith.constant 11 : i32
      %add3A_71 = vector.broadcast %add3A_70 : i32 to vector<16xi32>
      %add3A_72 = arith.addi %mul3A_26, %add3A_71 : vector<16xi32>
      %gather3A_73 = tpu.vector_load_idx %arg5[%add3A_72] : memref<4096xf32, #tpu.memory_space<vmem>>[vector<16xi32>], vector<16xf32>,
      %add3A_74 = arith.constant 12 : i32
      %add3A_75 = vector.broadcast %add3A_74 : i32 to vector<16xi32>
      %add3A_76 = arith.addi %mul3A_26, %add3A_75 : vector<16xi32>
      %gather3A_77 = tpu.vector_load_idx %arg5[%add3A_76] : memref<4096xf32, #tpu.memory_space<vmem>>[vector<16xi32>], vector<16xf32>,
      %add3A_78 = arith.constant 13 : i32
      %add3A_79 = vector.broadcast %add3A_78 : i32 to vector<16xi32>
      %add3A_80 = arith.addi %mul3A_26, %add3A_79 : vector<16xi32>
      %gather3A_81 = tpu.vector_load_idx %arg5[%add3A_80] : memref<4096xf32, #tpu.memory_space<vmem>>[vector<16xi32>], vector<16xf32>,
      %add3A_82 = arith.constant 14 : i32
      %add3A_83 = vector.broadcast %add3A_82 : i32 to vector<16xi32>
      %add3A_84 = arith.addi %mul3A_26, %add3A_83 : vector<16xi32>
      %gather3A_85 = tpu.vector_load_idx %arg5[%add3A_84] : memref<4096xf32, #tpu.memory_space<vmem>>[vector<16xi32>], vector<16xf32>,
      %add3A_86 = arith.constant 15 : i32
      %add3A_87 = vector.broadcast %add3A_86 : i32 to vector<16xi32>
      %add3A_88 = arith.addi %mul3A_26, %add3A_87 : vector<16xi32>
      %gather3A_89 = tpu.vector_load_idx %arg5[%add3A_88] : memref<4096xf32, #tpu.memory_space<vmem>>[vector<16xi32>], vector<16xf32>,
      %max3A = arith.maximumf %gather3A, %gather3A_33 : vector<16xf32>
      %max3A_90 = arith.maximumf %max3A, %gather3A_37 : vector<16xf32>
      %max3A_91 = arith.maximumf %max3A_90, %gather3A_41 : vector<16xf32>
      %max3A_92 = arith.maximumf %max3A_91, %gather3A_45 : vector<16xf32>
      %max3A_93 = arith.maximumf %max3A_92, %gather3A_49 : vector<16xf32>
      %max3A_94 = arith.maximumf %max3A_93, %gather3A_53 : vector<16xf32>
      %max3A_95 = arith.maximumf %max3A_94, %gather3A_57 : vector<16xf32>
      %max3A_96 = arith.maximumf %max3A_95, %gather3A_61 : vector<16xf32>
      %max3A_97 = arith.maximumf %max3A_96, %gather3A_65 : vector<16xf32>
      %max3A_98 = arith.maximumf %max3A_97, %gather3A_69 : vector<16xf32>
      %max3A_99 = arith.maximumf %max3A_98, %gather3A_73 : vector<16xf32>
      %max3A_100 = arith.maximumf %max3A_99, %gather3A_77 : vector<16xf32>
      %max3A_101 = arith.maximumf %max3A_100, %gather3A_81 : vector<16xf32>
      %max3A_102 = arith.maximumf %max3A_101, %gather3A_85 : vector<16xf32>
      %max3A_103 = arith.maximumf %max3A_102, %gather3A_89 : vector<16xf32>
      %eq3A = arith.cmpf oeq, %gather3A_89, %max3A_103 : vector<16xf32>
      %jit3A = arith.constant 15 : i32
      %broadcast_in_dim3A_104 = vector.broadcast %jit3A : i32 to vector<16xi32>
      %select_n3A = arith.select %eq3A, %broadcast_in_dim3A_104, %broadcast_in_dim3A_5 : vector<16xi1>, vector<16xi32>
      %eq3A_105 = arith.cmpf oeq, %gather3A_85, %max3A_103 : vector<16xf32>
      %jit3A_106 = arith.constant 14 : i32
      %broadcast_in_dim3A_107 = vector.broadcast %jit3A_106 : i32 to vector<16xi32>
      %select_n3A_108 = arith.select %eq3A_105, %broadcast_in_dim3A_107, %select_n3A : vector<16xi1>, vector<16xi32>
      %eq3A_109 = arith.cmpf oeq, %gather3A_81, %max3A_103 : vector<16xf32>
      %jit3A_110 = arith.constant 13 : i32
      %broadcast_in_dim3A_111 = vector.broadcast %jit3A_110 : i32 to vector<16xi32>
      %select_n3A_112 = arith.select %eq3A_109, %broadcast_in_dim3A_111, %select_n3A_108 : vector<16xi1>, vector<16xi32>
      %eq3A_113 = arith.cmpf oeq, %gather3A_77, %max3A_103 : vector<16xf32>
      %jit3A_114 = arith.constant 12 : i32
      %broadcast_in_dim3A_115 = vector.broadcast %jit3A_114 : i32 to vector<16xi32>
      %select_n3A_116 = arith.select %eq3A_113, %broadcast_in_dim3A_115, %select_n3A_112 : vector<16xi1>, vector<16xi32>
      %eq3A_117 = arith.cmpf oeq, %gather3A_73, %max3A_103 : vector<16xf32>
      %jit3A_118 = arith.constant 11 : i32
      %broadcast_in_dim3A_119 = vector.broadcast %jit3A_118 : i32 to vector<16xi32>
      %select_n3A_120 = arith.select %eq3A_117, %broadcast_in_dim3A_119, %select_n3A_116 : vector<16xi1>, vector<16xi32>
      %eq3A_121 = arith.cmpf oeq, %gather3A_69, %max3A_103 : vector<16xf32>
      %jit3A_122 = arith.constant 10 : i32
      %broadcast_in_dim3A_123 = vector.broadcast %jit3A_122 : i32 to vector<16xi32>
      %select_n3A_124 = arith.select %eq3A_121, %broadcast_in_dim3A_123, %select_n3A_120 : vector<16xi1>, vector<16xi32>
      %eq3A_125 = arith.cmpf oeq, %gather3A_65, %max3A_103 : vector<16xf32>
      %jit3A_126 = arith.constant 9 : i32
      %broadcast_in_dim3A_127 = vector.broadcast %jit3A_126 : i32 to vector<16xi32>
      %select_n3A_128 = arith.select %eq3A_125, %broadcast_in_dim3A_127, %select_n3A_124 : vector<16xi1>, vector<16xi32>
      %eq3A_129 = arith.cmpf oeq, %gather3A_61, %max3A_103 : vector<16xf32>
      %jit3A_130 = arith.constant 8 : i32
      %broadcast_in_dim3A_131 = vector.broadcast %jit3A_130 : i32 to vector<16xi32>
      %select_n3A_132 = arith.select %eq3A_129, %broadcast_in_dim3A_131, %select_n3A_128 : vector<16xi1>, vector<16xi32>
      %eq3A_133 = arith.cmpf oeq, %gather3A_57, %max3A_103 : vector<16xf32>
      %jit3A_134 = arith.constant 7 : i32
      %broadcast_in_dim3A_135 = vector.broadcast %jit3A_134 : i32 to vector<16xi32>
      %select_n3A_136 = arith.select %eq3A_133, %broadcast_in_dim3A_135, %select_n3A_132 : vector<16xi1>, vector<16xi32>
      %eq3A_137 = arith.cmpf oeq, %gather3A_53, %max3A_103 : vector<16xf32>
      %jit3A_138 = arith.constant 6 : i32
      %broadcast_in_dim3A_139 = vector.broadcast %jit3A_138 : i32 to vector<16xi32>
      %select_n3A_140 = arith.select %eq3A_137, %broadcast_in_dim3A_139, %select_n3A_136 : vector<16xi1>, vector<16xi32>
      %eq3A_141 = arith.cmpf oeq, %gather3A_49, %max3A_103 : vector<16xf32>
      %jit3A_142 = arith.constant 5 : i32
      %broadcast_in_dim3A_143 = vector.broadcast %jit3A_142 : i32 to vector<16xi32>
      %select_n3A_144 = arith.select %eq3A_141, %broadcast_in_dim3A_143, %select_n3A_140 : vector<16xi1>, vector<16xi32>
      %eq3A_145 = arith.cmpf oeq, %gather3A_45, %max3A_103 : vector<16xf32>
      %jit3A_146 = arith.constant 4 : i32
      %broadcast_in_dim3A_147 = vector.broadcast %jit3A_146 : i32 to vector<16xi32>
      %select_n3A_148 = arith.select %eq3A_145, %broadcast_in_dim3A_147, %select_n3A_144 : vector<16xi1>, vector<16xi32>
      %eq3A_149 = arith.cmpf oeq, %gather3A_41, %max3A_103 : vector<16xf32>
      %jit3A_150 = arith.constant 3 : i32
      %broadcast_in_dim3A_151 = vector.broadcast %jit3A_150 : i32 to vector<16xi32>
      %select_n3A_152 = arith.select %eq3A_149, %broadcast_in_dim3A_151, %select_n3A_148 : vector<16xi1>, vector<16xi32>
      %eq3A_153 = arith.cmpf oeq, %gather3A_37, %max3A_103 : vector<16xf32>
      %jit3A_154 = arith.constant 2 : i32
      %broadcast_in_dim3A_155 = vector.broadcast %jit3A_154 : i32 to vector<16xi32>
      %select_n3A_156 = arith.select %eq3A_153, %broadcast_in_dim3A_155, %select_n3A_152 : vector<16xi1>, vector<16xi32>
      %eq3A_157 = arith.cmpf oeq, %gather3A_33, %max3A_103 : vector<16xf32>
      %jit3A_158 = arith.constant 1 : i32
      %broadcast_in_dim3A_159 = vector.broadcast %jit3A_158 : i32 to vector<16xi32>
      %select_n3A_160 = arith.select %eq3A_157, %broadcast_in_dim3A_159, %select_n3A_156 : vector<16xi1>, vector<16xi32>
      %eq3A_161 = arith.cmpf oeq, %gather3A, %max3A_103 : vector<16xf32>
      %jit3A_162 = arith.constant 0 : i32
      %broadcast_in_dim3A_163 = vector.broadcast %jit3A_162 : i32 to vector<16xi32>
      %select_n3A_164 = arith.select %eq3A_161, %broadcast_in_dim3A_163, %select_n3A_160 : vector<16xi1>, vector<16xi32>
      %eq3A_165 = arith.constant 0 : i32
      %eq3A_166 = vector.broadcast %eq3A_165 : i32 to vector<16xi32>
      %eq3A_167 = arith.cmpi eq, %select_n3A_164, %eq3A_166 : vector<16xi32>
      %select_n3A_168 = arith.select %eq3A_167, %broadcast_in_dim3A_9, %gather3A : vector<16xi1>, vector<16xf32>
      %max3A_169 = arith.maximumf %broadcast_in_dim3A_9, %select_n3A_168 : vector<16xf32>
      %eq3A_170 = arith.constant 1 : i32
      %eq3A_171 = vector.broadcast %eq3A_170 : i32 to vector<16xi32>
      %eq3A_172 = arith.cmpi eq, %select_n3A_164, %eq3A_171 : vector<16xi32>
      %select_n3A_173 = arith.select %eq3A_172, %broadcast_in_dim3A_9, %gather3A_33 : vector<16xi1>, vector<16xf32>
      %max3A_174 = arith.maximumf %max3A_169, %select_n3A_173 : vector<16xf32>
      %eq3A_175 = arith.constant 2 : i32
      %eq3A_176 = vector.broadcast %eq3A_175 : i32 to vector<16xi32>
      %eq3A_177 = arith.cmpi eq, %select_n3A_164, %eq3A_176 : vector<16xi32>
      %select_n3A_178 = arith.select %eq3A_177, %broadcast_in_dim3A_9, %gather3A_37 : vector<16xi1>, vector<16xf32>
      %max3A_179 = arith.maximumf %max3A_174, %select_n3A_178 : vector<16xf32>
      %eq3A_180 = arith.constant 3 : i32
      %eq3A_181 = vector.broadcast %eq3A_180 : i32 to vector<16xi32>
      %eq3A_182 = arith.cmpi eq, %select_n3A_164, %eq3A_181 : vector<16xi32>
      %select_n3A_183 = arith.select %eq3A_182, %broadcast_in_dim3A_9, %gather3A_41 : vector<16xi1>, vector<16xf32>
      %max3A_184 = arith.maximumf %max3A_179, %select_n3A_183 : vector<16xf32>
      %eq3A_185 = arith.constant 4 : i32
      %eq3A_186 = vector.broadcast %eq3A_185 : i32 to vector<16xi32>
      %eq3A_187 = arith.cmpi eq, %select_n3A_164, %eq3A_186 : vector<16xi32>
      %select_n3A_188 = arith.select %eq3A_187, %broadcast_in_dim3A_9, %gather3A_45 : vector<16xi1>, vector<16xf32>
      %max3A_189 = arith.maximumf %max3A_184, %select_n3A_188 : vector<16xf32>
      %eq3A_190 = arith.constant 5 : i32
      %eq3A_191 = vector.broadcast %eq3A_190 : i32 to vector<16xi32>
      %eq3A_192 = arith.cmpi eq, %select_n3A_164, %eq3A_191 : vector<16xi32>
      %select_n3A_193 = arith.select %eq3A_192, %broadcast_in_dim3A_9, %gather3A_49 : vector<16xi1>, vector<16xf32>
      %max3A_194 = arith.maximumf %max3A_189, %select_n3A_193 : vector<16xf32>
      %eq3A_195 = arith.constant 6 : i32
      %eq3A_196 = vector.broadcast %eq3A_195 : i32 to vector<16xi32>
      %eq3A_197 = arith.cmpi eq, %select_n3A_164, %eq3A_196 : vector<16xi32>
      %select_n3A_198 = arith.select %eq3A_197, %broadcast_in_dim3A_9, %gather3A_53 : vector<16xi1>, vector<16xf32>
      %max3A_199 = arith.maximumf %max3A_194, %select_n3A_198 : vector<16xf32>
      %eq3A_200 = arith.constant 7 : i32
      %eq3A_201 = vector.broadcast %eq3A_200 : i32 to vector<16xi32>
      %eq3A_202 = arith.cmpi eq, %select_n3A_164, %eq3A_201 : vector<16xi32>
      %select_n3A_203 = arith.select %eq3A_202, %broadcast_in_dim3A_9, %gather3A_57 : vector<16xi1>, vector<16xf32>
      %max3A_204 = arith.maximumf %max3A_199, %select_n3A_203 : vector<16xf32>
      %eq3A_205 = arith.constant 8 : i32
      %eq3A_206 = vector.broadcast %eq3A_205 : i32 to vector<16xi32>
      %eq3A_207 = arith.cmpi eq, %select_n3A_164, %eq3A_206 : vector<16xi32>
      %select_n3A_208 = arith.select %eq3A_207, %broadcast_in_dim3A_9, %gather3A_61 : vector<16xi1>, vector<16xf32>
      %max3A_209 = arith.maximumf %max3A_204, %select_n3A_208 : vector<16xf32>
      %eq3A_210 = arith.constant 9 : i32
      %eq3A_211 = vector.broadcast %eq3A_210 : i32 to vector<16xi32>
      %eq3A_212 = arith.cmpi eq, %select_n3A_164, %eq3A_211 : vector<16xi32>
      %select_n3A_213 = arith.select %eq3A_212, %broadcast_in_dim3A_9, %gather3A_65 : vector<16xi1>, vector<16xf32>
      %max3A_214 = arith.maximumf %max3A_209, %select_n3A_213 : vector<16xf32>
      %eq3A_215 = arith.constant 10 : i32
      %eq3A_216 = vector.broadcast %eq3A_215 : i32 to vector<16xi32>
      %eq3A_217 = arith.cmpi eq, %select_n3A_164, %eq3A_216 : vector<16xi32>
      %select_n3A_218 = arith.select %eq3A_217, %broadcast_in_dim3A_9, %gather3A_69 : vector<16xi1>, vector<16xf32>
      %max3A_219 = arith.maximumf %max3A_214, %select_n3A_218 : vector<16xf32>
      %eq3A_220 = arith.constant 11 : i32
      %eq3A_221 = vector.broadcast %eq3A_220 : i32 to vector<16xi32>
      %eq3A_222 = arith.cmpi eq, %select_n3A_164, %eq3A_221 : vector<16xi32>
      %select_n3A_223 = arith.select %eq3A_222, %broadcast_in_dim3A_9, %gather3A_73 : vector<16xi1>, vector<16xf32>
      %max3A_224 = arith.maximumf %max3A_219, %select_n3A_223 : vector<16xf32>
      %eq3A_225 = arith.constant 12 : i32
      %eq3A_226 = vector.broadcast %eq3A_225 : i32 to vector<16xi32>
      %eq3A_227 = arith.cmpi eq, %select_n3A_164, %eq3A_226 : vector<16xi32>
      %select_n3A_228 = arith.select %eq3A_227, %broadcast_in_dim3A_9, %gather3A_77 : vector<16xi1>, vector<16xf32>
      %max3A_229 = arith.maximumf %max3A_224, %select_n3A_228 : vector<16xf32>
      %eq3A_230 = arith.constant 13 : i32
      %eq3A_231 = vector.broadcast %eq3A_230 : i32 to vector<16xi32>
      %eq3A_232 = arith.cmpi eq, %select_n3A_164, %eq3A_231 : vector<16xi32>
      %select_n3A_233 = arith.select %eq3A_232, %broadcast_in_dim3A_9, %gather3A_81 : vector<16xi1>, vector<16xf32>
      %max3A_234 = arith.maximumf %max3A_229, %select_n3A_233 : vector<16xf32>
      %eq3A_235 = arith.constant 14 : i32
      %eq3A_236 = vector.broadcast %eq3A_235 : i32 to vector<16xi32>
      %eq3A_237 = arith.cmpi eq, %select_n3A_164, %eq3A_236 : vector<16xi32>
      %select_n3A_238 = arith.select %eq3A_237, %broadcast_in_dim3A_9, %gather3A_85 : vector<16xi1>, vector<16xf32>
      %max3A_239 = arith.maximumf %max3A_234, %select_n3A_238 : vector<16xf32>
      %eq3A_240 = arith.constant 15 : i32
      %eq3A_241 = vector.broadcast %eq3A_240 : i32 to vector<16xi32>
      %eq3A_242 = arith.cmpi eq, %select_n3A_164, %eq3A_241 : vector<16xi32>
      %select_n3A_243 = arith.select %eq3A_242, %broadcast_in_dim3A_9, %gather3A_89 : vector<16xi1>, vector<16xf32>
      %max3A_244 = arith.maximumf %max3A_239, %select_n3A_243 : vector<16xf32>
      %eq3A_245 = arith.cmpf oeq, %gather3A_89, %max3A_244 : vector<16xf32>
      %ne3A = arith.constant 15 : i32
      %ne3A_246 = vector.broadcast %ne3A : i32 to vector<16xi32>
      %ne3A_247 = arith.cmpi ne, %select_n3A_164, %ne3A_246 : vector<16xi32>
      %and3A = arith.andi %eq3A_245, %ne3A_247 : vector<16xi1>
      %jit3A_248 = arith.constant 15 : i32
      %broadcast_in_dim3A_249 = vector.broadcast %jit3A_248 : i32 to vector<16xi32>
      %select_n3A_250 = arith.select %and3A, %broadcast_in_dim3A_249, %broadcast_in_dim3A_5 : vector<16xi1>, vector<16xi32>
      %eq3A_251 = arith.cmpf oeq, %gather3A_85, %max3A_244 : vector<16xf32>
      %ne3A_252 = arith.constant 14 : i32
      %ne3A_253 = vector.broadcast %ne3A_252 : i32 to vector<16xi32>
      %ne3A_254 = arith.cmpi ne, %select_n3A_164, %ne3A_253 : vector<16xi32>
      %and3A_255 = arith.andi %eq3A_251, %ne3A_254 : vector<16xi1>
      %jit3A_256 = arith.constant 14 : i32
      %broadcast_in_dim3A_257 = vector.broadcast %jit3A_256 : i32 to vector<16xi32>
      %select_n3A_258 = arith.select %and3A_255, %broadcast_in_dim3A_257, %select_n3A_250 : vector<16xi1>, vector<16xi32>
      %eq3A_259 = arith.cmpf oeq, %gather3A_81, %max3A_244 : vector<16xf32>
      %ne3A_260 = arith.constant 13 : i32
      %ne3A_261 = vector.broadcast %ne3A_260 : i32 to vector<16xi32>
      %ne3A_262 = arith.cmpi ne, %select_n3A_164, %ne3A_261 : vector<16xi32>
      %and3A_263 = arith.andi %eq3A_259, %ne3A_262 : vector<16xi1>
      %jit3A_264 = arith.constant 13 : i32
      %broadcast_in_dim3A_265 = vector.broadcast %jit3A_264 : i32 to vector<16xi32>
      %select_n3A_266 = arith.select %and3A_263, %broadcast_in_dim3A_265, %select_n3A_258 : vector<16xi1>, vector<16xi32>
      %eq3A_267 = arith.cmpf oeq, %gather3A_77, %max3A_244 : vector<16xf32>
      %ne3A_268 = arith.constant 12 : i32
      %ne3A_269 = vector.broadcast %ne3A_268 : i32 to vector<16xi32>
      %ne3A_270 = arith.cmpi ne, %select_n3A_164, %ne3A_269 : vector<16xi32>
      %and3A_271 = arith.andi %eq3A_267, %ne3A_270 : vector<16xi1>
      %jit3A_272 = arith.constant 12 : i32
      %broadcast_in_dim3A_273 = vector.broadcast %jit3A_272 : i32 to vector<16xi32>
      %select_n3A_274 = arith.select %and3A_271, %broadcast_in_dim3A_273, %select_n3A_266 : vector<16xi1>, vector<16xi32>
      %eq3A_275 = arith.cmpf oeq, %gather3A_73, %max3A_244 : vector<16xf32>
      %ne3A_276 = arith.constant 11 : i32
      %ne3A_277 = vector.broadcast %ne3A_276 : i32 to vector<16xi32>
      %ne3A_278 = arith.cmpi ne, %select_n3A_164, %ne3A_277 : vector<16xi32>
      %and3A_279 = arith.andi %eq3A_275, %ne3A_278 : vector<16xi1>
      %jit3A_280 = arith.constant 11 : i32
      %broadcast_in_dim3A_281 = vector.broadcast %jit3A_280 : i32 to vector<16xi32>
      %select_n3A_282 = arith.select %and3A_279, %broadcast_in_dim3A_281, %select_n3A_274 : vector<16xi1>, vector<16xi32>
      %eq3A_283 = arith.cmpf oeq, %gather3A_69, %max3A_244 : vector<16xf32>
      %ne3A_284 = arith.constant 10 : i32
      %ne3A_285 = vector.broadcast %ne3A_284 : i32 to vector<16xi32>
      %ne3A_286 = arith.cmpi ne, %select_n3A_164, %ne3A_285 : vector<16xi32>
      %and3A_287 = arith.andi %eq3A_283, %ne3A_286 : vector<16xi1>
      %jit3A_288 = arith.constant 10 : i32
      %broadcast_in_dim3A_289 = vector.broadcast %jit3A_288 : i32 to vector<16xi32>
      %select_n3A_290 = arith.select %and3A_287, %broadcast_in_dim3A_289, %select_n3A_282 : vector<16xi1>, vector<16xi32>
      %eq3A_291 = arith.cmpf oeq, %gather3A_65, %max3A_244 : vector<16xf32>
      %ne3A_292 = arith.constant 9 : i32
      %ne3A_293 = vector.broadcast %ne3A_292 : i32 to vector<16xi32>
      %ne3A_294 = arith.cmpi ne, %select_n3A_164, %ne3A_293 : vector<16xi32>
      %and3A_295 = arith.andi %eq3A_291, %ne3A_294 : vector<16xi1>
      %jit3A_296 = arith.constant 9 : i32
      %broadcast_in_dim3A_297 = vector.broadcast %jit3A_296 : i32 to vector<16xi32>
      %select_n3A_298 = arith.select %and3A_295, %broadcast_in_dim3A_297, %select_n3A_290 : vector<16xi1>, vector<16xi32>
      %eq3A_299 = arith.cmpf oeq, %gather3A_61, %max3A_244 : vector<16xf32>
      %ne3A_300 = arith.constant 8 : i32
      %ne3A_301 = vector.broadcast %ne3A_300 : i32 to vector<16xi32>
      %ne3A_302 = arith.cmpi ne, %select_n3A_164, %ne3A_301 : vector<16xi32>
      %and3A_303 = arith.andi %eq3A_299, %ne3A_302 : vector<16xi1>
      %jit3A_304 = arith.constant 8 : i32
      %broadcast_in_dim3A_305 = vector.broadcast %jit3A_304 : i32 to vector<16xi32>
      %select_n3A_306 = arith.select %and3A_303, %broadcast_in_dim3A_305, %select_n3A_298 : vector<16xi1>, vector<16xi32>
      %eq3A_307 = arith.cmpf oeq, %gather3A_57, %max3A_244 : vector<16xf32>
      %ne3A_308 = arith.constant 7 : i32
      %ne3A_309 = vector.broadcast %ne3A_308 : i32 to vector<16xi32>
      %ne3A_310 = arith.cmpi ne, %select_n3A_164, %ne3A_309 : vector<16xi32>
      %and3A_311 = arith.andi %eq3A_307, %ne3A_310 : vector<16xi1>
      %jit3A_312 = arith.constant 7 : i32
      %broadcast_in_dim3A_313 = vector.broadcast %jit3A_312 : i32 to vector<16xi32>
      %select_n3A_314 = arith.select %and3A_311, %broadcast_in_dim3A_313, %select_n3A_306 : vector<16xi1>, vector<16xi32>
      %eq3A_315 = arith.cmpf oeq, %gather3A_53, %max3A_244 : vector<16xf32>
      %ne3A_316 = arith.constant 6 : i32
      %ne3A_317 = vector.broadcast %ne3A_316 : i32 to vector<16xi32>
      %ne3A_318 = arith.cmpi ne, %select_n3A_164, %ne3A_317 : vector<16xi32>
      %and3A_319 = arith.andi %eq3A_315, %ne3A_318 : vector<16xi1>
      %jit3A_320 = arith.constant 6 : i32
      %broadcast_in_dim3A_321 = vector.broadcast %jit3A_320 : i32 to vector<16xi32>
      %select_n3A_322 = arith.select %and3A_319, %broadcast_in_dim3A_321, %select_n3A_314 : vector<16xi1>, vector<16xi32>
      %eq3A_323 = arith.cmpf oeq, %gather3A_49, %max3A_244 : vector<16xf32>
      %ne3A_324 = arith.constant 5 : i32
      %ne3A_325 = vector.broadcast %ne3A_324 : i32 to vector<16xi32>
      %ne3A_326 = arith.cmpi ne, %select_n3A_164, %ne3A_325 : vector<16xi32>
      %and3A_327 = arith.andi %eq3A_323, %ne3A_326 : vector<16xi1>
      %jit3A_328 = arith.constant 5 : i32
      %broadcast_in_dim3A_329 = vector.broadcast %jit3A_328 : i32 to vector<16xi32>
      %select_n3A_330 = arith.select %and3A_327, %broadcast_in_dim3A_329, %select_n3A_322 : vector<16xi1>, vector<16xi32>
      %eq3A_331 = arith.cmpf oeq, %gather3A_45, %max3A_244 : vector<16xf32>
      %ne3A_332 = arith.constant 4 : i32
      %ne3A_333 = vector.broadcast %ne3A_332 : i32 to vector<16xi32>
      %ne3A_334 = arith.cmpi ne, %select_n3A_164, %ne3A_333 : vector<16xi32>
      %and3A_335 = arith.andi %eq3A_331, %ne3A_334 : vector<16xi1>
      %jit3A_336 = arith.constant 4 : i32
      %broadcast_in_dim3A_337 = vector.broadcast %jit3A_336 : i32 to vector<16xi32>
      %select_n3A_338 = arith.select %and3A_335, %broadcast_in_dim3A_337, %select_n3A_330 : vector<16xi1>, vector<16xi32>
      %eq3A_339 = arith.cmpf oeq, %gather3A_41, %max3A_244 : vector<16xf32>
      %ne3A_340 = arith.constant 3 : i32
      %ne3A_341 = vector.broadcast %ne3A_340 : i32 to vector<16xi32>
      %ne3A_342 = arith.cmpi ne, %select_n3A_164, %ne3A_341 : vector<16xi32>
      %and3A_343 = arith.andi %eq3A_339, %ne3A_342 : vector<16xi1>
      %jit3A_344 = arith.constant 3 : i32
      %broadcast_in_dim3A_345 = vector.broadcast %jit3A_344 : i32 to vector<16xi32>
      %select_n3A_346 = arith.select %and3A_343, %broadcast_in_dim3A_345, %select_n3A_338 : vector<16xi1>, vector<16xi32>
      %eq3A_347 = arith.cmpf oeq, %gather3A_37, %max3A_244 : vector<16xf32>
      %ne3A_348 = arith.constant 2 : i32
      %ne3A_349 = vector.broadcast %ne3A_348 : i32 to vector<16xi32>
      %ne3A_350 = arith.cmpi ne, %select_n3A_164, %ne3A_349 : vector<16xi32>
      %and3A_351 = arith.andi %eq3A_347, %ne3A_350 : vector<16xi1>
      %jit3A_352 = arith.constant 2 : i32
      %broadcast_in_dim3A_353 = vector.broadcast %jit3A_352 : i32 to vector<16xi32>
      %select_n3A_354 = arith.select %and3A_351, %broadcast_in_dim3A_353, %select_n3A_346 : vector<16xi1>, vector<16xi32>
      %eq3A_355 = arith.cmpf oeq, %gather3A_33, %max3A_244 : vector<16xf32>
      %ne3A_356 = arith.constant 1 : i32
      %ne3A_357 = vector.broadcast %ne3A_356 : i32 to vector<16xi32>
      %ne3A_358 = arith.cmpi ne, %select_n3A_164, %ne3A_357 : vector<16xi32>
      %and3A_359 = arith.andi %eq3A_355, %ne3A_358 : vector<16xi1>
      %jit3A_360 = arith.constant 1 : i32
      %broadcast_in_dim3A_361 = vector.broadcast %jit3A_360 : i32 to vector<16xi32>
      %select_n3A_362 = arith.select %and3A_359, %broadcast_in_dim3A_361, %select_n3A_354 : vector<16xi1>, vector<16xi32>
      %eq3A_363 = arith.cmpf oeq, %gather3A, %max3A_244 : vector<16xf32>
      %ne3A_364 = arith.constant 0 : i32
      %ne3A_365 = vector.broadcast %ne3A_364 : i32 to vector<16xi32>
      %ne3A_366 = arith.cmpi ne, %select_n3A_164, %ne3A_365 : vector<16xi32>
      %and3A_367 = arith.andi %eq3A_363, %ne3A_366 : vector<16xi1>
      %jit3A_368 = arith.constant 0 : i32
      %broadcast_in_dim3A_369 = vector.broadcast %jit3A_368 : i32 to vector<16xi32>
      %select_n3A_370 = arith.select %and3A_367, %broadcast_in_dim3A_369, %select_n3A_362 : vector<16xi1>, vector<16xi32>
      %sub3A = arith.subf %max3A_244, %max3A_103 : vector<16xf32>
      %exp3A = math.exp %sub3A : vector<16xf32>
      %add3A_371 = arith.constant 1.000000e+00 : f32
      %add3A_372 = vector.broadcast %add3A_371 : f32 to vector<16xf32>
      %add3A_373 = arith.addf %exp3A, %add3A_372 : vector<16xf32>
      %div3A = arith.constant 1.000000e+00 : f32
      %div3A_374 = vector.broadcast %div3A : f32 to vector<16xf32>
      %div3A_375 = arith.divf %div3A_374, %add3A_373 : vector<16xf32>
      %div3A_376 = arith.divf %exp3A, %add3A_373 : vector<16xf32>
      %eq3A_377 = arith.constant 0 : i32
      %eq3A_378 = vector.broadcast %eq3A_377 : i32 to vector<16xi32>
      %eq3A_379 = arith.cmpi eq, %select_n3A_164, %eq3A_378 : vector<16xi32>
      %eq3A_380 = arith.constant 0 : i32
      %eq3A_381 = vector.broadcast %eq3A_380 : i32 to vector<16xi32>
      %eq3A_382 = arith.cmpi eq, %select_n3A_370, %eq3A_381 : vector<16xi32>
      %select_n3A_383 = arith.select %eq3A_382, %div3A_376, %broadcast_in_dim3A_7 : vector<16xi1>, vector<16xf32>
      %select_n3A_384 = arith.select %eq3A_379, %div3A_375, %select_n3A_383 : vector<16xi1>, vector<16xf32>
      %add3A_385 = arith.constant 0 : i32
      %add3A_386 = vector.broadcast %add3A_385 : i32 to vector<16xi32>
      %add3A_387 = arith.addi %mul3A_26, %add3A_386 : vector<16xi32>
      tpu.vector_store_idx %arg6[%add3A_387], %select_n3A_384 : memref<4096xf32, #tpu.memory_space<vmem>>[vector<16xi32>], vector<16xf32>,
      %eq3A_388 = arith.constant 1 : i32
      %eq3A_389 = vector.broadcast %eq3A_388 : i32 to vector<16xi32>
      %eq3A_390 = arith.cmpi eq, %select_n3A_164, %eq3A_389 : vector<16xi32>
      %eq3A_391 = arith.constant 1 : i32
      %eq3A_392 = vector.broadcast %eq3A_391 : i32 to vector<16xi32>
      %eq3A_393 = arith.cmpi eq, %select_n3A_370, %eq3A_392 : vector<16xi32>
      %select_n3A_394 = arith.select %eq3A_393, %div3A_376, %broadcast_in_dim3A_7 : vector<16xi1>, vector<16xf32>
      %select_n3A_395 = arith.select %eq3A_390, %div3A_375, %select_n3A_394 : vector<16xi1>, vector<16xf32>
      %add3A_396 = arith.constant 1 : i32
      %add3A_397 = vector.broadcast %add3A_396 : i32 to vector<16xi32>
      %add3A_398 = arith.addi %mul3A_26, %add3A_397 : vector<16xi32>
      tpu.vector_store_idx %arg6[%add3A_398], %select_n3A_395 : memref<4096xf32, #tpu.memory_space<vmem>>[vector<16xi32>], vector<16xf32>,
      %eq3A_399 = arith.constant 2 : i32
      %eq3A_400 = vector.broadcast %eq3A_399 : i32 to vector<16xi32>
      %eq3A_401 = arith.cmpi eq, %select_n3A_164, %eq3A_400 : vector<16xi32>
      %eq3A_402 = arith.constant 2 : i32
      %eq3A_403 = vector.broadcast %eq3A_402 : i32 to vector<16xi32>
      %eq3A_404 = arith.cmpi eq, %select_n3A_370, %eq3A_403 : vector<16xi32>
      %select_n3A_405 = arith.select %eq3A_404, %div3A_376, %broadcast_in_dim3A_7 : vector<16xi1>, vector<16xf32>
      %select_n3A_406 = arith.select %eq3A_401, %div3A_375, %select_n3A_405 : vector<16xi1>, vector<16xf32>
      %add3A_407 = arith.constant 2 : i32
      %add3A_408 = vector.broadcast %add3A_407 : i32 to vector<16xi32>
      %add3A_409 = arith.addi %mul3A_26, %add3A_408 : vector<16xi32>
      tpu.vector_store_idx %arg6[%add3A_409], %select_n3A_406 : memref<4096xf32, #tpu.memory_space<vmem>>[vector<16xi32>], vector<16xf32>,
      %eq3A_410 = arith.constant 3 : i32
      %eq3A_411 = vector.broadcast %eq3A_410 : i32 to vector<16xi32>
      %eq3A_412 = arith.cmpi eq, %select_n3A_164, %eq3A_411 : vector<16xi32>
      %eq3A_413 = arith.constant 3 : i32
      %eq3A_414 = vector.broadcast %eq3A_413 : i32 to vector<16xi32>
      %eq3A_415 = arith.cmpi eq, %select_n3A_370, %eq3A_414 : vector<16xi32>
      %select_n3A_416 = arith.select %eq3A_415, %div3A_376, %broadcast_in_dim3A_7 : vector<16xi1>, vector<16xf32>
      %select_n3A_417 = arith.select %eq3A_412, %div3A_375, %select_n3A_416 : vector<16xi1>, vector<16xf32>
      %add3A_418 = arith.constant 3 : i32
      %add3A_419 = vector.broadcast %add3A_418 : i32 to vector<16xi32>
      %add3A_420 = arith.addi %mul3A_26, %add3A_419 : vector<16xi32>
      tpu.vector_store_idx %arg6[%add3A_420], %select_n3A_417 : memref<4096xf32, #tpu.memory_space<vmem>>[vector<16xi32>], vector<16xf32>,
      %eq3A_421 = arith.constant 4 : i32
      %eq3A_422 = vector.broadcast %eq3A_421 : i32 to vector<16xi32>
      %eq3A_423 = arith.cmpi eq, %select_n3A_164, %eq3A_422 : vector<16xi32>
      %eq3A_424 = arith.constant 4 : i32
      %eq3A_425 = vector.broadcast %eq3A_424 : i32 to vector<16xi32>
      %eq3A_426 = arith.cmpi eq, %select_n3A_370, %eq3A_425 : vector<16xi32>
      %select_n3A_427 = arith.select %eq3A_426, %div3A_376, %broadcast_in_dim3A_7 : vector<16xi1>, vector<16xf32>
      %select_n3A_428 = arith.select %eq3A_423, %div3A_375, %select_n3A_427 : vector<16xi1>, vector<16xf32>
      %add3A_429 = arith.constant 4 : i32
      %add3A_430 = vector.broadcast %add3A_429 : i32 to vector<16xi32>
      %add3A_431 = arith.addi %mul3A_26, %add3A_430 : vector<16xi32>
      tpu.vector_store_idx %arg6[%add3A_431], %select_n3A_428 : memref<4096xf32, #tpu.memory_space<vmem>>[vector<16xi32>], vector<16xf32>,
      %eq3A_432 = arith.constant 5 : i32
      %eq3A_433 = vector.broadcast %eq3A_432 : i32 to vector<16xi32>
      %eq3A_434 = arith.cmpi eq, %select_n3A_164, %eq3A_433 : vector<16xi32>
      %eq3A_435 = arith.constant 5 : i32
      %eq3A_436 = vector.broadcast %eq3A_435 : i32 to vector<16xi32>
      %eq3A_437 = arith.cmpi eq, %select_n3A_370, %eq3A_436 : vector<16xi32>
      %select_n3A_438 = arith.select %eq3A_437, %div3A_376, %broadcast_in_dim3A_7 : vector<16xi1>, vector<16xf32>
      %select_n3A_439 = arith.select %eq3A_434, %div3A_375, %select_n3A_438 : vector<16xi1>, vector<16xf32>
      %add3A_440 = arith.constant 5 : i32
      %add3A_441 = vector.broadcast %add3A_440 : i32 to vector<16xi32>
      %add3A_442 = arith.addi %mul3A_26, %add3A_441 : vector<16xi32>
      tpu.vector_store_idx %arg6[%add3A_442], %select_n3A_439 : memref<4096xf32, #tpu.memory_space<vmem>>[vector<16xi32>], vector<16xf32>,
      %eq3A_443 = arith.constant 6 : i32
      %eq3A_444 = vector.broadcast %eq3A_443 : i32 to vector<16xi32>
      %eq3A_445 = arith.cmpi eq, %select_n3A_164, %eq3A_444 : vector<16xi32>
      %eq3A_446 = arith.constant 6 : i32
      %eq3A_447 = vector.broadcast %eq3A_446 : i32 to vector<16xi32>
      %eq3A_448 = arith.cmpi eq, %select_n3A_370, %eq3A_447 : vector<16xi32>
      %select_n3A_449 = arith.select %eq3A_448, %div3A_376, %broadcast_in_dim3A_7 : vector<16xi1>, vector<16xf32>
      %select_n3A_450 = arith.select %eq3A_445, %div3A_375, %select_n3A_449 : vector<16xi1>, vector<16xf32>
      %add3A_451 = arith.constant 6 : i32
      %add3A_452 = vector.broadcast %add3A_451 : i32 to vector<16xi32>
      %add3A_453 = arith.addi %mul3A_26, %add3A_452 : vector<16xi32>
      tpu.vector_store_idx %arg6[%add3A_453], %select_n3A_450 : memref<4096xf32, #tpu.memory_space<vmem>>[vector<16xi32>], vector<16xf32>,
      %eq3A_454 = arith.constant 7 : i32
      %eq3A_455 = vector.broadcast %eq3A_454 : i32 to vector<16xi32>
      %eq3A_456 = arith.cmpi eq, %select_n3A_164, %eq3A_455 : vector<16xi32>
      %eq3A_457 = arith.constant 7 : i32
      %eq3A_458 = vector.broadcast %eq3A_457 : i32 to vector<16xi32>
      %eq3A_459 = arith.cmpi eq, %select_n3A_370, %eq3A_458 : vector<16xi32>
      %select_n3A_460 = arith.select %eq3A_459, %div3A_376, %broadcast_in_dim3A_7 : vector<16xi1>, vector<16xf32>
      %select_n3A_461 = arith.select %eq3A_456, %div3A_375, %select_n3A_460 : vector<16xi1>, vector<16xf32>
      %add3A_462 = arith.constant 7 : i32
      %add3A_463 = vector.broadcast %add3A_462 : i32 to vector<16xi32>
      %add3A_464 = arith.addi %mul3A_26, %add3A_463 : vector<16xi32>
      tpu.vector_store_idx %arg6[%add3A_464], %select_n3A_461 : memref<4096xf32, #tpu.memory_space<vmem>>[vector<16xi32>], vector<16xf32>,
      %eq3A_465 = arith.constant 8 : i32
      %eq3A_466 = vector.broadcast %eq3A_465 : i32 to vector<16xi32>
      %eq3A_467 = arith.cmpi eq, %select_n3A_164, %eq3A_466 : vector<16xi32>
      %eq3A_468 = arith.constant 8 : i32
      %eq3A_469 = vector.broadcast %eq3A_468 : i32 to vector<16xi32>
      %eq3A_470 = arith.cmpi eq, %select_n3A_370, %eq3A_469 : vector<16xi32>
      %select_n3A_471 = arith.select %eq3A_470, %div3A_376, %broadcast_in_dim3A_7 : vector<16xi1>, vector<16xf32>
      %select_n3A_472 = arith.select %eq3A_467, %div3A_375, %select_n3A_471 : vector<16xi1>, vector<16xf32>
      %add3A_473 = arith.constant 8 : i32
      %add3A_474 = vector.broadcast %add3A_473 : i32 to vector<16xi32>
      %add3A_475 = arith.addi %mul3A_26, %add3A_474 : vector<16xi32>
      tpu.vector_store_idx %arg6[%add3A_475], %select_n3A_472 : memref<4096xf32, #tpu.memory_space<vmem>>[vector<16xi32>], vector<16xf32>,
      %eq3A_476 = arith.constant 9 : i32
      %eq3A_477 = vector.broadcast %eq3A_476 : i32 to vector<16xi32>
      %eq3A_478 = arith.cmpi eq, %select_n3A_164, %eq3A_477 : vector<16xi32>
      %eq3A_479 = arith.constant 9 : i32
      %eq3A_480 = vector.broadcast %eq3A_479 : i32 to vector<16xi32>
      %eq3A_481 = arith.cmpi eq, %select_n3A_370, %eq3A_480 : vector<16xi32>
      %select_n3A_482 = arith.select %eq3A_481, %div3A_376, %broadcast_in_dim3A_7 : vector<16xi1>, vector<16xf32>
      %select_n3A_483 = arith.select %eq3A_478, %div3A_375, %select_n3A_482 : vector<16xi1>, vector<16xf32>
      %add3A_484 = arith.constant 9 : i32
      %add3A_485 = vector.broadcast %add3A_484 : i32 to vector<16xi32>
      %add3A_486 = arith.addi %mul3A_26, %add3A_485 : vector<16xi32>
      tpu.vector_store_idx %arg6[%add3A_486], %select_n3A_483 : memref<4096xf32, #tpu.memory_space<vmem>>[vector<16xi32>], vector<16xf32>,
      %eq3A_487 = arith.constant 10 : i32
      %eq3A_488 = vector.broadcast %eq3A_487 : i32 to vector<16xi32>
      %eq3A_489 = arith.cmpi eq, %select_n3A_164, %eq3A_488 : vector<16xi32>
      %eq3A_490 = arith.constant 10 : i32
      %eq3A_491 = vector.broadcast %eq3A_490 : i32 to vector<16xi32>
      %eq3A_492 = arith.cmpi eq, %select_n3A_370, %eq3A_491 : vector<16xi32>
      %select_n3A_493 = arith.select %eq3A_492, %div3A_376, %broadcast_in_dim3A_7 : vector<16xi1>, vector<16xf32>
      %select_n3A_494 = arith.select %eq3A_489, %div3A_375, %select_n3A_493 : vector<16xi1>, vector<16xf32>
      %add3A_495 = arith.constant 10 : i32
      %add3A_496 = vector.broadcast %add3A_495 : i32 to vector<16xi32>
      %add3A_497 = arith.addi %mul3A_26, %add3A_496 : vector<16xi32>
      tpu.vector_store_idx %arg6[%add3A_497], %select_n3A_494 : memref<4096xf32, #tpu.memory_space<vmem>>[vector<16xi32>], vector<16xf32>,
      %eq3A_498 = arith.constant 11 : i32
      %eq3A_499 = vector.broadcast %eq3A_498 : i32 to vector<16xi32>
      %eq3A_500 = arith.cmpi eq, %select_n3A_164, %eq3A_499 : vector<16xi32>
      %eq3A_501 = arith.constant 11 : i32
      %eq3A_502 = vector.broadcast %eq3A_501 : i32 to vector<16xi32>
      %eq3A_503 = arith.cmpi eq, %select_n3A_370, %eq3A_502 : vector<16xi32>
      %select_n3A_504 = arith.select %eq3A_503, %div3A_376, %broadcast_in_dim3A_7 : vector<16xi1>, vector<16xf32>
      %select_n3A_505 = arith.select %eq3A_500, %div3A_375, %select_n3A_504 : vector<16xi1>, vector<16xf32>
      %add3A_506 = arith.constant 11 : i32
      %add3A_507 = vector.broadcast %add3A_506 : i32 to vector<16xi32>
      %add3A_508 = arith.addi %mul3A_26, %add3A_507 : vector<16xi32>
      tpu.vector_store_idx %arg6[%add3A_508], %select_n3A_505 : memref<4096xf32, #tpu.memory_space<vmem>>[vector<16xi32>], vector<16xf32>,
      %eq3A_509 = arith.constant 12 : i32
      %eq3A_510 = vector.broadcast %eq3A_509 : i32 to vector<16xi32>
      %eq3A_511 = arith.cmpi eq, %select_n3A_164, %eq3A_510 : vector<16xi32>
      %eq3A_512 = arith.constant 12 : i32
      %eq3A_513 = vector.broadcast %eq3A_512 : i32 to vector<16xi32>
      %eq3A_514 = arith.cmpi eq, %select_n3A_370, %eq3A_513 : vector<16xi32>
      %select_n3A_515 = arith.select %eq3A_514, %div3A_376, %broadcast_in_dim3A_7 : vector<16xi1>, vector<16xf32>
      %select_n3A_516 = arith.select %eq3A_511, %div3A_375, %select_n3A_515 : vector<16xi1>, vector<16xf32>
      %add3A_517 = arith.constant 12 : i32
      %add3A_518 = vector.broadcast %add3A_517 : i32 to vector<16xi32>
      %add3A_519 = arith.addi %mul3A_26, %add3A_518 : vector<16xi32>
      tpu.vector_store_idx %arg6[%add3A_519], %select_n3A_516 : memref<4096xf32, #tpu.memory_space<vmem>>[vector<16xi32>], vector<16xf32>,
      %eq3A_520 = arith.constant 13 : i32
      %eq3A_521 = vector.broadcast %eq3A_520 : i32 to vector<16xi32>
      %eq3A_522 = arith.cmpi eq, %select_n3A_164, %eq3A_521 : vector<16xi32>
      %eq3A_523 = arith.constant 13 : i32
      %eq3A_524 = vector.broadcast %eq3A_523 : i32 to vector<16xi32>
      %eq3A_525 = arith.cmpi eq, %select_n3A_370, %eq3A_524 : vector<16xi32>
      %select_n3A_526 = arith.select %eq3A_525, %div3A_376, %broadcast_in_dim3A_7 : vector<16xi1>, vector<16xf32>
      %select_n3A_527 = arith.select %eq3A_522, %div3A_375, %select_n3A_526 : vector<16xi1>, vector<16xf32>
      %add3A_528 = arith.constant 13 : i32
      %add3A_529 = vector.broadcast %add3A_528 : i32 to vector<16xi32>
      %add3A_530 = arith.addi %mul3A_26, %add3A_529 : vector<16xi32>
      tpu.vector_store_idx %arg6[%add3A_530], %select_n3A_527 : memref<4096xf32, #tpu.memory_space<vmem>>[vector<16xi32>], vector<16xf32>,
      %eq3A_531 = arith.constant 14 : i32
      %eq3A_532 = vector.broadcast %eq3A_531 : i32 to vector<16xi32>
      %eq3A_533 = arith.cmpi eq, %select_n3A_164, %eq3A_532 : vector<16xi32>
      %eq3A_534 = arith.constant 14 : i32
      %eq3A_535 = vector.broadcast %eq3A_534 : i32 to vector<16xi32>
      %eq3A_536 = arith.cmpi eq, %select_n3A_370, %eq3A_535 : vector<16xi32>
      %select_n3A_537 = arith.select %eq3A_536, %div3A_376, %broadcast_in_dim3A_7 : vector<16xi1>, vector<16xf32>
      %select_n3A_538 = arith.select %eq3A_533, %div3A_375, %select_n3A_537 : vector<16xi1>, vector<16xf32>
      %add3A_539 = arith.constant 14 : i32
      %add3A_540 = vector.broadcast %add3A_539 : i32 to vector<16xi32>
      %add3A_541 = arith.addi %mul3A_26, %add3A_540 : vector<16xi32>
      tpu.vector_store_idx %arg6[%add3A_541], %select_n3A_538 : memref<4096xf32, #tpu.memory_space<vmem>>[vector<16xi32>], vector<16xf32>,
      %eq3A_542 = arith.constant 15 : i32
      %eq3A_543 = vector.broadcast %eq3A_542 : i32 to vector<16xi32>
      %eq3A_544 = arith.cmpi eq, %select_n3A_164, %eq3A_543 : vector<16xi32>
      %eq3A_545 = arith.constant 15 : i32
      %eq3A_546 = vector.broadcast %eq3A_545 : i32 to vector<16xi32>
      %eq3A_547 = arith.cmpi eq, %select_n3A_370, %eq3A_546 : vector<16xi32>
      %select_n3A_548 = arith.select %eq3A_547, %div3A_376, %broadcast_in_dim3A_7 : vector<16xi1>, vector<16xf32>
      %select_n3A_549 = arith.select %eq3A_544, %div3A_375, %select_n3A_548 : vector<16xi1>, vector<16xf32>
      %add3A_550 = arith.constant 15 : i32
      %add3A_551 = vector.broadcast %add3A_550 : i32 to vector<16xi32>
      %add3A_552 = arith.addi %mul3A_26, %add3A_551 : vector<16xi32>
      tpu.vector_store_idx %arg6[%add3A_552], %select_n3A_549 : memref<4096xf32, #tpu.memory_space<vmem>>[vector<16xi32>], vector<16xf32>,
      %mul3A_553 = arith.constant 2 : i32
      %mul3A_554 = vector.broadcast %mul3A_553 : i32 to vector<16xi32>
      %mul3A_555 = arith.muli %add3A_23, %mul3A_554 : vector<16xi32>
      tpu.vector_store_idx %arg7[%mul3A_555], %select_n3A_164 : memref<512xi32, #tpu.memory_space<vmem>>[vector<16xi32>], vector<16xi32>,
      %add3A_556 = arith.constant 1 : i32
      %add3A_557 = vector.broadcast %add3A_556 : i32 to vector<16xi32>
      %add3A_558 = arith.addi %mul3A_555, %add3A_557 : vector<16xi32>
      tpu.vector_store_idx %arg7[%add3A_558], %select_n3A_370 : memref<512xi32, #tpu.memory_space<vmem>>[vector<16xi32>], vector<16xi32>,
    }
    %scan3A_14 = arith.constant 16 : i32
    %mul3A_15 = arith.constant 16 : i32
    %mul3A_16 = arith.muli %mul3A_2, %mul3A_15 : i32
    "tpu.region"() ({
      %run_scoped3A = tpu.sem_alloc : memref<!tpu.dma_semaphore, #tpu.memory_space<semaphore_mem>>
      %dma_start3A = tpu.memref_slice %arg3[%mul3A_16] : memref<131072xf32, #tpu.memory_space<hbm>> -> memref<4096xf32, #tpu.memory_space<hbm>>
      %dma_start3A_19 = tpu.memref_slice %arg3[%mul3A_16] : memref<131072xf32, #tpu.memory_space<hbm>> -> memref<4096xf32, #tpu.memory_space<hbm>>
      tpu.enqueue_dma source(%arg6 : memref<4096xf32, #tpu.memory_space<vmem>>) target(%dma_start3A_19 : memref<4096xf32, #tpu.memory_space<hbm>>) target_semaphore(%run_scoped3A : memref<!tpu.dma_semaphore, #tpu.memory_space<semaphore_mem>>)
      %dma_wait3A = tpu.memref_slice %arg3[%mul3A_16] : memref<131072xf32, #tpu.memory_space<hbm>> -> memref<4096xf32, #tpu.memory_space<hbm>>
      %dma_wait3A_20 = tpu.memref_slice %arg3[%mul3A_16] : memref<131072xf32, #tpu.memory_space<hbm>> -> memref<4096xf32, #tpu.memory_space<hbm>>
      tpu.wait_dma2 semaphore(%run_scoped3A : memref<!tpu.dma_semaphore, #tpu.memory_space<semaphore_mem>>) src(%arg6 : memref<4096xf32, #tpu.memory_space<vmem>>) dst(%dma_wait3A_20 : memref<4096xf32, #tpu.memory_space<hbm>>)
      tpu.yield
    }) : () -> ()
    %mul3A_17 = arith.constant 2 : i32
    %mul3A_18 = arith.muli %mul3A_2, %mul3A_17 : i32
    "tpu.region"() ({
      %run_scoped3A = tpu.sem_alloc : memref<!tpu.dma_semaphore, #tpu.memory_space<semaphore_mem>>
      %dma_start3A = tpu.memref_slice %arg4[%mul3A_18] : memref<16384xi32, #tpu.memory_space<hbm>> -> memref<512xi32, #tpu.memory_space<hbm>>
      %dma_start3A_19 = tpu.memref_slice %arg4[%mul3A_18] : memref<16384xi32, #tpu.memory_space<hbm>> -> memref<512xi32, #tpu.memory_space<hbm>>
      tpu.enqueue_dma source(%arg7 : memref<512xi32, #tpu.memory_space<vmem>>) target(%dma_start3A_19 : memref<512xi32, #tpu.memory_space<hbm>>) target_semaphore(%run_scoped3A : memref<!tpu.dma_semaphore, #tpu.memory_space<semaphore_mem>>)
      %dma_wait3A = tpu.memref_slice %arg4[%mul3A_18] : memref<16384xi32, #tpu.memory_space<hbm>> -> memref<512xi32, #tpu.memory_space<hbm>>
      %dma_wait3A_20 = tpu.memref_slice %arg4[%mul3A_18] : memref<16384xi32, #tpu.memory_space<hbm>> -> memref<512xi32, #tpu.memory_space<hbm>>
      tpu.wait_dma2 semaphore(%run_scoped3A : memref<!tpu.dma_semaphore, #tpu.memory_space<semaphore_mem>>) src(%arg7 : memref<512xi32, #tpu.memory_space<vmem>>) dst(%dma_wait3A_20 : memref<512xi32, #tpu.memory_space<hbm>>)
      tpu.yield
    }) : () -> ()
    return
  }
}

module attributes {stable_mosaic.version = 14 : i64} {
  func.func @_logits_body(%arg0: i32, %arg1: memref<1024x2048xf32, #tpu.memory_space<vmem>>, %arg2: memref<16x2048xf32, #tpu.memory_space<vmem>>, %arg3: memref<1x16xf32, #tpu.memory_space<vmem>>, %arg4: memref<1024x16xf32, #tpu.memory_space<vmem>>) attributes {dimension_semantics = [#tpu.dimension_semantics<arbitrary>], iteration_bounds = array<i64: 8>, scalar_prefetch = 0 : i64, scratch_operands = 0 : i64, tpu.core_type = #tpu.core_type<tc>, window_params = [{transform_indices = @transform_0, window_bounds = array<i64: 1024, 2048>}, {pipeline_mode = #tpu.pipeline_mode<synchronous>, transform_indices = @transform_1, window_bounds = array<i64: 16, 2048>}, {pipeline_mode = #tpu.pipeline_mode<synchronous>, transform_indices = @transform_2, window_bounds = array<i64: 1, 16>}, {transform_indices = @transform_3, window_bounds = array<i64: 1024, 16>}]} {
    %get3A = arith.constant 0 : index
    %get3A_0 = arith.constant 0 : index
    %get3A_1 = vector.load %arg1[%get3A, %get3A_0] : memref<1024x2048xf32, #tpu.memory_space<vmem>>, vector<1024x2048xf32>
    %get3A_2 = arith.constant 0 : index
    %get3A_3 = arith.constant 0 : index
    %get3A_4 = vector.load %arg2[%get3A_2, %get3A_3] : memref<16x2048xf32, #tpu.memory_space<vmem>>, vector<16x2048xf32>
    %dot_general3A = arith.constant dense<0.000000e+00> : vector<1024x16xf32>
    %dot_general3A_5 = tpu.matmul %get3A_1, %get3A_4, %dot_general3A {dimension_numbers = #tpu.dot_dimension_numbers<[1], [1], [0], [0], [0, 0, 1, 0], [], []>, transpose_lhs_hint = false} : vector<1024x2048xf32>, vector<16x2048xf32>, vector<1024x16xf32> -> vector<1024x16xf32>
    %get3A_6 = arith.constant 0 : index
    %get3A_7 = arith.constant 0 : index
    %get3A_8 = vector.load %arg3[%get3A_6, %get3A_7] : memref<1x16xf32, #tpu.memory_space<vmem>>, vector<1x16xf32>
    %add3A = vector.broadcast %get3A_8 : vector<1x16xf32> to vector<1024x16xf32>
    %add3A_9 = arith.addf %dot_general3A_5, %add3A : vector<1024x16xf32>
    %swap3A = arith.constant 0 : index
    %swap3A_10 = arith.constant 0 : index
    %swap3A_11 = vector.load %arg4[%swap3A, %swap3A_10] : memref<1024x16xf32, #tpu.memory_space<vmem>>, vector<1024x16xf32>
    tpu.vector_store %arg4[%swap3A, %swap3A_10], %add3A_9 {strides = array<i32>} : memref<1024x16xf32, #tpu.memory_space<vmem>>, vector<1024x16xf32>,
    return
  }
  func.func @transform_0(%arg0: i32) -> (i32, i32) {
    %add3A = arith.constant 8 : i32
    %add3A_0 = arith.addi %add3A, %arg0 : i32
    %c0_i32 = arith.constant 0 : i32
    %c0_i32_1 = arith.constant 0 : i32
    return %add3A_0, %c0_i32 : i32, i32
  }
  func.func @transform_1(%arg0: i32) -> (i32, i32) {
    %c0_i32 = arith.constant 0 : i32
    %c0_i32_0 = arith.constant 0 : i32
    %c0_i32_1 = arith.constant 0 : i32
    return %c0_i32, %c0_i32_0 : i32, i32
  }
  func.func @transform_2(%arg0: i32) -> (i32, i32) {
    %c0_i32 = arith.constant 0 : i32
    %c0_i32_0 = arith.constant 0 : i32
    %c0_i32_1 = arith.constant 0 : i32
    return %c0_i32, %c0_i32_0 : i32, i32
  }
  func.func @transform_3(%arg0: i32) -> (i32, i32) {
    %c0_i32 = arith.constant 0 : i32
    %c0_i32_0 = arith.constant 0 : i32
    return %arg0, %c0_i32 : i32, i32
  }
}

module attributes {stable_mosaic.version = 14 : i64} {
  func.func @_logits_body(%arg0: i32, %arg1: memref<1024x2048xf32, #tpu.memory_space<vmem>>, %arg2: memref<16x2048xf32, #tpu.memory_space<vmem>>, %arg3: memref<1x16xf32, #tpu.memory_space<vmem>>, %arg4: memref<1024x16xf32, #tpu.memory_space<vmem>>) attributes {dimension_semantics = [#tpu.dimension_semantics<arbitrary>], iteration_bounds = array<i64: 8>, scalar_prefetch = 0 : i64, scratch_operands = 0 : i64, tpu.core_type = #tpu.core_type<tc>, window_params = [{transform_indices = @transform_0, window_bounds = array<i64: 1024, 2048>}, {pipeline_mode = #tpu.pipeline_mode<synchronous>, transform_indices = @transform_1, window_bounds = array<i64: 16, 2048>}, {pipeline_mode = #tpu.pipeline_mode<synchronous>, transform_indices = @transform_2, window_bounds = array<i64: 1, 16>}, {transform_indices = @transform_3, window_bounds = array<i64: 1024, 16>}]} {
    %get3A = arith.constant 0 : index
    %get3A_0 = arith.constant 0 : index
    %get3A_1 = vector.load %arg1[%get3A, %get3A_0] : memref<1024x2048xf32, #tpu.memory_space<vmem>>, vector<1024x2048xf32>
    %get3A_2 = arith.constant 0 : index
    %get3A_3 = arith.constant 0 : index
    %get3A_4 = vector.load %arg2[%get3A_2, %get3A_3] : memref<16x2048xf32, #tpu.memory_space<vmem>>, vector<16x2048xf32>
    %dot_general3A = arith.constant dense<0.000000e+00> : vector<1024x16xf32>
    %dot_general3A_5 = tpu.matmul %get3A_1, %get3A_4, %dot_general3A {dimension_numbers = #tpu.dot_dimension_numbers<[1], [1], [0], [0], [0, 0, 1, 0], [], []>, transpose_lhs_hint = false} : vector<1024x2048xf32>, vector<16x2048xf32>, vector<1024x16xf32> -> vector<1024x16xf32>
    %get3A_6 = arith.constant 0 : index
    %get3A_7 = arith.constant 0 : index
    %get3A_8 = vector.load %arg3[%get3A_6, %get3A_7] : memref<1x16xf32, #tpu.memory_space<vmem>>, vector<1x16xf32>
    %add3A = vector.broadcast %get3A_8 : vector<1x16xf32> to vector<1024x16xf32>
    %add3A_9 = arith.addf %dot_general3A_5, %add3A : vector<1024x16xf32>
    %swap3A = arith.constant 0 : index
    %swap3A_10 = arith.constant 0 : index
    %swap3A_11 = vector.load %arg4[%swap3A, %swap3A_10] : memref<1024x16xf32, #tpu.memory_space<vmem>>, vector<1024x16xf32>
    tpu.vector_store %arg4[%swap3A, %swap3A_10], %add3A_9 {strides = array<i32>} : memref<1024x16xf32, #tpu.memory_space<vmem>>, vector<1024x16xf32>,
    return
  }
  func.func @transform_0(%arg0: i32) -> (i32, i32) {
    %add3A = arith.constant 0 : i32
    %add3A_0 = arith.addi %add3A, %arg0 : i32
    %c0_i32 = arith.constant 0 : i32
    %c0_i32_1 = arith.constant 0 : i32
    return %add3A_0, %c0_i32 : i32, i32
  }
  func.func @transform_1(%arg0: i32) -> (i32, i32) {
    %c0_i32 = arith.constant 0 : i32
    %c0_i32_0 = arith.constant 0 : i32
    %c0_i32_1 = arith.constant 0 : i32
    return %c0_i32, %c0_i32_0 : i32, i32
  }
  func.func @transform_2(%arg0: i32) -> (i32, i32) {
    %c0_i32 = arith.constant 0 : i32
    %c0_i32_0 = arith.constant 0 : i32
    %c0_i32_1 = arith.constant 0 : i32
    return %c0_i32, %c0_i32_0 : i32, i32
  }
  func.func @transform_3(%arg0: i32) -> (i32, i32) {
    %c0_i32 = arith.constant 0 : i32
    %c0_i32_0 = arith.constant 0 : i32
    return %arg0, %c0_i32 : i32, i32
  }
}

</mosaic_0001>

<sc_bundles>
// kernel: kernel.6.cloned.1.call-start
scs
__scs_entry_jumppad:
0x0: {  	(pc) =	sbr.rel $0x88, $3  }
0x1: {  	(tag) =	ssettag $0x0;
	lr =	simm.s32 $0x1  }
0x2: {  	[smem:$0x3F9E] =	sst lr;
	_ =	strace $0xD0000000  }
0x3: {  	_ = 	snop  }
0x4: {  	_ = 	snop  }
0x5: {  	_ = 	snop  }
0x6: {  	_ = 	snop  }
0x7: {  	_ = 	snop  }
__scs_overlays_trampoline_lowered:
0x8: {  	[smem:$0x3FAD] =	sst s0  }
0x9: {  	[smem:$0x3FAE] =	sst s1  }
0xa: {  	[smem:$0x3FAF] =	sst s2  }
0xb: {  	[smem:$0x3FB0] =	sst s3  }
0xc: {  	[smem:$0x3FB1] =	sst s4  }
0xd: {  	[smem:$0x3FB2] =	sst s5  }
0xe: {  	[smem:$0x3FB3] =	sst s6  }
0xf: {  	[smem:$0x3FB4] =	sst s7  }
0x10: {  	[smem:$0x3FB5] =	sst s8  }
0x11: {  	[smem:$0x3FB6] =	sst s9;
	s0 =	simm.s32 @!p0 $0x0  }
0x12: {  	s1 =	sld [smem:$0x3F9C];
	s0 =	simm.s32 @p0 $0x1  }
0x13: {  	[smem:$0x3FB7] =	sst s0;
	s0 =	simm.s32 @!p1 $0x0  }
0x14: {  	s2 =	sld [smem:$0x3F9B];
	s0 =	simm.s32 @p1 $0x1  }
0x15: {  	[smem:$0x3FB8] =	sst s0;
	s0 =	simm.s32 @!p2 $0x0  }
0x16: {  	s3 =	sld [smem:$0x3FDB];
	s0 =	simm.s32 @p2 $0x1  }
0x17: {  	s4 =	simm.s32 $0x1BF5;
	[smem:$0x3FBA] =	sst s0  }
0x18: {  	s0 =	sld [smem:$0x3F9D];
	_ =	swait.ge [sflag:s4], $0x0  }
0x19: {  	s7 =	sld [smem:$0x3F9E]  }
0x1a: {  	s8 =	sadd.s32 $0xFFFFE003, lr  }
0x1b: {  	s9 =	sadd.s32 $0xFFFFFEF7, lr;
	s5 =	simm.s32 $0xFFFFFFFF;
	p2 =	slt.u32 s8, $0xFFFFF086  }
0x1c: {  	p1 =	slt.u32 s9, $0xF7A;
	s5 =	simm.s32 @!p2 $0x0  }
0x1d: {  	s5 =	simm.s32 @p1 $0x1;
	p0 =	seq.s32 s7, s2  }
0x1e: {  	s7 =	smul.u32 @!p0 $0xF7A, s2;
	p2 =	seq.s32 @!p0 s5, $0x0  }
0x1f: {  	s9 =	smul.u32 $0xF7A, s1;
	s8 =	simm.s32 @!p0 $0x1BF5;
	p2 =	por !p2, p0  }
0x20: {  	[sflag:s8] =	ssyncset.s32 @!p0 $0xFFFFF086;
	s6 =	sadd.s32 @!p0 s3, s7;
	s7 =	simm.s32 @!p0 $0x108  }
0x21: {  	s3 =	sadd.s32 s3, s9;
	s6 =	sadd.s32 @!p0 $0x88, s6;
	s7 =	simm.s32 @p2 $0x1082  }
0x22: {  	[simem:s7], [sflag:s8] =	dma.local @!p0 [hbm:s6], $0xF7A  }
0x23: {  	s9 =	sor.u32 $0xD0000000, s2;
	s6 =	simm.s32 $0x108;
	_ =	swait.ge @!p0 [sflag:s8], $0x0  }
0x24: {  	s3 =	sadd.s32 $0x88, s3;
	s6 =	simm.s32 @!p1 $0x1082;
	[sflag:s4] =	ssyncset.s32 $0xFFFFF086  }
0x25: {  	[simem:s6], [sflag:s4] =	dma.local [hbm:s3], $0xF7A  }
0x26: {  	[smem:$0x3F9E] =	sst s1;
	(tag) =	ssettag s2;
	_ =	strace s9  }
0x27: {  	s1 =	sld [smem:$0x3FAE]  }
0x28: {  	s2 =	sld [smem:$0x3FAF]  }
0x29: {  	s4 =	sld [smem:$0x3FB1]  }
0x2a: {  	p0 =	seq.s32 s5, $0x0;
	s5 =	sld [smem:$0x3FB2]  }
0x2b: {  	s6 =	sld [smem:$0x3FB3]  }
0x2c: {  	s7 =	sld [smem:$0x3FB4]  }
0x2d: {  	s3 =	simm.s32 $0x108;
	s8 =	sld [smem:$0x3FB5]  }
0x2e: {  	s3 =	simm.s32 @!p0 $0x1082;
	s9 =	sld [smem:$0x3FB6]  }
0x2f: {  	lr =	sadd.s32 s0, s3;
	s0 =	sld [smem:$0x3FAD]  }
0x30: {  	s3 =	sld [smem:$0x3FB0]  }
0x31: {  	[smem:$0x3FB9] =	sst s10  }
0x32: {  	s10 =	sld [smem:$0x3FB7];
	_ =	sdelay $0x3  }
0x33: {  	p0 =	seq.s32 s10, $0x1;
	s10 =	sld [smem:$0x3FB9];
	_ =	sdelay $0x3  }
0x34: {  	[smem:$0x3FB9] =	sst s10  }
0x35: {  	s10 =	sld [smem:$0x3FB8];
	_ =	sdelay $0x3  }
0x36: {  	p1 =	seq.s32 s10, $0x1;
	s10 =	sld [smem:$0x3FB9];
	_ =	sdelay $0x3  }
0x37: {  	[smem:$0x3FB9] =	sst s10  }
0x38: {  	s10 =	sld [smem:$0x3FBA]  }
0x39: {  	_ = 	snop;
	(pc) =	sbr.ind lr, $3  }
0x3a: {  	_ = 	snop  }
0x3b: {  	_ = 	snop  }
0x3c: {  	p2 =	seq.s32 s10, $0x1;
	s10 =	sld [smem:$0x3FB9]  }
0x3d: {  	_ =	shalt  }
0x3e: {  	_ =	shalt  }
0x3f: {  	_ =	shalt  }
0x40: {  	_ =	shalt  }
0x41: {  	_ =	shalt  }
0x42: {  	_ =	shalt  }
0x43: {  	_ =	shalt  }
0x44: {  	_ =	shalt  }
0x45: {  	_ =	shalt  }
0x46: {  	_ =	shalt  }
0x47: {  	_ =	shalt  }
0x48: {  	_ =	shalt  }
0x49: {  	_ =	shalt  }
0x4a: {  	_ =	shalt  }
0x4b: {  	_ =	shalt  }
0x4c: {  	_ =	shalt  }
0x4d: {  	_ =	shalt  }
0x4e: {  	_ =	shalt  }
0x4f: {  	_ =	shalt  }
0x50: {  	_ =	shalt  }
0x51: {  	_ =	shalt  }
0x52: {  	_ =	shalt  }
0x53: {  	_ =	shalt  }
0x54: {  	_ =	shalt  }
0x55: {  	_ =	shalt  }
0x56: {  	_ =	shalt  }
0x57: {  	_ =	shalt  }
0x58: {  	_ =	shalt  }
0x59: {  	_ =	shalt  }
0x5a: {  	_ =	shalt  }
0x5b: {  	_ =	shalt  }
0x5c: {  	_ =	shalt  }
0x5d: {  	_ =	shalt  }
0x5e: {  	_ =	shalt  }
0x5f: {  	_ =	shalt  }
0x60: {  	_ =	shalt  }
0x61: {  	_ =	shalt  }
0x62: {  	_ =	shalt  }
0x63: {  	_ =	shalt  }
0x64: {  	_ =	shalt  }
0x65: {  	_ =	shalt  }
0x66: {  	_ =	shalt  }
0x67: {  	_ =	shalt  }
0x68: {  	_ =	shalt  }
0x69: {  	_ =	shalt  }
0x6a: {  	_ =	shalt  }
0x6b: {  	_ =	shalt  }
0x6c: {  	_ =	shalt  }
0x6d: {  	_ =	shalt  }
0x6e: {  	_ =	shalt  }
0x6f: {  	_ =	shalt  }
0x70: {  	_ =	shalt  }
0x71: {  	_ =	shalt  }
0x72: {  	_ =	shalt  }
0x73: {  	_ =	shalt  }
0x74: {  	_ =	shalt  }
0x75: {  	_ =	shalt  }
0x76: {  	_ =	shalt  }
0x77: {  	_ =	shalt  }
0x78: {  	_ =	shalt  }
0x79: {  	_ =	shalt  }
0x7a: {  	_ =	shalt  }
0x7b: {  	_ =	shalt  }
0x7c: {  	_ =	shalt  }
0x7d: {  	_ =	shalt  }
0x7e: {  	_ =	shalt  }
0x7f: {  	_ =	shalt  }
0x80: {  	_ =	shalt  }
0x81: {  	_ =	shalt  }
0x82: {  	_ =	shalt  }
0x83: {  	_ =	shalt  }
0x84: {  	_ =	shalt  }
0x85: {  	_ =	shalt  }
0x86: {  	_ =	shalt  }
0x87: {  	_ =	shalt  }
.Lfunc_end0:
.L_simem_size_0:
called_computation_lowered:
.L_overlay_start_0:
0x88: {  	s2 =	sld [smem:$0x3FD9]  }
0x89: {  	s3 =	sld [smem:$0x3FFE];
	_ =	sdelay $0x1  }
0x8a: {  	s1 =	srdreg.scid  }
0x8b: {  	s0 =	sand.u32 $0x1, s1  }
0x8c: {  	s15 =	sshll.u32 s0, $0xA;
	s2 =	sadd.s32 s3, s2  }
0x8d: {  	s2 =	sadd.s32 s2, s15  }
0x8e: {  	[smem:$0x3FC5] =	sst s2  }
0x8f: {  	_ = 	snop  }
0x90: {  	s2 =	sld [smem:$0x3FD0];
	_ =	sdelay $0x2  }
0x91: {  	s16 =	simm.s32 $0xB;
	s4 =	simm.s32 $0x10  }
0x92: {  	[smem:s4], [sflag:s16] =	dma.local [hbm:s2], $0x1  }
0x93: {  	_ =	swait.eq [sflag:s16], $0x1  }
0x94: {  	[sflag:s16] =	ssyncset.done $0x0  }
0x95: {  	[sflag:s16] =	ssyncadd.s32 $0xFFFFFFFF  }
0x96: {  	s17 =	sld [smem:$0x11];
	(tm) =	ssettm $0x1  }
0x97: {  	s18 =	sld [smem:$0x3FFB];
	_ =	sdelay $0x3  }
0x98: {  	_ =	strace s18  }
0x99: {  	s2 =	sld [smem:$0x3FFC];
	_ =	sdelay $0x3  }
0x9a: {  	_ =	strace s2  }
0x9b: {  	s2 =	sld [smem:$0x3FFD];
	_ =	sdelay $0x3  }
0x9c: {  	_ =	strace s2  }
0x9d: {  	_ =	strace $0x8FFFFFFF  }
0x9e: {  	s19 =	sld [smem:$0x3FDB];
	_ =	sdelay $0x1  }
0x9f: {  	s20 =	simm.s32 $_scs_section_size  }
0xa0: {  	s5 =	simm.s32 $_size__tile_overlayer_lowered;
	s6 =	simm.s32 $_tile_overlayer_lowered  }
0xa1: {  	s7 =	simm.s32 $0x1BFF;
	s21 =	sshll.u32 s6, $0x1;
	s4 =	sadd.s32 s20, s19  }
0xa2: {  	s22 =	simm.s32 $0x0;
	s5 =	sshll.u32 s5, $0x1;
	s6 =	sadd.s32 s21, s4  }
0xa3: {  	[timem:s22], [sflag:s7] =	dma.local [hbm:s6], s5  }
0xa4: {  	_ =	swait.ge [sflag:s7], s5  }
0xa5: {  	s5 =	ssub.s32 $0x0, s5;
	[sflag:s7] =	ssyncset.done $0x0  }
0xa6: {  	[sflag:s7] =	ssyncadd.s32 s5;
	_ =	sdelay $0x1  }
0xa7: {  	s23 =	simm.s32 $0x1B8B  }
0xa8: {  	_ =	swait.ge [sflag:s23], $0x1  }
0xa9: {  	[sflag:s23] =	ssyncset.done $0x0  }
0xaa: {  	[sflag:s23] =	ssyncadd.s32 $0xFFFFFFFF  }
0xab: {  	s5 =	sld [smem:$0x0]  }
0xac: {  	s6 =	sand.u32 $0xFFFFFFFE, s1  }
0xad: {  	p0 =	sne.s32 s1, s6  }
0xae: {  	s6 =	sshll.u32 @p0 s6, $0xE  }
0xaf: {  	s6 =	sadd.s32 @p0 $0x11B8D, s6;
	s7 =	sshll.u32 @p0 s5, $0x11  }
0xb0: {  	s6 =	sor.u32 @p0 s7, s6  }
0xb1: {  	[sflag:s6] =	ssyncadd.remote.s32 @p0 $0x1;
	_ =	sdelay $0x1  }
0xb2: {  	s6 =	simm.s32 @p0 $0x1B8D  }
0xb3: {  	_ =	swait.eq @p0 [sflag:s6], $0x1  }
0xb4: {  	[sflag:s6] =	ssyncadd.s32 @p0 $0xFFFFFFFF  }
0xb5: {  	s7 =	sshll.u32 @!p0 s1, $0xE  }
0xb6: {  	s7 =	sor.u32 @!p0 $0x4000, s7;
	s6 =	simm.s32 @!p0 $0x1B8D  }
0xb7: {  	s5 =	sshll.u32 @!p0 s5, $0x11;
	s7 =	sadd.s32 @!p0 $0x11B8D, s7;
	_ =	swait.eq @!p0 [sflag:s6], $0x1  }
0xb8: {  	s5 =	sor.u32 @!p0 s5, s7;
	[sflag:s6] =	ssyncadd.s32 @!p0 $0xFFFFFFFF  }
0xb9: {  	s25 =	simm.s32 $0x1B8E;
	s24 =	sld [smem:$0x3FFE];
	[sflag:s5] =	ssyncadd.remote.s32 @!p0 $0x1  }
0xba: {  	s26 =	simm.s32 $execute0_lowered;
	[smem:$0x3FD2] =	sst s25  }
0xbb: {  	s6 =	sshll.u32 s26, $0x1;
	_ =	strace $0x80000049;
	[dreg:$0x1] =	wrdreg $0xFFFFFFFF  }
0xbc: {  	s28 =	simm.s32 $_size_execute0_lowered;
	s4 =	sadd.s32 s4, s6;
	[dreg:$0x0] =	wrdreg $0x0  }
0xbd: {  	s6 =	sshll.u32 s28, $0x1;
	[dreg:$0x2] =	wrdreg s4  }
0xbe: {  	[dreg:$0x3] =	wrdreg s6  }
0xbf: {  	[dreg:$0x4] =	wrdreg $0xC0  }
0xc0: {  	_ =	task [dreg:s22], $0x5FFFF  }
0xc1: {  	[dreg:$0x1] =	wrdreg $0xFFFFFFFF  }
0xc2: {  	[dreg:$0x0] =	wrdreg $0x60  }
0xc3: {  	[dreg:$0x2] =	wrdreg s24  }
0xc4: {  	[dreg:$0x3] =	wrdreg s17  }
0xc5: {  	[dreg:$0x4] =	wrdreg $0x9  }
0xc6: {  	_ =	task.clear_ibuf [dreg:s22], $0x5FFFF;
	_ =	strace $0x90000049  }
0xc7: {  	s29 =	simm.s32 $0x9;
	_ =	strace $0x8000004B  }
0xc8: {  	_ =	swait.ge [sflag:s29], $0x1  }
0xc9: {  	[sflag:s29] =	ssyncadd.s32 $0xFFFFFFFF  }
0xca: {  	_ =	strace $0x9000004B  }
0xcb: {  	_ =	sfence  }
0xcc: {  	s30 =	sld [smem:$0x0];
	_ =	sdelay $0x2  }
0xcd: {  	s31 =	sshll.u32 s1, $0xD;
	s1 =	sshrl.u32 s1, $0x2  }
0xce: {  	s4 =	sand.u32 $0x4000, s31;
	s1 =	sadd.s32 s1, s30  }
0xcf: {  	s0 =	sor.u32 s4, s0;
	s1 =	sshll.u32 s1, $0x11  }
0xd0: {  	s0 =	sor.u32 s1, s0  }
0xd1: {  	s0 =	sadd.s32 $0x8F2B, s0  }
0xd2: {  	[sflag:s0] =	ssyncadd.remote.s32 $0x1  }
0xd3: {  	_ =	sfence.sel $0xFFFF  }
0xd4: {  	[dreg:$0x0] =	wrdreg $0xFFFFFFFF;
	(pc) =	sbr.abs _section_cstart, $3  }
0xd5: {  	[dreg:$0x1] =	wrdreg $0xFFFFFFFF  }
0xd6: {  	_ =	task.clear_ibuf [dreg:s22], $0x2FFFF;
	_ =	strace $0x9FFFFFFF  }
0xd7: {  	(tm) =	ssettm $0x7FFFFFFF  }
tec
execute0_lowered:
.L_overlay_start_1:
0x0: {  	(tag) =	ssettag $0x1  }
0x1: {  	s3 =	rddreg [dreg:$0x0]  }
0x2: {  	s5 =	rddreg [dreg:$0x1]  }
0x3: {  	s2 =	srdreg.scid;
	s1 =	stileid.u32  }
0x4: {  	s0 =	rddreg [dreg:$0x2];
	s9 =	simm.s32 $0x2000;
	s10 =	simm.s32 $0x0  }
0x5: {  	s4 =	sand.u32 $0x1, s2;
	s6 =	sshll.u32 s1, $0x1;
	s2 =	simm.s32 $0x0  }
0x6: {  	s6 =	sor.u32 s4, s6;
	s4 =	ssub.s32 $0x2, s4;
	[smem:$0x7FF] =	sst s2  }
0x7: {  	s7 =	sshll.u32 s6, $0x9;
	s8 =	sshrl.u32 s4, $0x1;
	_ =	strace $0x8000004A  }
0x8: {  	s6 =	sshll.u32 s6, $0x6;
	s7 =	sadd.s32 s7, s3;
	s8 =	ssub.s32 s4, s8  }
0x9: {  	s5 =	sadd.s32 s5, s6;
	s3 =	sadd.s32 $0x6000, s7;
	s4 =	sadd.s32 $0xA000, s7  }
0xa: {  	v0 =	vlaneseq.u32;
	v1 =	vimm.s32 $0x0;
	s6 =	smax.u32 s8, $0x1;
	s7 =	simm.s32 $0x1;
	s8 =	simm.s32 $0x1000  }
.LBB2_1:
0xb: {  	v2 =	vor.u32 s2, v0  }
0xc: {  	v9 =	vshll.u32 v2, $0x4  }
0xd: {  	[tilespmem:s2], [sflag:$0x1] =	stream.linear.gather [hbm4b:s3+s2], $0x1000, $0x38;
	v12 =	vor.u32 $0x1, v9;
	[tilespmem:$0x2200] =	vst v63  }
0xe: {  	_ =	swait.ge [sflag:s7], $0x1000;
	v6 =	vor.u32 $0x2, v9  }
0xf: {  	[sflag:s7] =	ssyncset.done $0x0;
	v10 =	vor.u32 $0x3, v9  }
0x10: {  	v5 =	vor.u32 $0x4, v9;
	[sflag:s7] =	ssyncadd.s32 $0xFFFFF000  }
0x11: {  	v7 =	vor.u32 $0x5, v9;
	v21 =	vld.idx.msk [tilespmem:v9+s2+$0x0], $0xffff  }
0x12: {  	v4 =	vor.u32 $0x6, v9;
	v20 =	vld.idx.msk [tilespmem:v12+s2+$0x0], $0xffff  }
0x13: {  	v13 =	vor.u32 $0x7, v9;
	v22 =	vld.idx.msk [tilespmem:v6+s2+$0x0], $0xffff  }
0x14: {  	v14 =	vor.u32 $0x8, v9;
	v23 =	vld.idx.msk [tilespmem:v10+s2+$0x0], $0xffff  }
0x15: {  	v11 =	vor.u32 $0x9, v9;
	v24 =	vld.idx.msk [tilespmem:v5+s2+$0x0], $0xffff  }
0x16: {  	v8 =	vor.u32 $0xA, v9;
	v25 =	vld.idx.msk [tilespmem:v7+s2+$0x0], $0xffff  }
0x17: {  	v3 =	vor.u32 $0xB, v9;
	v26 =	vld.idx.msk [tilespmem:v4+s2+$0x0], $0xffff;
	v29 =	vmax.f32 v21, v20  }
0x18: {  	v17 =	vor.u32 $0xC, v9;
	v27 =	vld.idx.msk [tilespmem:v13+s2+$0x0], $0xffff;
	v16 =	vmax.f32 v29, v22  }
0x19: {  	v15 =	vor.u32 $0xD, v9;
	v28 =	vld.idx.msk [tilespmem:v14+s2+$0x0], $0xffff;
	v18 =	vmax.f32 v16, v23  }
0x1a: {  	v30 =	vld.idx.msk [tilespmem:v11+s2+$0x0], $0xffff;
	v16 =	vor.u32 $0xE, v9;
	v19 =	vmax.f32 v18, v24  }
0x1b: {  	v31 =	vld.idx.msk [tilespmem:v8+s2+$0x0], $0xffff;
	v18 =	vor.u32 $0xF, v9;
	v19 =	vmax.f32 v19, v25  }
0x1c: {  	v32 =	vld.idx.msk [tilespmem:v3+s2+$0x0], $0xffff;
	v19 =	vmax.f32 v19, v26  }
0x1d: {  	v33 =	vld.idx.msk [tilespmem:v17+s2+$0x0], $0xffff;
	v19 =	vmax.f32 v19, v27  }
0x1e: {  	v34 =	vld.idx.msk [tilespmem:v15+s2+$0x0], $0xffff;
	v19 =	vmax.f32 v19, v28  }
0x1f: {  	v35 =	vld.idx.msk [tilespmem:v16+s2+$0x0], $0xffff;
	v19 =	vmax.f32 v19, v30  }
0x20: {  	v36 =	vld.idx.msk [tilespmem:v18+s2+$0x0], $0xffff;
	v19 =	vmax.f32 v19, v31  }
0x21: {  	v19 =	vmax.f32 v19, v32  }
0x22: {  	v19 =	vmax.f32 v19, v33  }
0x23: {  	v19 =	vmax.f32 v19, v34  }
0x24: {  	v19 =	vmax.f32 v19, v35  }
0x25: {  	v37 =	vmax.f32 v19, v36  }
0x26: {  	vm0 =	veq.f32 v36, v37  }
0x27: {  	v19 =	vsel vm0, $0xF, v1;
	vm0 =	veq.f32 v35, v37  }
0x28: {  	v19 =	vsel vm0, $0xE, v19;
	vm0 =	veq.f32 v34, v37  }
0x29: {  	v19 =	vsel vm0, $0xD, v19;
	vm0 =	veq.f32 v33, v37  }
0x2a: {  	v19 =	vsel vm0, $0xC, v19;
	vm0 =	veq.f32 v32, v37  }
0x2b: {  	v19 =	vsel vm0, $0xB, v19;
	vm0 =	veq.f32 v31, v37  }
0x2c: {  	v19 =	vsel vm0, $0xA, v19;
	vm0 =	veq.f32 v30, v37  }
0x2d: {  	vm1 =	veq.f32 v28, v37;
	v19 =	vsel vm0, $0x9, v19  }
0x2e: {  	vm0 =	veq.f32 v27, v37;
	v19 =	vsel vm1, $0x8, v19  }
0x2f: {  	vm1 =	veq.f32 v26, v37;
	v19 =	vsel vm0, $0x7, v19  }
0x30: {  	vm0 =	veq.f32 v25, v37;
	v19 =	vsel vm1, $0x6, v19  }
0x31: {  	vm1 =	veq.f32 v24, v37;
	v19 =	vsel vm0, $0x5, v19  }
0x32: {  	vm0 =	veq.f32 v23, v37;
	v19 =	vsel vm1, $0x4, v19  }
0x33: {  	vm1 =	veq.f32 v22, v37;
	v19 =	vsel vm0, $0x3, v19  }
0x34: {  	vm0 =	veq.f32 v20, v37;
	v19 =	vsel vm1, $0x2, v19  }
0x35: {  	vm1 =	veq.f32 v21, v37;
	v19 =	vsel vm0, $0x1, v19  }
0x36: {  	v19 =	vsel vm1, $0x0, v19  }
0x37: {  	v38 =	vimm.s32 $0x0;
	vm0 =	veq.s32 v19, $0x1  }
0x38: {  	vm1 =	veq.s32 v19, $0x0;
	v38 =	vsel vm0, $0xFFFFFFFF, v38;
	v44 =	vsel vm0, v21, v29  }
0x39: {  	[tilespmem:$0x1FF10] =	vst v38;
	v38 =	vsel vm1, v20, v44  }
0x3a: {  	v39 =	vimm.s32 $0x0;
	vm0 =	veq.s32 v19, $0x2;
	v38 =	vmax.f32 v38, v22  }
0x3b: {  	v45 =	vimm.s32 $0x0;
	v39 =	vsel vm1, $0xFFFFFFFF, v39;
	v29 =	vsel vm0, v29, v38  }
0x3c: {  	[tilespmem:$0x1FF20] =	vst v39;
	v39 =	vsel vm0, $0xFFFFFFFF, v45;
	vm0 =	veq.s32 v19, $0x3;
	v29 =	vmax.f32 v29, v23  }
0x3d: {  	v46 =	vimm.s32 $0x0;
	v38 =	vsel vm0, v38, v29  }
0x3e: {  	[tilespmem:$0x1FF30] =	vst v39;
	v39 =	vsel vm0, $0xFFFFFFFF, v46;
	vm0 =	veq.s32 v19, $0x4;
	v38 =	vmax.f32 v38, v24  }
0x3f: {  	v47 =	vimm.s32 $0x0;
	v29 =	vsel vm0, v29, v38  }
0x40: {  	[tilespmem:$0x1FF40] =	vst v39;
	v39 =	vsel vm0, $0xFFFFFFFF, v47;
	vm0 =	veq.s32 v19, $0x5;
	v29 =	vmax.f32 v29, v25  }
0x41: {  	v48 =	vimm.s32 $0x0;
	v38 =	vsel vm0, v38, v29  }
0x42: {  	[tilespmem:$0x1FF50] =	vst v39;
	v39 =	vsel vm0, $0xFFFFFFFF, v48;
	vm0 =	veq.s32 v19, $0x6;
	v38 =	vmax.f32 v38, v26  }
0x43: {  	v49 =	vimm.s32 $0x0;
	v29 =	vsel vm0, v29, v38  }
0x44: {  	[tilespmem:$0x1FF60] =	vst v39;
	v39 =	vsel vm0, $0xFFFFFFFF, v49;
	vm0 =	veq.s32 v19, $0x7;
	v29 =	vmax.f32 v29, v27  }
0x45: {  	v38 =	vsel vm0, v38, v29  }
0x46: {  	vm15 =	veq.s32 v19, $0x8;
	v38 =	vmax.f32 v38, v28  }
0x47: {  	v50 =	vimm.s32 $0x0;
	v29 =	vsel vm15, v29, v38  }
0x48: {  	[tilespmem:$0x1FF70] =	vst v39;
	v39 =	vsel vm0, $0xFFFFFFFF, v50;
	vm0 =	veq.s32 v19, $0x9;
	v29 =	vmax.f32 v29, v30  }
0x49: {  	v51 =	vimm.s32 $0x0;
	v38 =	vsel vm0, v38, v29  }
0x4a: {  	[tilespmem:$0x1FF80] =	vst v39;
	v39 =	vsel vm0, $0xFFFFFFFF, v51;
	vm0 =	veq.s32 v19, $0xA;
	v38 =	vmax.f32 v38, v31  }
0x4b: {  	v52 =	vimm.s32 $0x0;
	v29 =	vsel vm0, v29, v38  }
0x4c: {  	[tilespmem:$0x1FF90] =	vst v39;
	v39 =	vsel vm0, $0xFFFFFFFF, v52;
	vm0 =	veq.s32 v19, $0xB;
	v29 =	vmax.f32 v29, v32  }
0x4d: {  	v53 =	vimm.s32 $0x0;
	v38 =	vsel vm0, v38, v29  }
0x4e: {  	[tilespmem:$0x1FFA0] =	vst v39;
	v39 =	vsel vm0, $0xFFFFFFFF, v53;
	vm0 =	veq.s32 v19, $0xC;
	v38 =	vmax.f32 v38, v33  }
0x4f: {  	v54 =	vimm.s32 $0x0;
	v29 =	vsel vm0, v29, v38  }
0x50: {  	[tilespmem:$0x1FFB0] =	vst v39;
	v39 =	vsel vm0, $0xFFFFFFFF, v54;
	vm0 =	veq.s32 v19, $0xD;
	v29 =	vmax.f32 v29, v34  }
0x51: {  	v55 =	vimm.s32 $0x0;
	v38 =	vsel vm0, v38, v29  }
0x52: {  	[tilespmem:$0x1FFC0] =	vst v39;
	v39 =	vsel vm0, $0xFFFFFFFF, v55;
	vm0 =	veq.s32 v19, $0xE;
	v38 =	vmax.f32 v38, v35  }
0x53: {  	v56 =	vimm.s32 $0x0;
	v29 =	vsel vm0, v29, v38  }
0x54: {  	[tilespmem:$0x1FFD0] =	vst v39;
	v39 =	vsel vm0, $0xFFFFFFFF, v56;
	vm0 =	veq.s32 v19, $0xF;
	v29 =	vmax.f32 v29, v36  }
0x55: {  	v57 =	vimm.s32 $0x0;
	vm2 =	vne.s32 v19, $0xC;
	v29 =	vsel vm0, v38, v29  }
0x56: {  	[tilespmem:$0x1FFE0] =	vst v39;
	v39 =	vsel vm0, $0xFFFFFFFF, v57;
	vm0 =	vne.s32 v19, $0xF;
	vm1 =	veq.f32 v36, v29  }
0x57: {  	v59 =	vsub.f32 v29, v37;
	vm3 =	veq.f32 v34, v29;
	vm4 =	veq.f32 v33, v29  }
0x58: {  	vm0 =	vmand vm0, vm1;
	vm1 =	veq.f32 v35, v29;
	vm2 =	vmand vm2, vm4  }
0x59: {  	vm4 =	veq.f32 v31, v29;
	v58 =	vsel vm0, $0xF, v1;
	vm0 =	vne.s32 v19, $0xE  }
0x5a: {  	v61 =	vmul.f32 $1.442695020e+00, v59;
	vm0 =	vmand vm0, vm1;
	vm1 =	vne.s32 v19, $0xD  }
0x5b: {  	v60 =	vsel vm0, $0xE, v58;
	vm0 =	vmand vm1, vm3;
	vm1 =	vne.s32 v19, $0xB  }
0x5c: {  	vm3 =	veq.f32 v32, v29;
	(erf) = vpow2.f32 v61;
	v33 =	vsel vm0, $0xD, v60  }
0x5d: {  	vm0 =	vne.s32 v19, $0xA;
	vm1 =	vmand vm1, vm3;
	vm3 =	veq.f32 v28, v29  }
0x5e: {  	v62 =	vsel vm2, $0xC, v33;
	vm0 =	vmand vm0, vm4;
	vm2 =	vne.s32 v19, $0x8  }
0x5f: {  	vm4 =	veq.f32 v30, v29;
	v31 =	vsel vm1, $0xB, v62;
	vm1 =	vne.s32 v19, $0x9  }
0x60: {  	vm1 =	vmand vm1, vm4;
	v63 =	vsel vm0, $0xA, v31;
	vm0 =	vmand vm2, vm3  }
0x61: {  	vm2 =	veq.f32 v27, v29;
	v28 =	vsel vm1, $0x9, v63;
	vm1 =	vne.s32 v19, $0x7  }
0x62: {  	v27 =	vsel vm0, $0x8, v28;
	vm0 =	vmand vm1, vm2  }
0x63: {  	vm1 =	veq.f32 v26, v29;
	v27 =	vsel vm0, $0x7, v27;
	vm0 =	vne.s32 v19, $0x6  }
0x64: {  	vm2 =	vne.s32 v19, $0x5;
	vm0 =	vmand vm0, vm1;
	vm1 =	veq.f32 v25, v29  }
0x65: {  	v25 =	vsel vm0, $0x6, v27;
	vm0 =	vmand vm2, vm1;
	vm1 =	vne.s32 v19, $0x4;
	v26 =	vpop (erf)  }
0x66: {  	v25 =	vsel vm0, $0x5, v25;
	vm0 =	veq.f32 v24, v29;
	v24 =	vadd.f32 $1.000000000e+00, v26  }
0x67: {  	vm2 =	veq.f32 v23, v29;
	vm0 =	vmand vm1, vm0;
	vm1 =	vne.s32 v19, $0x3  }
0x68: {  	v23 =	vsel vm0, $0x4, v25;
	vm0 =	vmand vm1, vm2;
	(erf) = vrcp.f32 v24  }
0x69: {  	vm1 =	vne.s32 v19, $0x2;
	v23 =	vsel vm0, $0x3, v23;
	vm0 =	veq.f32 v22, v29  }
0x6a: {  	s11 =	simm.s32 $0x10;
	vm2 =	veq.f32 v20, v29;
	vm0 =	vmand vm1, vm0  }
0x6b: {  	v20 =	vor.u32 s11, v0;
	vm1 =	vne.s32 v19, $0x1;
	v22 =	vsel vm0, $0x2, v23  }
0x6c: {  	vm0 =	vmand vm1, vm2;
	vm1 =	veq.f32 v21, v29;
	vm2 =	vne.s32 v19, $0x0  }
0x6d: {  	v23 =	vshll.u32 v20, $0x4;
	v21 =	vsel vm0, $0x1, v22;
	vm0 =	vmand vm2, vm1  }
0x6e: {  	v22 =	vor.u32 $0x1, v23;
	v24 =	vsel vm0, $0x0, v21;
	v21 =	vor.u32 $0x2, v23  }
0x6f: {  	vm13 =	veq.s32 v24, $0xF;
	vm3 =	veq.s32 v24, $0xC;
	vm2 =	veq.s32 v24, $0xD  }
0x70: {  	vm1 =	veq.s32 v24, $0xE;
	vm6 =	veq.s32 v24, $0x9;
	vm5 =	veq.s32 v24, $0xA  }
0x71: {  	vm4 =	veq.s32 v24, $0xB;
	vm8 =	veq.s32 v24, $0x7;
	vm7 =	veq.s32 v24, $0x8  }
0x72: {  	[tilespmem:$0x1FFF0] =	vst v39;
	s11 =	simm.s32 $0x20;
	vm10 =	veq.s32 v24, $0x5;
	vm9 =	veq.s32 v24, $0x6;
	vm11 =	veq.s32 v24, $0x4;
	v25 =	vpop (erf)  }
.LBB2_2:
0x73: {  	v32 =	vld [tilespmem:$0x1FF20]  }
0x74: {  	v44 =	vld [tilespmem:$0x1FF10];
	_ =	sdelay $0x1  }
0x75: {  	v26 =	vmul.f32 v25, v26  }
0x76: {  	vm14 =	veq.s32 v24, $0x0;
	vm0 =	vmmov vm15  }
0x77: {  	vm15 =	veq.s32 v24, $0x1;
	v29 =	vnsel vm14, $0x0, v26;
	vm14 =	vnez.u8 v32  }
0x78: {  	v30 =	vnsel vm15, $0x0, v26;
	v29 =	vsel vm14, v25, v29;
	vm14 =	vnez.u8 v44  }
0x79: {  	v30 =	vsel vm14, v25, v30;
	[tilespmem:v9+s8+$0x0] =	vst.idx.msk $0xffff, v29  }
0x7a: {  	[tilespmem:v12+s8+$0x0] =	vst.idx.msk $0xffff, v30;
	v12 =	vld [tilespmem:$0x1FF30]  }
0x7b: {  	v47 =	vld [tilespmem:$0x1FF40];
	_ =	sdelay $0x1  }
0x7c: {  	v27 =	vimm.s32 $0x0  }
0x7d: {  	vm12 =	veq.s32 v24, $0x2;
	v27 =	vsel vm13, $0xFFFFFFFF, v27  }
0x7e: {  	vm13 =	veq.s32 v24, $0x3;
	v46 =	vnsel vm12, $0x0, v26;
	vm12 =	vnez.u8 v12  }
0x7f: {  	v33 =	vnsel vm13, $0x0, v26;
	v35 =	vsel vm12, v25, v46;
	vm12 =	vnez.u8 v47  }
0x80: {  	v29 =	vsel vm12, v25, v33;
	[tilespmem:v6+s8+$0x0] =	vst.idx.msk $0xffff, v35  }
0x81: {  	[tilespmem:v10+s8+$0x0] =	vst.idx.msk $0xffff, v29;
	v10 =	vld [tilespmem:$0x1FF50]  }
0x82: {  	v12 =	vmov v22;
	v22 =	vld [tilespmem:$0x1FF60];
	_ =	sdelay $0x3  }
0x83: {  	v49 =	vnsel vm11, $0x0, v26;
	v34 =	vnsel vm10, $0x0, v26;
	vm10 =	vnez.u8 v10  }
0x84: {  	v50 =	vsel vm10, v25, v49;
	vm10 =	vnez.u8 v22  }
0x85: {  	v22 =	vsel vm10, v25, v34;
	[tilespmem:v5+s8+$0x0] =	vst.idx.msk $0xffff, v50  }
0x86: {  	[tilespmem:v7+s8+$0x0] =	vst.idx.msk $0xffff, v22;
	v7 =	vld [tilespmem:$0x1FF70]  }
0x87: {  	v22 =	vld [tilespmem:$0x1FF80];
	_ =	sdelay $0x3  }
0x88: {  	v52 =	vnsel vm9, $0x0, v26;
	v53 =	vnsel vm8, $0x0, v26;
	vm8 =	vnez.u8 v7  }
0x89: {  	v54 =	vsel vm8, v25, v52;
	vm8 =	vnez.u8 v22  }
0x8a: {  	v55 =	vnsel vm7, $0x0, v26;
	v22 =	vsel vm8, v25, v53;
	[tilespmem:v4+s8+$0x0] =	vst.idx.msk $0xffff, v54  }
0x8b: {  	[tilespmem:v13+s8+$0x0] =	vst.idx.msk $0xffff, v22;
	v13 =	vsel vm0, v25, v55;
	v22 =	vld [tilespmem:$0x1FF90]  }
0x8c: {  	[tilespmem:v14+s8+$0x0] =	vst.idx.msk $0xffff, v13;
	v13 =	vld [tilespmem:$0x1FFA0];
	_ =	sdelay $0x3  }
0x8d: {  	v56 =	vnsel vm6, $0x0, v26;
	vm0 =	vnez.u8 v22  }
0x8e: {  	v57 =	vnsel vm5, $0x0, v26;
	v22 =	vsel vm0, v25, v56;
	vm0 =	vnez.u8 v13;
	v13 =	vld [tilespmem:$0x1FFB0]  }
0x8f: {  	v14 =	vsel vm0, v25, v57;
	[tilespmem:v11+s8+$0x0] =	vst.idx.msk $0xffff, v22;
	v11 =	vld [tilespmem:$0x1FFC0]  }
0x90: {  	[tilespmem:v8+s8+$0x0] =	vst.idx.msk $0xffff, v14;
	v8 =	vld [tilespmem:$0x1FFD0];
	_ =	sdelay $0x2  }
0x91: {  	v28 =	vor.u32 $0x4, v23;
	v58 =	vnsel vm4, $0x0, v26;
	vm0 =	vnez.u8 v13  }
0x92: {  	v59 =	vnsel vm3, $0x0, v26;
	v5 =	vmovc v28;
	v28 =	vsel vm0, v25, v58;
	vm0 =	vnez.u8 v11  }
0x93: {  	v22 =	vsel vm0, v25, v59;
	vm0 =	vnez.u8 v8;
	v8 =	vld [tilespmem:$0x1FFE0];
	_ =	sdelay $0x2  }
0x94: {  	v31 =	vor.u32 $0x5, v23;
	v45 =	vor.u32 $0x6, v23;
	v9 =	vmov v23  }
0x95: {  	[tilespmem:$0x1FF00] =	vst v27;
	v27 =	vor.u32 $0x3, v23;
	v60 =	vnsel vm2, $0x0, v26;
	v23 =	vor.u32 $0x7, v9  }
0x96: {  	v13 =	vmov v23;
	v23 =	vsel vm0, v25, v60;
	vm0 =	vnez.u8 v8;
	v8 =	vld [tilespmem:$0x1FF00];
	_ =	sdelay $0x2  }
0x97: {  	[tilespmem:v3+s8+$0x0] =	vst.idx.msk $0xffff, v28;
	v3 =	vld [tilespmem:$0x1FFF0]  }
0x98: {  	v61 =	vnsel vm1, $0x0, v26  }
0x99: {  	v7 =	vmov v31;
	v31 =	vsel vm0, v25, v61;
	vm0 =	vnez.u8 v8  }
0x9a: {  	v62 =	vnsel vm0, $0x0, v26;
	v26 =	vshll.u32 v2, $0x1  }
0x9b: {  	[tilespmem:v17+s8+$0x0] =	vst.idx.msk $0xffff, v22;
	v17 =	vor.u32 $0x1, v26  }
0x9c: {  	[tilespmem:v15+s8+$0x0] =	vst.idx.msk $0xffff, v23;
	vm0 =	vnez.u8 v3  }
0x9d: {  	[tilespmem:v16+s8+$0x0] =	vst.idx.msk $0xffff, v31;
	v25 =	vsel vm0, v25, v62  }
0x9e: {  	v6 =	vmov v21;
	[tilespmem:v18+s8+$0x0] =	vst.idx.msk $0xffff, v25  }
0x9f: {  	v10 =	vmov v27;
	[tilespmem:v26+s9+$0x0] =	vst.idx.msk $0xffff, v19  }
0xa0: {  	[tilespmem:v17+s9+$0x0] =	vst.idx.msk $0xffff, v24  }
0xa1: {  	v2 =	vmov v20;
	v20 =	vld.idx.msk [tilespmem:v12+s2+$0x0], $0xffff  }
0xa2: {  	v21 =	vor.u32 $0x9, v9;
	v4 =	vmov v45;
	v23 =	vld.idx.msk [tilespmem:v9+s2+$0x0], $0xffff  }
0xa3: {  	v11 =	vmov v21;
	v21 =	vld.idx.msk [tilespmem:v6+s2+$0x0], $0xffff  }
0xa4: {  	v48 =	vor.u32 $0x8, v9;
	v22 =	vld.idx.msk [tilespmem:v10+s2+$0x0], $0xffff  }
0xa5: {  	v51 =	vor.u32 $0xA, v9;
	v24 =	vld.idx.msk [tilespmem:v5+s2+$0x0], $0xffff  }
0xa6: {  	v27 =	vor.u32 $0xB, v9;
	v8 =	vmov v51;
	v25 =	vld.idx.msk [tilespmem:v7+s2+$0x0], $0xffff  }
0xa7: {  	v3 =	vmov v27;
	v26 =	vld.idx.msk [tilespmem:v4+s2+$0x0], $0xffff;
	v37 =	vmax.f32 v23, v20  }
0xa8: {  	v17 =	vor.u32 $0xC, v9;
	v27 =	vld.idx.msk [tilespmem:v13+s2+$0x0], $0xffff;
	v18 =	vmax.f32 v37, v21  }
0xa9: {  	v15 =	vor.u32 $0xD, v9;
	v63 =	vld.idx.msk [tilespmem:v48+s2+$0x0], $0xffff;
	v19 =	vmax.f32 v18, v22  }
0xaa: {  	v16 =	vor.u32 $0xE, v9;
	v28 =	vld.idx.msk [tilespmem:v11+s2+$0x0], $0xffff;
	v19 =	vmax.f32 v19, v24  }
0xab: {  	v42 =	vld.idx.msk [tilespmem:v8+s2+$0x0], $0xffff;
	v18 =	vor.u32 $0xF, v9;
	v19 =	vmax.f32 v19, v25  }
0xac: {  	v31 =	vld.idx.msk [tilespmem:v3+s2+$0x0], $0xffff;
	v19 =	vmax.f32 v19, v26  }
0xad: {  	v43 =	vld.idx.msk [tilespmem:v17+s2+$0x0], $0xffff;
	v19 =	vmax.f32 v19, v27  }
0xae: {  	v44 =	vld.idx.msk [tilespmem:v15+s2+$0x0], $0xffff;
	v19 =	vmax.f32 v19, v63  }
0xaf: {  	v45 =	vld.idx.msk [tilespmem:v16+s2+$0x0], $0xffff;
	v19 =	vmax.f32 v19, v28  }
0xb0: {  	v35 =	vld.idx.msk [tilespmem:v18+s2+$0x0], $0xffff;
	v19 =	vmax.f32 v19, v42  }
0xb1: {  	v19 =	vmax.f32 v19, v31  }
0xb2: {  	v19 =	vmax.f32 v19, v43  }
0xb3: {  	v19 =	vmax.f32 v19, v44  }
0xb4: {  	v19 =	vmax.f32 v19, v45  }
0xb5: {  	v36 =	vmax.f32 v19, v35  }
0xb6: {  	vm0 =	veq.f32 v35, v36  }
0xb7: {  	v19 =	vsel vm0, $0xF, v1;
	vm0 =	veq.f32 v45, v36  }
0xb8: {  	v19 =	vsel vm0, $0xE, v19;
	vm0 =	veq.f32 v44, v36  }
0xb9: {  	v19 =	vsel vm0, $0xD, v19;
	vm0 =	veq.f32 v43, v36  }
0xba: {  	v19 =	vsel vm0, $0xC, v19;
	vm0 =	veq.f32 v31, v36  }
0xbb: {  	v19 =	vsel vm0, $0xB, v19;
	vm0 =	veq.f32 v42, v36  }
0xbc: {  	v19 =	vsel vm0, $0xA, v19;
	vm0 =	veq.f32 v28, v36  }
0xbd: {  	vm1 =	veq.f32 v63, v36;
	v19 =	vsel vm0, $0x9, v19  }
0xbe: {  	vm2 =	veq.f32 v27, v36;
	v19 =	vsel vm1, $0x8, v19  }
0xbf: {  	vm3 =	veq.f32 v26, v36;
	v19 =	vsel vm2, $0x7, v19  }
0xc0: {  	vm4 =	veq.f32 v25, v36;
	v19 =	vsel vm3, $0x6, v19  }
0xc1: {  	vm5 =	veq.f32 v24, v36;
	v19 =	vsel vm4, $0x5, v19  }
0xc2: {  	vm6 =	veq.f32 v22, v36;
	v19 =	vsel vm5, $0x4, v19  }
0xc3: {  	vm7 =	veq.f32 v21, v36;
	v19 =	vsel vm6, $0x3, v19  }
0xc4: {  	vm8 =	veq.f32 v20, v36;
	v19 =	vsel vm7, $0x2, v19  }
0xc5: {  	vm0 =	veq.f32 v23, v36;
	v19 =	vsel vm8, $0x1, v19  }
0xc6: {  	v19 =	vsel vm0, $0x0, v19  }
0xc7: {  	v38 =	vimm.s32 $0x0;
	vm0 =	veq.s32 v19, $0x1  }
0xc8: {  	vm1 =	veq.s32 v19, $0x0;
	v38 =	vsel vm0, $0xFFFFFFFF, v38;
	v46 =	vsel vm0, v23, v37  }
0xc9: {  	[tilespmem:$0x1FF10] =	vst v38;
	v38 =	vsel vm1, v20, v46  }
0xca: {  	v39 =	vimm.s32 $0x0;
	vm0 =	veq.s32 v19, $0x2;
	v38 =	vmax.f32 v38, v21  }
0xcb: {  	v47 =	vimm.s32 $0x0;
	v39 =	vsel vm1, $0xFFFFFFFF, v39;
	v37 =	vsel vm0, v37, v38  }
0xcc: {  	[tilespmem:$0x1FF20] =	vst v39;
	v39 =	vsel vm0, $0xFFFFFFFF, v47;
	vm0 =	veq.s32 v19, $0x3;
	v37 =	vmax.f32 v37, v22  }
0xcd: {  	v14 =	vmov v48;
	v48 =	vimm.s32 $0x0;
	v38 =	vsel vm0, v38, v37  }
0xce: {  	[tilespmem:$0x1FF30] =	vst v39;
	v39 =	vsel vm0, $0xFFFFFFFF, v48;
	vm0 =	veq.s32 v19, $0x4;
	v38 =	vmax.f32 v38, v24  }
0xcf: {  	v49 =	vimm.s32 $0x0;
	v37 =	vsel vm0, v37, v38  }
0xd0: {  	[tilespmem:$0x1FF40] =	vst v39;
	v39 =	vsel vm0, $0xFFFFFFFF, v49;
	vm0 =	veq.s32 v19, $0x5;
	v37 =	vmax.f32 v37, v25  }
0xd1: {  	v50 =	vimm.s32 $0x0;
	v38 =	vsel vm0, v38, v37  }
0xd2: {  	[tilespmem:$0x1FF50] =	vst v39;
	v39 =	vsel vm0, $0xFFFFFFFF, v50;
	vm0 =	veq.s32 v19, $0x6;
	v38 =	vmax.f32 v38, v26  }
0xd3: {  	v51 =	vimm.s32 $0x0;
	v37 =	vsel vm0, v37, v38  }
0xd4: {  	[tilespmem:$0x1FF60] =	vst v39;
	v39 =	vsel vm0, $0xFFFFFFFF, v51;
	vm0 =	veq.s32 v19, $0x7;
	v37 =	vmax.f32 v37, v27  }
0xd5: {  	v52 =	vimm.s32 $0x0;
	v38 =	vsel vm0, v38, v37  }
0xd6: {  	v53 =	vimm.s32 $0x0;
	vm15 =	veq.s32 v19, $0x8;
	v38 =	vmax.f32 v38, v63  }
0xd7: {  	v54 =	vimm.s32 $0x0;
	v55 =	vimm.s32 $0x0;
	v37 =	vsel vm15, v37, v38  }
0xd8: {  	[tilespmem:$0x1FF70] =	vst v39;
	v39 =	vsel vm0, $0xFFFFFFFF, v52;
	vm0 =	veq.s32 v19, $0x9;
	v37 =	vmax.f32 v37, v28  }
0xd9: {  	v56 =	vimm.s32 $0x0;
	v57 =	vimm.s32 $0x0;
	v38 =	vsel vm0, v38, v37  }
0xda: {  	[tilespmem:$0x1FF80] =	vst v39;
	v39 =	vsel vm0, $0xFFFFFFFF, v53;
	vm0 =	veq.s32 v19, $0xA;
	v38 =	vmax.f32 v38, v42  }
0xdb: {  	v58 =	vimm.s32 $0x0;
	v59 =	vimm.s32 $0x0;
	v37 =	vsel vm0, v37, v38  }
0xdc: {  	[tilespmem:$0x1FF90] =	vst v39;
	v39 =	vsel vm0, $0xFFFFFFFF, v54;
	vm0 =	veq.s32 v19, $0xB;
	v37 =	vmax.f32 v37, v31  }
0xdd: {  	vm2 =	vne.s32 v19, $0x6;
	vm4 =	veq.s32 v19, $0xD;
	v38 =	vsel vm0, v38, v37  }
0xde: {  	vm3 =	vne.s32 v19, $0x7;
	vm1 =	veq.s32 v19, $0xC;
	v38 =	vmax.f32 v38, v43  }
0xdf: {  	vm5 =	vne.s32 v19, $0x9;
	vm7 =	veq.s32 v19, $0xE;
	v37 =	vsel vm1, v37, v38  }
0xe0: {  	vm6 =	vne.s32 v19, $0xA;
	vm8 =	vne.s32 v19, $0xB;
	v37 =	vmax.f32 v37, v44  }
0xe1: {  	vm10 =	veq.s32 v19, $0xF;
	[tilespmem:$0x1FFA0] =	vst v39;
	v39 =	vsel vm0, $0xFFFFFFFF, v55;
	v38 =	vsel vm4, v38, v37  }
0xe2: {  	vm9 =	vne.s32 v19, $0xE;
	[tilespmem:$0x1FFB0] =	vst v39;
	v39 =	vsel vm1, $0xFFFFFFFF, v56;
	v38 =	vmax.f32 v38, v45  }
0xe3: {  	vm11 =	vne.s32 v19, $0xC;
	[tilespmem:$0x1FFC0] =	vst v39;
	v39 =	vsel vm4, $0xFFFFFFFF, v57;
	v37 =	vsel vm7, v37, v38  }
0xe4: {  	vm0 =	vne.s32 v19, $0x1;
	[tilespmem:$0x1FFD0] =	vst v39;
	v39 =	vsel vm7, $0xFFFFFFFF, v58;
	v37 =	vmax.f32 v37, v35  }
0xe5: {  	vm1 =	vne.s32 v19, $0x3;
	[tilespmem:$0x1FFE0] =	vst v39;
	v39 =	vsel vm10, $0xFFFFFFFF, v59;
	v37 =	vsel vm10, v38, v37  }
0xe6: {  	vm7 =	vne.s32 v19, $0xD;
	vm10 =	vne.s32 v19, $0xF;
	v60 =	vsub.f32 v37, v36  }
0xe7: {  	vm12 =	veq.f32 v35, v37;
	vm13 =	veq.f32 v44, v37;
	vm14 =	veq.f32 v43, v37  }
0xe8: {  	vm10 =	vmand vm10, vm12;
	vm12 =	veq.f32 v45, v37;
	v62 =	vmul.f32 $1.442695020e+00, v60  }
0xe9: {  	vm7 =	vmand vm7, vm13;
	vm13 =	veq.f32 v26, v37;
	v61 =	vsel vm10, $0xF, v1  }
0xea: {  	vm10 =	vmand vm11, vm14;
	vm9 =	vmand vm9, vm12;
	(erf) = vpow2.f32 v62  }
0xeb: {  	vm11 =	veq.f32 v31, v37;
	vm12 =	veq.f32 v63, v37;
	v63 =	vsel vm9, $0xE, v61  }
0xec: {  	vm9 =	veq.f32 v27, v37;
	vm8 =	vmand vm8, vm11;
	v27 =	vsel vm7, $0xD, v63  }
0xed: {  	vm11 =	veq.f32 v28, v37;
	vm7 =	veq.f32 v42, v37;
	v26 =	vsel vm10, $0xC, v27  }
0xee: {  	vm6 =	vmand vm6, vm7;
	vm7 =	veq.f32 v24, v37;
	v24 =	vsel vm8, $0xB, v26  }
0xef: {  	vm4 =	vne.s32 v19, $0x8;
	vm5 =	vmand vm5, vm11;
	v24 =	vsel vm6, $0xA, v24  }
0xf0: {  	vm4 =	vmand vm4, vm12;
	vm6 =	veq.f32 v22, v37;
	v22 =	vsel vm5, $0x9, v24  }
0xf1: {  	vm3 =	vmand vm3, vm9;
	vm5 =	veq.f32 v21, v37;
	v21 =	vsel vm4, $0x8, v22  }
0xf2: {  	vm2 =	vmand vm2, vm13;
	vm4 =	veq.f32 v20, v37;
	v20 =	vsel vm3, $0x7, v21  }
0xf3: {  	vm8 =	veq.f32 v25, v37;
	vm3 =	vne.s32 v19, $0x5;
	v20 =	vsel vm2, $0x6, v20;
	v26 =	vpop (erf)  }
0xf4: {  	vm2 =	vmand vm3, vm8;
	vm3 =	vne.s32 v19, $0x4;
	v21 =	vadd.f32 $1.000000000e+00, v26  }
0xf5: {  	vm1 =	vmand vm1, vm6;
	v20 =	vsel vm2, $0x5, v20;
	vm2 =	vmand vm3, vm7  }
0xf6: {  	v20 =	vsel vm2, $0x4, v20;
	vm2 =	vne.s32 v19, $0x2;
	(erf) = vrcp.f32 v21  }
0xf7: {  	vm10 =	veq.f32 v23, v37;
	v20 =	vsel vm1, $0x3, v20;
	vm1 =	vmand vm2, vm5  }
0xf8: {  	vm0 =	vmand vm0, vm4;
	v20 =	vsel vm1, $0x2, v20;
	vm1 =	vne.s32 v19, $0x0  }
0xf9: {  	s12 =	smov.u32 s11;
	v20 =	vsel vm0, $0x1, v20;
	vm0 =	vmand vm1, vm10  }
0xfa: {  	p0 =	sne.s32 s11, $0xF0;
	v24 =	vsel vm0, $0x0, v20;
	v20 =	vor.u32 s12, v0  }
.Ltmp0:
0xfb: {  	vm13 =	veq.s32 v24, $0xF;
	vm3 =	veq.s32 v24, $0xC;
	vm2 =	veq.s32 v24, $0xD;
	(pc) =	sbr.rel @p0 .LBB2_2-.Ltmp0, $4  }
0xfc: {  	vm1 =	veq.s32 v24, $0xE;
	vm6 =	veq.s32 v24, $0x9;
	vm5 =	veq.s32 v24, $0xA  }
0xfd: {  	vm4 =	veq.s32 v24, $0xB;
	vm8 =	veq.s32 v24, $0x7;
	vm7 =	veq.s32 v24, $0x8  }
0xfe: {  	v23 =	vshll.u32 v20, $0x4;
	vm10 =	veq.s32 v24, $0x5;
	vm9 =	veq.s32 v24, $0x6  }
0xff: {  	s11 =	sadd.s32 $0x10, s11;
	[tilespmem:$0x1FFF0] =	vst v39;
	vm11 =	veq.s32 v24, $0x4;
	v22 =	vor.u32 $0x1, v23;
	v21 =	vor.u32 $0x2, v23;
	v25 =	vpop (erf)  }
0x100: {  	v29 =	vld [tilespmem:$0x1FF20]  }
0x101: {  	v52 =	vld [tilespmem:$0x1FF10]  }
0x102: {  	v26 =	vmul.f32 v25, v26;
	v55 =	vld [tilespmem:$0x1FF30]  }
0x103: {  	vm12 =	veq.s32 v24, $0x0;
	vm0 =	veq.s32 v24, $0x1;
	v56 =	vld [tilespmem:$0x1FF40]  }
0x104: {  	v59 =	vld [tilespmem:$0x1FF50];
	v27 =	vnsel vm12, $0x0, v26;
	v28 =	vnsel vm0, $0x0, v26  }
0x105: {  	vm12 =	veq.s32 v24, $0x2;
	v57 =	vnsel vm11, $0x0, v26;
	vm0 =	vnez.u8 v29  }
0x106: {  	v53 =	vnsel vm12, $0x0, v26;
	vm14 =	vnez.u8 v52;
	v27 =	vsel vm0, v25, v27  }
0x107: {  	vm12 =	vnez.u8 v55;
	v28 =	vsel vm14, v25, v28;
	vm0 =	veq.s32 v24, $0x3;
	[tilespmem:v9+s8+$0x0] =	vst.idx.msk $0xffff, v27  }
0x108: {  	vm14 =	vnez.u8 v56;
	v54 =	vnsel vm0, $0x0, v26;
	v27 =	vsel vm12, v25, v53;
	[tilespmem:v12+s8+$0x0] =	vst.idx.msk $0xffff, v28  }
0x109: {  	v60 =	vld [tilespmem:$0x1FF60];
	v58 =	vnsel vm10, $0x0, v26;
	vm10 =	vnez.u8 v59;
	v9 =	vsel vm14, v25, v54;
	[tilespmem:v6+s8+$0x0] =	vst.idx.msk $0xffff, v27  }
0x10a: {  	v63 =	vld [tilespmem:$0x1FF70];
	v12 =	vsel vm10, v25, v57;
	[tilespmem:v10+s8+$0x0] =	vst.idx.msk $0xffff, v9  }
0x10b: {  	[tilespmem:v5+s8+$0x0] =	vst.idx.msk $0xffff, v12;
	v12 =	vld [tilespmem:$0x1FF80];
	_ =	sdelay $0x1  }
0x10c: {  	v30 =	vld [tilespmem:$0x1FF90]  }
0x10d: {  	v32 =	vld [tilespmem:$0x1FFA0];
	v2 =	vshll.u32 v2, $0x1;
	vm11 =	vnez.u8 v60  }
0x10e: {  	v33 =	vld [tilespmem:$0x1FFB0];
	v61 =	vnsel vm9, $0x0, v26;
	vm12 =	vnez.u8 v63;
	v6 =	vsel vm11, v25, v58  }
0x10f: {  	v35 =	vld [tilespmem:$0x1FFC0];
	v62 =	vnsel vm8, $0x0, v26;
	v9 =	vsel vm12, v25, v61;
	[tilespmem:v7+s8+$0x0] =	vst.idx.msk $0xffff, v6;
	vm14 =	vnez.u8 v12  }
0x110: {  	v37 =	vld [tilespmem:$0x1FFD0];
	v38 =	vor.u32 $0x1, v2;
	v27 =	vnsel vm7, $0x0, v26;
	[tilespmem:v4+s8+$0x0] =	vst.idx.msk $0xffff, v9;
	v5 =	vsel vm14, v25, v62  }
0x111: {  	v39 =	vld [tilespmem:$0x1FFE0];
	v28 =	vnsel vm6, $0x0, v26;
	vm7 =	vnez.u8 v30;
	v4 =	vsel vm15, v25, v27;
	[tilespmem:v13+s8+$0x0] =	vst.idx.msk $0xffff, v5  }
0x112: {  	v41 =	vld [tilespmem:$0x1FFF0];
	v29 =	vnsel vm5, $0x0, v26;
	vm8 =	vnez.u8 v32;
	v6 =	vsel vm7, v25, v28;
	[tilespmem:v14+s8+$0x0] =	vst.idx.msk $0xffff, v4  }
0x113: {  	v31 =	vnsel vm4, $0x0, v26;
	vm9 =	vnez.u8 v33;
	v5 =	vsel vm8, v25, v29;
	[tilespmem:v11+s8+$0x0] =	vst.idx.msk $0xffff, v6  }
0x114: {  	v34 =	vnsel vm3, $0x0, v26;
	vm10 =	vnez.u8 v35;
	v4 =	vsel vm9, v25, v31;
	[tilespmem:v8+s8+$0x0] =	vst.idx.msk $0xffff, v5  }
0x115: {  	v36 =	vnsel vm2, $0x0, v26;
	vm11 =	vnez.u8 v37;
	v5 =	vsel vm10, v25, v34;
	[tilespmem:v3+s8+$0x0] =	vst.idx.msk $0xffff, v4  }
0x116: {  	vm12 =	vnez.u8 v39;
	v3 =	vnsel vm1, $0x0, v26;
	v4 =	vsel vm11, v25, v36;
	[tilespmem:v17+s8+$0x0] =	vst.idx.msk $0xffff, v5  }
0x117: {  	v40 =	vnsel vm13, $0x0, v26;
	vm13 =	vnez.u8 v41;
	v3 =	vsel vm12, v25, v3;
	[tilespmem:v15+s8+$0x0] =	vst.idx.msk $0xffff, v4  }
0x118: {  	v4 =	vsel vm13, v25, v40;
	[tilespmem:v16+s8+$0x0] =	vst.idx.msk $0xffff, v3  }
0x119: {  	[tilespmem:v18+s8+$0x0] =	vst.idx.msk $0xffff, v4  }
0x11a: {  	v14 =	vor.u32 $0x3, v23;
	[tilespmem:v2+s9+$0x0] =	vst.idx.msk $0xffff, v19  }
0x11b: {  	v13 =	vor.u32 $0x4, v23;
	[tilespmem:v38+s9+$0x0] =	vst.idx.msk $0xffff, v24  }
0x11c: {  	v12 =	vor.u32 $0x5, v23;
	v16 =	vld.idx.msk [tilespmem:v22+s2+$0x0], $0xffff  }
0x11d: {  	v11 =	vor.u32 $0x6, v23;
	v17 =	vld.idx.msk [tilespmem:v23+s2+$0x0], $0xffff  }
0x11e: {  	v10 =	vor.u32 $0x7, v23;
	v18 =	vld.idx.msk [tilespmem:v21+s2+$0x0], $0xffff  }
0x11f: {  	v9 =	vor.u32 $0x8, v23;
	v19 =	vld.idx.msk [tilespmem:v14+s2+$0x0], $0xffff  }
0x120: {  	v8 =	vor.u32 $0x9, v23;
	v24 =	vld.idx.msk [tilespmem:v13+s2+$0x0], $0xffff  }
0x121: {  	v6 =	vor.u32 $0xA, v23;
	v42 =	vld.idx.msk [tilespmem:v12+s2+$0x0], $0xffff  }
0x122: {  	v3 =	vor.u32 $0xB, v23;
	v43 =	vld.idx.msk [tilespmem:v11+s2+$0x0], $0xffff;
	v44 =	vmax.f32 v17, v16  }
0x123: {  	v4 =	vor.u32 $0xC, v23;
	v45 =	vld.idx.msk [tilespmem:v10+s2+$0x0], $0xffff;
	v46 =	vmax.f32 v44, v18  }
0x124: {  	v2 =	vor.u32 $0xD, v23;
	v28 =	vld.idx.msk [tilespmem:v9+s2+$0x0], $0xffff;
	v47 =	vmax.f32 v46, v19  }
0x125: {  	v5 =	vor.u32 $0xE, v23;
	v30 =	vld.idx.msk [tilespmem:v8+s2+$0x0], $0xffff;
	v48 =	vmax.f32 v47, v24  }
0x126: {  	v7 =	vor.u32 $0xF, v23;
	v31 =	vld.idx.msk [tilespmem:v6+s2+$0x0], $0xffff;
	v15 =	vmax.f32 v48, v42  }
0x127: {  	v32 =	vld.idx.msk [tilespmem:v3+s2+$0x0], $0xffff;
	v15 =	vmax.f32 v15, v43  }
0x128: {  	v33 =	vld.idx.msk [tilespmem:v4+s2+$0x0], $0xffff;
	v15 =	vmax.f32 v15, v45  }
0x129: {  	v34 =	vld.idx.msk [tilespmem:v2+s2+$0x0], $0xffff;
	v15 =	vmax.f32 v15, v28  }
0x12a: {  	v35 =	vld.idx.msk [tilespmem:v5+s2+$0x0], $0xffff;
	v15 =	vmax.f32 v15, v30  }
0x12b: {  	v36 =	vld.idx.msk [tilespmem:v7+s2+$0x0], $0xffff;
	v15 =	vmax.f32 v15, v31  }
0x12c: {  	v15 =	vmax.f32 v15, v32  }
0x12d: {  	v15 =	vmax.f32 v15, v33  }
0x12e: {  	v15 =	vmax.f32 v15, v34  }
0x12f: {  	v15 =	vmax.f32 v15, v35  }
0x130: {  	v37 =	vmax.f32 v15, v36  }
0x131: {  	vm14 =	veq.f32 v36, v37  }
0x132: {  	vm15 =	veq.f32 v35, v37;
	v49 =	vsel vm14, $0xF, v1  }
0x133: {  	vm4 =	veq.f32 v34, v37;
	v15 =	vsel vm15, $0xE, v49  }
0x134: {  	vm5 =	veq.f32 v33, v37;
	v15 =	vsel vm4, $0xD, v15  }
0x135: {  	vm6 =	veq.f32 v32, v37;
	v15 =	vsel vm5, $0xC, v15  }
0x136: {  	vm7 =	veq.f32 v31, v37;
	v15 =	vsel vm6, $0xB, v15  }
0x137: {  	vm8 =	veq.f32 v30, v37;
	v15 =	vsel vm7, $0xA, v15  }
0x138: {  	vm9 =	veq.f32 v28, v37;
	v15 =	vsel vm8, $0x9, v15  }
0x139: {  	vm10 =	veq.f32 v45, v37;
	v15 =	vsel vm9, $0x8, v15  }
0x13a: {  	vm11 =	veq.f32 v43, v37;
	v15 =	vsel vm10, $0x7, v15  }
0x13b: {  	vm12 =	veq.f32 v42, v37;
	v15 =	vsel vm11, $0x6, v15  }
0x13c: {  	vm13 =	veq.f32 v24, v37;
	v15 =	vsel vm12, $0x5, v15  }
0x13d: {  	vm14 =	veq.f32 v19, v37;
	v15 =	vsel vm13, $0x4, v15  }
0x13e: {  	vm15 =	veq.f32 v18, v37;
	v15 =	vsel vm14, $0x3, v15  }
0x13f: {  	vm4 =	veq.f32 v16, v37;
	v15 =	vsel vm15, $0x2, v15  }
0x140: {  	vm5 =	veq.f32 v17, v37;
	v15 =	vsel vm4, $0x1, v15  }
0x141: {  	v15 =	vsel vm5, $0x0, v15  }
0x142: {  	vm12 =	veq.s32 v15, $0x1  }
0x143: {  	vm15 =	veq.s32 v15, $0x0;
	v38 =	vsel vm12, v17, v44  }
0x144: {  	v38 =	vsel vm15, v16, v38  }
0x145: {  	vm13 =	veq.s32 v15, $0x2;
	v38 =	vmax.f32 v38, v18  }
0x146: {  	v29 =	vsel vm13, v44, v38  }
0x147: {  	vm14 =	veq.s32 v15, $0x3;
	v29 =	vmax.f32 v29, v19  }
0x148: {  	v38 =	vsel vm14, v38, v29  }
0x149: {  	vm10 =	veq.s32 v15, $0x4;
	v38 =	vmax.f32 v38, v24  }
0x14a: {  	v29 =	vsel vm10, v29, v38  }
0x14b: {  	vm8 =	veq.s32 v15, $0x5;
	v29 =	vmax.f32 v29, v42  }
0x14c: {  	v38 =	vsel vm8, v38, v29  }
0x14d: {  	vm9 =	veq.s32 v15, $0x6;
	v38 =	vmax.f32 v38, v43  }
0x14e: {  	v29 =	vsel vm9, v29, v38  }
0x14f: {  	vm11 =	veq.s32 v15, $0x7;
	v29 =	vmax.f32 v29, v45  }
0x150: {  	v38 =	vsel vm11, v38, v29  }
0x151: {  	vm6 =	veq.s32 v15, $0x8;
	v38 =	vmax.f32 v38, v28  }
0x152: {  	v29 =	vsel vm6, v29, v38  }
0x153: {  	vm5 =	veq.s32 v15, $0x9;
	v29 =	vmax.f32 v29, v30  }
0x154: {  	v38 =	vsel vm5, v38, v29  }
0x155: {  	v39 =	vimm.s32 $0x0;
	vm7 =	veq.s32 v15, $0xA;
	v38 =	vmax.f32 v38, v31  }
0x156: {  	v50 =	vimm.s32 $0x0;
	v39 =	vsel vm6, $0xFFFFFFFF, v39;
	v29 =	vsel vm7, v29, v38  }
0x157: {  	[tilespmem:$0x1FEB0] =	vst v39;
	v39 =	vsel vm7, $0xFFFFFFFF, v50;
	vm7 =	veq.s32 v15, $0xB;
	v29 =	vmax.f32 v29, v32  }
0x158: {  	v38 =	vsel vm7, v38, v29  }
0x159: {  	vm6 =	veq.s32 v15, $0xC;
	v38 =	vmax.f32 v38, v33  }
0x15a: {  	v29 =	vsel vm6, v29, v38  }
0x15b: {  	vm4 =	veq.s32 v15, $0xD;
	v29 =	vmax.f32 v29, v34  }
0x15c: {  	v51 =	vimm.s32 $0x0;
	v38 =	vsel vm4, v38, v29  }
0x15d: {  	[tilespmem:$0x1FEC0] =	vst v39;
	v39 =	vsel vm4, $0xFFFFFFFF, v51;
	vm4 =	veq.s32 v15, $0xE;
	v38 =	vmax.f32 v38, v35  }
0x15e: {  	v52 =	vimm.s32 $0x0;
	v29 =	vsel vm4, v29, v38  }
0x15f: {  	[tilespmem:$0x1FED0] =	vst v39;
	v39 =	vsel vm4, $0xFFFFFFFF, v52;
	vm4 =	veq.s32 v15, $0xF;
	v29 =	vmax.f32 v29, v36  }
0x160: {  	v29 =	vsel vm4, v38, v29  }
0x161: {  	v37 =	vsub.f32 v29, v37;
	_ =	sdelay $0x1  }
0x162: {  	v53 =	vimm.s32 $0x0;
	vm0 =	vne.s32 v15, $0xF;
	v54 =	vmul.f32 $1.442695020e+00, v37  }
0x163: {  	vm2 =	vne.s32 v15, $0xD;
	[tilespmem:$0x1FEE0] =	vst v39;
	v39 =	vsel vm4, $0xFFFFFFFF, v53;
	vm4 =	veq.f32 v36, v29  }
0x164: {  	vm1 =	veq.f32 v34, v29;
	vm0 =	vmand vm0, vm4;
	(erf) = vpow2.f32 v54  }
0x165: {  	vm4 =	veq.f32 v35, v29;
	v55 =	vsel vm0, $0xF, v1;
	vm0 =	vne.s32 v15, $0xE  }
0x166: {  	vm3 =	vmand vm0, vm4;
	vm0 =	vne.s32 v15, $0xC;
	vm4 =	veq.f32 v33, v29  }
0x167: {  	vm1 =	vmand vm2, vm1;
	vm0 =	vmand vm0, vm4;
	v56 =	vsel vm3, $0xE, v55  }
0x168: {  	vm4 =	veq.f32 v32, v29;
	v33 =	vsel vm1, $0xD, v56;
	vm1 =	vne.s32 v15, $0xB  }
0x169: {  	vm2 =	vne.s32 v15, $0xA;
	vm3 =	veq.f32 v30, v29;
	vm1 =	vmand vm1, vm4  }
0x16a: {  	v57 =	vsel vm0, $0xC, v33;
	vm0 =	vne.s32 v15, $0x9;
	vm4 =	veq.f32 v31, v29  }
0x16b: {  	vm2 =	vmand vm2, vm4;
	v58 =	vsel vm1, $0xB, v57;
	vm0 =	vmand vm0, vm3  }
0x16c: {  	vm1 =	vne.s32 v15, $0x8;
	vm4 =	veq.f32 v28, v29;
	v30 =	vsel vm2, $0xA, v58  }
0x16d: {  	vm1 =	vmand vm1, vm4;
	vm4 =	veq.f32 v45, v29;
	v59 =	vsel vm0, $0x9, v30;
	v60 =	vpop (erf)  }
0x16e: {  	vm0 =	vne.s32 v15, $0x7;
	v28 =	vsel vm1, $0x8, v59;
	v61 =	vadd.f32 $1.000000000e+00, v60  }
0x16f: {  	vm0 =	vmand vm0, vm4;
	vm1 =	vne.s32 v15, $0x6;
	vm4 =	veq.f32 v43, v29  }
0x170: {  	v62 =	vsel vm0, $0x7, v28;
	vm4 =	vmand vm1, vm4;
	(erf) = vrcp.f32 v61  }
0x171: {  	vm0 =	veq.f32 v42, v29;
	v26 =	vsel vm4, $0x6, v62;
	vm4 =	vne.s32 v15, $0x5  }
0x172: {  	vm1 =	veq.f32 v24, v29;
	vm0 =	vmand vm4, vm0;
	vm4 =	vne.s32 v15, $0x4  }
0x173: {  	v63 =	vsel vm0, $0x5, v26;
	vm4 =	vmand vm4, vm1  }
0x174: {  	vm0 =	vne.s32 v15, $0x3;
	v24 =	vsel vm4, $0x4, v63;
	vm4 =	veq.f32 v19, v29  }
0x175: {  	vm1 =	veq.f32 v18, v29;
	vm0 =	vmand vm0, vm4;
	vm4 =	vne.s32 v15, $0x2  }
0x176: {  	v28 =	vsel vm0, $0x3, v24;
	vm4 =	vmand vm4, vm1  }
0x177: {  	vm0 =	vne.s32 v15, $0x1;
	v18 =	vsel vm4, $0x2, v28;
	vm4 =	veq.f32 v16, v29  }
0x178: {  	vm1 =	veq.f32 v17, v29;
	vm0 =	vmand vm0, vm4;
	vm4 =	vne.s32 v15, $0x0  }
0x179: {  	v31 =	vsel vm0, $0x1, v18;
	vm4 =	vmand vm4, vm1;
	v32 =	vpop (erf)  }
0x17a: {  	v16 =	vsel vm4, $0x0, v31;
	v33 =	vmul.f32 v32, v60  }
0x17b: {  	vm0 =	veq.s32 v16, $0x0;
	vm4 =	veq.s32 v16, $0x1  }
0x17c: {  	v34 =	vnsel vm0, $0x0, v33;
	v35 =	vnsel vm4, $0x0, v33;
	vm4 =	veq.s32 v16, $0x2  }
0x17d: {  	[tilespmem:$0x1FEF0] =	vst v39;
	v19 =	vsel vm15, v32, v34;
	v36 =	vnsel vm4, $0x0, v33;
	vm4 =	veq.s32 v16, $0x3  }
0x17e: {  	v24 =	vsel vm12, v32, v35;
	vm15 =	veq.s32 v16, $0x4;
	vm12 =	veq.s32 v16, $0x9;
	[tilespmem:v23+s8+$0x0] =	vst.idx.msk $0xffff, v19  }
0x17f: {  	v51 =	vld [tilespmem:$0x1FEB0];
	v37 =	vnsel vm4, $0x0, v33;
	v38 =	vsel vm13, v32, v36;
	vm13 =	veq.s32 v16, $0x5;
	[tilespmem:v22+s8+$0x0] =	vst.idx.msk $0xffff, v24  }
0x180: {  	v40 =	vnsel vm15, $0x0, v33;
	vm4 =	veq.s32 v16, $0x6;
	v39 =	vsel vm14, v32, v37;
	[tilespmem:v21+s8+$0x0] =	vst.idx.msk $0xffff, v38  }
0x181: {  	v54 =	vld [tilespmem:$0x1FEC0];
	v49 =	vnsel vm12, $0x0, v33;
	v41 =	vnsel vm13, $0x0, v33;
	v42 =	vsel vm10, v32, v40;
	[tilespmem:v14+s8+$0x0] =	vst.idx.msk $0xffff, v39  }
0x182: {  	v43 =	vnsel vm4, $0x0, v33;
	vm10 =	veq.s32 v16, $0x7;
	v44 =	vsel vm8, v32, v41;
	[tilespmem:v13+s8+$0x0] =	vst.idx.msk $0xffff, v42  }
0x183: {  	vm13 =	veq.s32 v16, $0x8;
	v45 =	vnsel vm10, $0x0, v33;
	v46 =	vsel vm9, v32, v43;
	[tilespmem:v12+s8+$0x0] =	vst.idx.msk $0xffff, v44  }
0x184: {  	v60 =	vld [tilespmem:$0x1FED0];
	vm15 =	vnez.u8 v51;
	v48 =	vnsel vm13, $0x0, v33;
	v47 =	vsel vm11, v32, v45;
	[tilespmem:v11+s8+$0x0] =	vst.idx.msk $0xffff, v46  }
0x185: {  	vm14 =	veq.s32 v16, $0xA;
	vm4 =	veq.s32 v16, $0xB;
	v12 =	vsel vm15, v32, v48;
	[tilespmem:v10+s8+$0x0] =	vst.idx.msk $0xffff, v47  }
0x186: {  	v52 =	vsel vm5, v32, v49;
	v50 =	vnsel vm14, $0x0, v33;
	vm9 =	vnez.u8 v54;
	[tilespmem:v9+s8+$0x0] =	vst.idx.msk $0xffff, v12  }
0x187: {  	v53 =	vnsel vm4, $0x0, v33;
	vm8 =	veq.s32 v16, $0xC;
	v9 =	vsel vm9, v32, v50;
	[tilespmem:v8+s8+$0x0] =	vst.idx.msk $0xffff, v52  }
0x188: {  	vm10 =	veq.s32 v16, $0xD;
	v55 =	vsel vm7, v32, v53;
	v56 =	vnsel vm8, $0x0, v33;
	[tilespmem:v6+s8+$0x0] =	vst.idx.msk $0xffff, v9  }
0x189: {  	vm12 =	vnez.u8 v60;
	v58 =	vnsel vm10, $0x0, v33;
	v57 =	vsel vm6, v32, v56;
	[tilespmem:v3+s8+$0x0] =	vst.idx.msk $0xffff, v55  }
0x18a: {  	v62 =	vld [tilespmem:$0x1FEE0];
	v6 =	vsel vm12, v32, v58;
	[tilespmem:v4+s8+$0x0] =	vst.idx.msk $0xffff, v57  }
0x18b: {  	[tilespmem:v2+s8+$0x0] =	vst.idx.msk $0xffff, v6;
	v2 =	vld [tilespmem:$0x1FEF0];
	_ =	sdelay $0x2  }
0x18c: {  	vm13 =	veq.s32 v16, $0xF;
	vm11 =	veq.s32 v16, $0xE;
	v3 =	vshll.u32 v20, $0x1  }
0x18d: {  	vm14 =	vnez.u8 v62;
	v59 =	vnsel vm11, $0x0, v33;
	v61 =	vor.u32 $0x1, v3  }
0x18e: {  	v63 =	vnsel vm13, $0x0, v33;
	v8 =	vsel vm14, v32, v59;
	vm15 =	vnez.u8 v2  }
0x18f: {  	[tilespmem:v5+s8+$0x0] =	vst.idx.msk $0xffff, v8;
	v2 =	vsel vm15, v32, v63  }
0x190: {  	[tilespmem:v7+s8+$0x0] =	vst.idx.msk $0xffff, v2  }
0x191: {  	[tilespmem:v3+s9+$0x0] =	vst.idx.msk $0xffff, v15  }
0x192: {  	[tilespmem:v61+s9+$0x0] =	vst.idx.msk $0xffff, v16  }
0x193: {  	[hbm4b:s4+s2] =	stream.linear.scatter [tilespmem:s8], [sflag:$0x1], $0x1000, $0x38;
	[tilespmem:$0x2200] =	vst v63  }
0x194: {  	s10 =	sadd.s32 $0x1, s10;
	_ =	swait.ge [sflag:s7], $0x1000  }
0x195: {  	p0 =	sne.s32 s10, s6;
	[sflag:s7] =	ssyncset.done $0x0  }
.Ltmp1:
0x196: {  	[sflag:s7] =	ssyncadd.s32 $0xFFFFF000;
	(pc) =	sbr.rel @p0 .LBB2_1-.Ltmp1, $4  }
0x197: {  	[hbm4b:s5+s2] =	stream.linear.scatter [tilespmem:s9], [sflag:$0x1], $0x200, $0x38;
	[tilespmem:$0x2200] =	vst v63  }
0x198: {  	_ =	swait.ge [sflag:s7], $0x200  }
0x199: {  	[sflag:s7] =	ssyncset.done $0x0  }
0x19a: {  	[sflag:s7] =	ssyncadd.s32 $0xFFFFFE00  }
0x19b: {  	_ =	sfence.sel $0x180000  }
0x19c: {  	[bflag:$0x0] =	sbarrier.arrive $0xFFFF  }
0x19d: {  	p0 =	sne.s32 s1, $0x0;
	_ =	strace $0x9000004A  }
0x19e: {  	s0 =	sadd.s32 @!p0 $0x100000, s0;
	[bflag:$0x2] =	sbarrier.arrive $0xFFFF  }
0x19f: {  	[sflag:s0] =	ssyncadd.tile.s32 @!p0 $0x1;
	_ =	shalt  }
.Lfunc_end2:
_tile_overlayer_lowered:
.L_overlay_start_2:
0x1a0: {  	(tag) =	ssettag $0x2  }
0x1a1: {  	s0 =	rddreg [dreg:$0x0];
	s2 =	stileid.u32  }
0x1a2: {  	s1 =	rddreg [dreg:$0x1];
	p0 =	sne.s32 s2, $0x0  }
0x1a3: {  	s3 =	rddreg [dreg:$0x2];
	[bflag:$0x3] =	sbarrier.arrive $0xFFFF;
	s2 =	simm.s32 @!p0 $0x1C01  }
0x1a4: {  	[timem:s3], [sflag:s2] =	dma.local @!p0 [hbm:s0], s1  }
0x1a5: {  	s0 =	simm.s32 @!p0 $0x1  }
0x1a6: {  	_ =	swait.ge @!p0 [sflag:s0], s1  }
0x1a7: {  	s1 =	ssub.s32 @!p0 $0x0, s1;
	[sflag:s0] =	ssyncset.done @!p0 $0x0  }
0x1a8: {  	[sflag:s0] =	ssyncadd.s32 @!p0 s1  }
0x1a9: {  	[bflag:$0x3] =	sbarrier.arrive $0xFFFF  }
0x1aa: {  	_ =	shalt  }

// kernel: kernel.9.cloned.1.call-start
scs
__scs_entry_jumppad:
0x0: {  	(pc) =	sbr.rel $0x88, $3  }
0x1: {  	(tag) =	ssettag $0x0;
	lr =	simm.s32 $0x1  }
0x2: {  	[smem:$0x3F9E] =	sst lr;
	_ =	strace $0xD0000000  }
0x3: {  	_ = 	snop  }
0x4: {  	_ = 	snop  }
0x5: {  	_ = 	snop  }
0x6: {  	_ = 	snop  }
0x7: {  	_ = 	snop  }
__scs_overlays_trampoline_lowered:
0x8: {  	[smem:$0x3FAD] =	sst s0  }
0x9: {  	[smem:$0x3FAE] =	sst s1  }
0xa: {  	[smem:$0x3FAF] =	sst s2  }
0xb: {  	[smem:$0x3FB0] =	sst s3  }
0xc: {  	[smem:$0x3FB1] =	sst s4  }
0xd: {  	[smem:$0x3FB2] =	sst s5  }
0xe: {  	[smem:$0x3FB3] =	sst s6  }
0xf: {  	[smem:$0x3FB4] =	sst s7  }
0x10: {  	[smem:$0x3FB5] =	sst s8  }
0x11: {  	[smem:$0x3FB6] =	sst s9;
	s0 =	simm.s32 @!p0 $0x0  }
0x12: {  	s1 =	sld [smem:$0x3F9C];
	s0 =	simm.s32 @p0 $0x1  }
0x13: {  	[smem:$0x3FB7] =	sst s0;
	s0 =	simm.s32 @!p1 $0x0  }
0x14: {  	s2 =	sld [smem:$0x3F9B];
	s0 =	simm.s32 @p1 $0x1  }
0x15: {  	[smem:$0x3FB8] =	sst s0;
	s0 =	simm.s32 @!p2 $0x0  }
0x16: {  	s3 =	sld [smem:$0x3FDB];
	s0 =	simm.s32 @p2 $0x1  }
0x17: {  	s4 =	simm.s32 $0x1BF5;
	[smem:$0x3FBA] =	sst s0  }
0x18: {  	s0 =	sld [smem:$0x3F9D];
	_ =	swait.ge [sflag:s4], $0x0  }
0x19: {  	s7 =	sld [smem:$0x3F9E]  }
0x1a: {  	s8 =	sadd.s32 $0xFFFFE003, lr  }
0x1b: {  	s9 =	sadd.s32 $0xFFFFFEF7, lr;
	s5 =	simm.s32 $0xFFFFFFFF;
	p2 =	slt.u32 s8, $0xFFFFF086  }
0x1c: {  	p1 =	slt.u32 s9, $0xF7A;
	s5 =	simm.s32 @!p2 $0x0  }
0x1d: {  	s5 =	simm.s32 @p1 $0x1;
	p0 =	seq.s32 s7, s2  }
0x1e: {  	s7 =	smul.u32 @!p0 $0xF7A, s2;
	p2 =	seq.s32 @!p0 s5, $0x0  }
0x1f: {  	s9 =	smul.u32 $0xF7A, s1;
	s8 =	simm.s32 @!p0 $0x1BF5;
	p2 =	por !p2, p0  }
0x20: {  	[sflag:s8] =	ssyncset.s32 @!p0 $0xFFFFF086;
	s6 =	sadd.s32 @!p0 s3, s7;
	s7 =	simm.s32 @!p0 $0x108  }
0x21: {  	s3 =	sadd.s32 s3, s9;
	s6 =	sadd.s32 @!p0 $0x88, s6;
	s7 =	simm.s32 @p2 $0x1082  }
0x22: {  	[simem:s7], [sflag:s8] =	dma.local @!p0 [hbm:s6], $0xF7A  }
0x23: {  	s9 =	sor.u32 $0xD0000000, s2;
	s6 =	simm.s32 $0x108;
	_ =	swait.ge @!p0 [sflag:s8], $0x0  }
0x24: {  	s3 =	sadd.s32 $0x88, s3;
	s6 =	simm.s32 @!p1 $0x1082;
	[sflag:s4] =	ssyncset.s32 $0xFFFFF086  }
0x25: {  	[simem:s6], [sflag:s4] =	dma.local [hbm:s3], $0xF7A  }
0x26: {  	[smem:$0x3F9E] =	sst s1;
	(tag) =	ssettag s2;
	_ =	strace s9  }
0x27: {  	s1 =	sld [smem:$0x3FAE]  }
0x28: {  	s2 =	sld [smem:$0x3FAF]  }
0x29: {  	s4 =	sld [smem:$0x3FB1]  }
0x2a: {  	p0 =	seq.s32 s5, $0x0;
	s5 =	sld [smem:$0x3FB2]  }
0x2b: {  	s6 =	sld [smem:$0x3FB3]  }
0x2c: {  	s7 =	sld [smem:$0x3FB4]  }
0x2d: {  	s3 =	simm.s32 $0x108;
	s8 =	sld [smem:$0x3FB5]  }
0x2e: {  	s3 =	simm.s32 @!p0 $0x1082;
	s9 =	sld [smem:$0x3FB6]  }
0x2f: {  	lr =	sadd.s32 s0, s3;
	s0 =	sld [smem:$0x3FAD]  }
0x30: {  	s3 =	sld [smem:$0x3FB0]  }
0x31: {  	[smem:$0x3FB9] =	sst s10  }
0x32: {  	s10 =	sld [smem:$0x3FB7];
	_ =	sdelay $0x3  }
0x33: {  	p0 =	seq.s32 s10, $0x1;
	s10 =	sld [smem:$0x3FB9];
	_ =	sdelay $0x3  }
0x34: {  	[smem:$0x3FB9] =	sst s10  }
0x35: {  	s10 =	sld [smem:$0x3FB8];
	_ =	sdelay $0x3  }
0x36: {  	p1 =	seq.s32 s10, $0x1;
	s10 =	sld [smem:$0x3FB9];
	_ =	sdelay $0x3  }
0x37: {  	[smem:$0x3FB9] =	sst s10  }
0x38: {  	s10 =	sld [smem:$0x3FBA]  }
0x39: {  	_ = 	snop;
	(pc) =	sbr.ind lr, $3  }
0x3a: {  	_ = 	snop  }
0x3b: {  	_ = 	snop  }
0x3c: {  	p2 =	seq.s32 s10, $0x1;
	s10 =	sld [smem:$0x3FB9]  }
0x3d: {  	_ =	shalt  }
0x3e: {  	_ =	shalt  }
0x3f: {  	_ =	shalt  }
0x40: {  	_ =	shalt  }
0x41: {  	_ =	shalt  }
0x42: {  	_ =	shalt  }
0x43: {  	_ =	shalt  }
0x44: {  	_ =	shalt  }
0x45: {  	_ =	shalt  }
0x46: {  	_ =	shalt  }
0x47: {  	_ =	shalt  }
0x48: {  	_ =	shalt  }
0x49: {  	_ =	shalt  }
0x4a: {  	_ =	shalt  }
0x4b: {  	_ =	shalt  }
0x4c: {  	_ =	shalt  }
0x4d: {  	_ =	shalt  }
0x4e: {  	_ =	shalt  }
0x4f: {  	_ =	shalt  }
0x50: {  	_ =	shalt  }
0x51: {  	_ =	shalt  }
0x52: {  	_ =	shalt  }
0x53: {  	_ =	shalt  }
0x54: {  	_ =	shalt  }
0x55: {  	_ =	shalt  }
0x56: {  	_ =	shalt  }
0x57: {  	_ =	shalt  }
0x58: {  	_ =	shalt  }
0x59: {  	_ =	shalt  }
0x5a: {  	_ =	shalt  }
0x5b: {  	_ =	shalt  }
0x5c: {  	_ =	shalt  }
0x5d: {  	_ =	shalt  }
0x5e: {  	_ =	shalt  }
0x5f: {  	_ =	shalt  }
0x60: {  	_ =	shalt  }
0x61: {  	_ =	shalt  }
0x62: {  	_ =	shalt  }
0x63: {  	_ =	shalt  }
0x64: {  	_ =	shalt  }
0x65: {  	_ =	shalt  }
0x66: {  	_ =	shalt  }
0x67: {  	_ =	shalt  }
0x68: {  	_ =	shalt  }
0x69: {  	_ =	shalt  }
0x6a: {  	_ =	shalt  }
0x6b: {  	_ =	shalt  }
0x6c: {  	_ =	shalt  }
0x6d: {  	_ =	shalt  }
0x6e: {  	_ =	shalt  }
0x6f: {  	_ =	shalt  }
0x70: {  	_ =	shalt  }
0x71: {  	_ =	shalt  }
0x72: {  	_ =	shalt  }
0x73: {  	_ =	shalt  }
0x74: {  	_ =	shalt  }
0x75: {  	_ =	shalt  }
0x76: {  	_ =	shalt  }
0x77: {  	_ =	shalt  }
0x78: {  	_ =	shalt  }
0x79: {  	_ =	shalt  }
0x7a: {  	_ =	shalt  }
0x7b: {  	_ =	shalt  }
0x7c: {  	_ =	shalt  }
0x7d: {  	_ =	shalt  }
0x7e: {  	_ =	shalt  }
0x7f: {  	_ =	shalt  }
0x80: {  	_ =	shalt  }
0x81: {  	_ =	shalt  }
0x82: {  	_ =	shalt  }
0x83: {  	_ =	shalt  }
0x84: {  	_ =	shalt  }
0x85: {  	_ =	shalt  }
0x86: {  	_ =	shalt  }
0x87: {  	_ =	shalt  }
.Lfunc_end0:
.L_simem_size_0:
called_computation.1_lowered:
.L_overlay_start_0:
0x88: {  	s2 =	sld [smem:$0x3FD9]  }
0x89: {  	s3 =	sld [smem:$0x3FFE];
	_ =	sdelay $0x1  }
0x8a: {  	s1 =	srdreg.scid  }
0x8b: {  	s0 =	sand.u32 $0x1, s1  }
0x8c: {  	s14 =	sshll.u32 s0, $0xA;
	s2 =	sadd.s32 s3, s2  }
0x8d: {  	s2 =	sadd.s32 s2, s14  }
0x8e: {  	[smem:$0x3FC5] =	sst s2  }
0x8f: {  	_ = 	snop  }
0x90: {  	s2 =	sld [smem:$0x3FD0];
	_ =	sdelay $0x2  }
0x91: {  	s15 =	simm.s32 $0xB;
	s4 =	simm.s32 $0x10  }
0x92: {  	[smem:s4], [sflag:s15] =	dma.local [hbm:s2], $0x1  }
0x93: {  	_ =	swait.eq [sflag:s15], $0x1  }
0x94: {  	[sflag:s15] =	ssyncset.done $0x0  }
0x95: {  	[sflag:s15] =	ssyncadd.s32 $0xFFFFFFFF  }
0x96: {  	s16 =	sld [smem:$0x10];
	(tm) =	ssettm $0x1  }
0x97: {  	s17 =	sld [smem:$0x3FFB];
	_ =	sdelay $0x3  }
0x98: {  	_ =	strace s17  }
0x99: {  	s3 =	sld [smem:$0x3FFC];
	_ =	sdelay $0x3  }
0x9a: {  	_ =	strace s3  }
0x9b: {  	s3 =	sld [smem:$0x3FFD];
	_ =	sdelay $0x3  }
0x9c: {  	_ =	strace s3  }
0x9d: {  	_ =	strace $0x8FFFFFFF  }
0x9e: {  	s18 =	sld [smem:$0x3FDB];
	_ =	sdelay $0x1  }
0x9f: {  	s19 =	simm.s32 $_scs_section_size  }
0xa0: {  	s5 =	simm.s32 $_size__tile_overlayer_lowered;
	s6 =	simm.s32 $_tile_overlayer_lowered  }
0xa1: {  	s22 =	simm.s32 $0x1BFF;
	s21 =	sshll.u32 s6, $0x1;
	s3 =	sadd.s32 s19, s18  }
0xa2: {  	s7 =	simm.s32 $0x0;
	s20 =	sshll.u32 s5, $0x1;
	s5 =	sadd.s32 s21, s3  }
0xa3: {  	[timem:s7], [sflag:s22] =	dma.local [hbm:s5], s20  }
0xa4: {  	_ =	swait.ge [sflag:s22], s20  }
0xa5: {  	s4 =	ssub.s32 $0x0, s20;
	[sflag:s22] =	ssyncset.done $0x0  }
0xa6: {  	[sflag:s22] =	ssyncadd.s32 s4;
	_ =	sdelay $0x1  }
0xa7: {  	s23 =	simm.s32 $0x1B8B  }
0xa8: {  	_ =	swait.ge [sflag:s23], $0x1  }
0xa9: {  	[sflag:s23] =	ssyncset.done $0x0  }
0xaa: {  	s25 =	simm.s32 $0x1B8E;
	s24 =	sld [smem:$0x3FFE];
	[sflag:s23] =	ssyncadd.s32 $0xFFFFFFFF  }
0xab: {  	s26 =	simm.s32 $execute0_lowered;
	[smem:$0x3FD2] =	sst s25  }
0xac: {  	s5 =	sshll.u32 s26, $0x1;
	_ =	strace $0x80000046;
	[dreg:$0x1] =	wrdreg $0xFFFFFFFF  }
0xad: {  	s28 =	simm.s32 $_size_execute0_lowered;
	s3 =	sadd.s32 s3, s5;
	[dreg:$0x0] =	wrdreg $0x0  }
0xae: {  	s5 =	sshll.u32 s28, $0x1;
	[dreg:$0x2] =	wrdreg s3  }
0xaf: {  	[dreg:$0x3] =	wrdreg s5  }
0xb0: {  	[dreg:$0x4] =	wrdreg $0xC0  }
0xb1: {  	_ =	task [dreg:s7], $0x5FFFF  }
0xb2: {  	[dreg:$0x1] =	wrdreg $0xFFFFFFFF  }
0xb3: {  	[dreg:$0x0] =	wrdreg $0x60  }
0xb4: {  	[dreg:$0x2] =	wrdreg s16  }
0xb5: {  	[dreg:$0x3] =	wrdreg s24  }
0xb6: {  	[dreg:$0x4] =	wrdreg $0xA  }
0xb7: {  	_ =	task.clear_ibuf [dreg:s7], $0x5FFFF;
	_ =	strace $0x90000046  }
0xb8: {  	s29 =	simm.s32 $0xA;
	_ =	strace $0x80000048  }
0xb9: {  	_ =	swait.ge [sflag:s29], $0x1  }
0xba: {  	[sflag:s29] =	ssyncadd.s32 $0xFFFFFFFF  }
0xbb: {  	_ =	strace $0x90000048  }
0xbc: {  	_ =	sfence  }
0xbd: {  	s30 =	sld [smem:$0x0];
	_ =	sdelay $0x2  }
0xbe: {  	s31 =	sshll.u32 s1, $0xD;
	s1 =	sshrl.u32 s1, $0x2  }
0xbf: {  	s3 =	sand.u32 $0x4000, s31;
	s1 =	sadd.s32 s1, s30  }
0xc0: {  	s0 =	sor.u32 s3, s0;
	s1 =	sshll.u32 s1, $0x11  }
0xc1: {  	s0 =	sor.u32 s1, s0  }
0xc2: {  	s0 =	sadd.s32 $0x8F2B, s0  }
0xc3: {  	[sflag:s0] =	ssyncadd.remote.s32 $0x1  }
0xc4: {  	_ =	sfence.sel $0xFFFF  }
0xc5: {  	[dreg:$0x0] =	wrdreg $0xFFFFFFFF;
	(pc) =	sbr.abs _section_cstart, $3  }
0xc6: {  	[dreg:$0x1] =	wrdreg $0xFFFFFFFF  }
0xc7: {  	_ =	task.clear_ibuf [dreg:s7], $0x2FFFF;
	_ =	strace $0x9FFFFFFF  }
0xc8: {  	(tm) =	ssettm $0x7FFFFFFF  }
0xc9: {  	_ =	shalt  }
tec
execute0_lowered:
.L_overlay_start_1:
0x0: {  	(tag) =	ssettag $0x1  }
0x1: {  	s3 =	rddreg [dreg:$0x0]  }
0x2: {  	s4 =	rddreg [dreg:$0x1]  }
0x3: {  	s0 =	rddreg [dreg:$0x2]  }
0x4: {  	s5 =	srdreg.scid;
	s1 =	stileid.u32  }
0x5: {  	s2 =	simm.s32 $0x0;
	s5 =	sand.u32 $0x1, s5;
	s6 =	sshll.u32 s1, $0x1  }
0x6: {  	s10 =	simm.s32 $0x0;
	[smem:$0x7FF] =	sst s2;
	s6 =	sor.u32 s5, s6  }
0x7: {  	_ =	strace $0x80000047;
	s5 =	ssub.s32 $0x2, s5;
	s7 =	sshll.u32 s6, $0x9  }
0x8: {  	s6 =	sshll.u32 s6, $0x6;
	s31 =	sshrl.u32 s5, $0x1;
	s8 =	sadd.s32 s7, s4  }
0x9: {  	s6 =	sadd.s32 s6, s4;
	s9 =	ssub.s32 s5, s31;
	s3 =	sadd.s32 s3, s7  }
0xa: {  	s7 =	simm.s32 $0x1;
	s4 =	sadd.s32 $0x1800, s8;
	s5 =	sadd.s32 $0x5800, s6  }
0xb: {  	v0 =	vlaneseq.u32;
	v1 =	vimm.s32 $0x0;
	s6 =	smax.u32 s9, $0x1;
	s8 =	simm.s32 $0x1000;
	s9 =	simm.s32 $0x2000  }
.LBB2_1:
0xc: {  	v2 =	vor.u32 s2, v0  }
0xd: {  	v9 =	vshll.u32 v2, $0x4  }
0xe: {  	[tilespmem:s2], [sflag:$0x1] =	stream.linear.gather [hbm4b:s3+s2], $0x1000, $0x38;
	v12 =	vor.u32 $0x1, v9;
	[tilespmem:$0x2200] =	vst v63  }
0xf: {  	_ =	swait.ge [sflag:s7], $0x1000;
	v6 =	vor.u32 $0x2, v9  }
0x10: {  	[sflag:s7] =	ssyncset.done $0x0;
	v10 =	vor.u32 $0x3, v9  }
0x11: {  	v5 =	vor.u32 $0x4, v9;
	[sflag:s7] =	ssyncadd.s32 $0xFFFFF000  }
0x12: {  	v7 =	vor.u32 $0x5, v9;
	v21 =	vld.idx.msk [tilespmem:v9+s2+$0x0], $0xffff  }
0x13: {  	v4 =	vor.u32 $0x6, v9;
	v20 =	vld.idx.msk [tilespmem:v12+s2+$0x0], $0xffff  }
0x14: {  	v13 =	vor.u32 $0x7, v9;
	v22 =	vld.idx.msk [tilespmem:v6+s2+$0x0], $0xffff  }
0x15: {  	v14 =	vor.u32 $0x8, v9;
	v23 =	vld.idx.msk [tilespmem:v10+s2+$0x0], $0xffff  }
0x16: {  	v11 =	vor.u32 $0x9, v9;
	v24 =	vld.idx.msk [tilespmem:v5+s2+$0x0], $0xffff  }
0x17: {  	v8 =	vor.u32 $0xA, v9;
	v25 =	vld.idx.msk [tilespmem:v7+s2+$0x0], $0xffff  }
0x18: {  	v3 =	vor.u32 $0xB, v9;
	v26 =	vld.idx.msk [tilespmem:v4+s2+$0x0], $0xffff;
	v29 =	vmax.f32 v21, v20  }
0x19: {  	v17 =	vor.u32 $0xC, v9;
	v27 =	vld.idx.msk [tilespmem:v13+s2+$0x0], $0xffff;
	v16 =	vmax.f32 v29, v22  }
0x1a: {  	v15 =	vor.u32 $0xD, v9;
	v28 =	vld.idx.msk [tilespmem:v14+s2+$0x0], $0xffff;
	v18 =	vmax.f32 v16, v23  }
0x1b: {  	v30 =	vld.idx.msk [tilespmem:v11+s2+$0x0], $0xffff;
	v16 =	vor.u32 $0xE, v9;
	v19 =	vmax.f32 v18, v24  }
0x1c: {  	v31 =	vld.idx.msk [tilespmem:v8+s2+$0x0], $0xffff;
	v18 =	vor.u32 $0xF, v9;
	v19 =	vmax.f32 v19, v25  }
0x1d: {  	v32 =	vld.idx.msk [tilespmem:v3+s2+$0x0], $0xffff;
	v19 =	vmax.f32 v19, v26  }
0x1e: {  	v33 =	vld.idx.msk [tilespmem:v17+s2+$0x0], $0xffff;
	v19 =	vmax.f32 v19, v27  }
0x1f: {  	v34 =	vld.idx.msk [tilespmem:v15+s2+$0x0], $0xffff;
	v19 =	vmax.f32 v19, v28  }
0x20: {  	v35 =	vld.idx.msk [tilespmem:v16+s2+$0x0], $0xffff;
	v19 =	vmax.f32 v19, v30  }
0x21: {  	v36 =	vld.idx.msk [tilespmem:v18+s2+$0x0], $0xffff;
	v19 =	vmax.f32 v19, v31  }
0x22: {  	v19 =	vmax.f32 v19, v32  }
0x23: {  	v19 =	vmax.f32 v19, v33  }
0x24: {  	v19 =	vmax.f32 v19, v34  }
0x25: {  	v19 =	vmax.f32 v19, v35  }
0x26: {  	v37 =	vmax.f32 v19, v36  }
0x27: {  	vm0 =	veq.f32 v36, v37  }
0x28: {  	v19 =	vsel vm0, $0xF, v1;
	vm0 =	veq.f32 v35, v37  }
0x29: {  	v19 =	vsel vm0, $0xE, v19;
	vm0 =	veq.f32 v34, v37  }
0x2a: {  	v19 =	vsel vm0, $0xD, v19;
	vm0 =	veq.f32 v33, v37  }
0x2b: {  	v19 =	vsel vm0, $0xC, v19;
	vm0 =	veq.f32 v32, v37  }
0x2c: {  	v19 =	vsel vm0, $0xB, v19;
	vm0 =	veq.f32 v31, v37  }
0x2d: {  	v19 =	vsel vm0, $0xA, v19;
	vm0 =	veq.f32 v30, v37  }
0x2e: {  	vm1 =	veq.f32 v28, v37;
	v19 =	vsel vm0, $0x9, v19  }
0x2f: {  	vm0 =	veq.f32 v27, v37;
	v19 =	vsel vm1, $0x8, v19  }
0x30: {  	vm1 =	veq.f32 v26, v37;
	v19 =	vsel vm0, $0x7, v19  }
0x31: {  	vm0 =	veq.f32 v25, v37;
	v19 =	vsel vm1, $0x6, v19  }
0x32: {  	vm1 =	veq.f32 v24, v37;
	v19 =	vsel vm0, $0x5, v19  }
0x33: {  	vm0 =	veq.f32 v23, v37;
	v19 =	vsel vm1, $0x4, v19  }
0x34: {  	vm1 =	veq.f32 v22, v37;
	v19 =	vsel vm0, $0x3, v19  }
0x35: {  	vm0 =	veq.f32 v20, v37;
	v19 =	vsel vm1, $0x2, v19  }
0x36: {  	vm1 =	veq.f32 v21, v37;
	v19 =	vsel vm0, $0x1, v19  }
0x37: {  	v19 =	vsel vm1, $0x0, v19  }
0x38: {  	v38 =	vimm.s32 $0x0;
	vm0 =	veq.s32 v19, $0x1  }
0x39: {  	vm1 =	veq.s32 v19, $0x0;
	v38 =	vsel vm0, $0xFFFFFFFF, v38;
	v44 =	vsel vm0, v21, v29  }
0x3a: {  	[tilespmem:$0x1FF10] =	vst v38;
	v38 =	vsel vm1, v20, v44  }
0x3b: {  	v39 =	vimm.s32 $0x0;
	vm0 =	veq.s32 v19, $0x2;
	v38 =	vmax.f32 v38, v22  }
0x3c: {  	v45 =	vimm.s32 $0x0;
	v39 =	vsel vm1, $0xFFFFFFFF, v39;
	v29 =	vsel vm0, v29, v38  }
0x3d: {  	[tilespmem:$0x1FF20] =	vst v39;
	v39 =	vsel vm0, $0xFFFFFFFF, v45;
	vm0 =	veq.s32 v19, $0x3;
	v29 =	vmax.f32 v29, v23  }
0x3e: {  	v46 =	vimm.s32 $0x0;
	v38 =	vsel vm0, v38, v29  }
0x3f: {  	[tilespmem:$0x1FF30] =	vst v39;
	v39 =	vsel vm0, $0xFFFFFFFF, v46;
	vm0 =	veq.s32 v19, $0x4;
	v38 =	vmax.f32 v38, v24  }
0x40: {  	v47 =	vimm.s32 $0x0;
	v29 =	vsel vm0, v29, v38  }
0x41: {  	[tilespmem:$0x1FF40] =	vst v39;
	v39 =	vsel vm0, $0xFFFFFFFF, v47;
	vm0 =	veq.s32 v19, $0x5;
	v29 =	vmax.f32 v29, v25  }
0x42: {  	v48 =	vimm.s32 $0x0;
	v38 =	vsel vm0, v38, v29  }
0x43: {  	[tilespmem:$0x1FF50] =	vst v39;
	v39 =	vsel vm0, $0xFFFFFFFF, v48;
	vm0 =	veq.s32 v19, $0x6;
	v38 =	vmax.f32 v38, v26  }
0x44: {  	v49 =	vimm.s32 $0x0;
	v29 =	vsel vm0, v29, v38  }
0x45: {  	[tilespmem:$0x1FF60] =	vst v39;
	v39 =	vsel vm0, $0xFFFFFFFF, v49;
	vm0 =	veq.s32 v19, $0x7;
	v29 =	vmax.f32 v29, v27  }
0x46: {  	v38 =	vsel vm0, v38, v29  }
0x47: {  	vm15 =	veq.s32 v19, $0x8;
	v38 =	vmax.f32 v38, v28  }
0x48: {  	v50 =	vimm.s32 $0x0;
	v29 =	vsel vm15, v29, v38  }
0x49: {  	[tilespmem:$0x1FF70] =	vst v39;
	v39 =	vsel vm0, $0xFFFFFFFF, v50;
	vm0 =	veq.s32 v19, $0x9;
	v29 =	vmax.f32 v29, v30  }
0x4a: {  	v51 =	vimm.s32 $0x0;
	v38 =	vsel vm0, v38, v29  }
0x4b: {  	[tilespmem:$0x1FF80] =	vst v39;
	v39 =	vsel vm0, $0xFFFFFFFF, v51;
	vm0 =	veq.s32 v19, $0xA;
	v38 =	vmax.f32 v38, v31  }
0x4c: {  	v52 =	vimm.s32 $0x0;
	v29 =	vsel vm0, v29, v38  }
0x4d: {  	[tilespmem:$0x1FF90] =	vst v39;
	v39 =	vsel vm0, $0xFFFFFFFF, v52;
	vm0 =	veq.s32 v19, $0xB;
	v29 =	vmax.f32 v29, v32  }
0x4e: {  	v53 =	vimm.s32 $0x0;
	v38 =	vsel vm0, v38, v29  }
0x4f: {  	[tilespmem:$0x1FFA0] =	vst v39;
	v39 =	vsel vm0, $0xFFFFFFFF, v53;
	vm0 =	veq.s32 v19, $0xC;
	v38 =	vmax.f32 v38, v33  }
0x50: {  	v54 =	vimm.s32 $0x0;
	v29 =	vsel vm0, v29, v38  }
0x51: {  	[tilespmem:$0x1FFB0] =	vst v39;
	v39 =	vsel vm0, $0xFFFFFFFF, v54;
	vm0 =	veq.s32 v19, $0xD;
	v29 =	vmax.f32 v29, v34  }
0x52: {  	v55 =	vimm.s32 $0x0;
	v38 =	vsel vm0, v38, v29  }
0x53: {  	[tilespmem:$0x1FFC0] =	vst v39;
	v39 =	vsel vm0, $0xFFFFFFFF, v55;
	vm0 =	veq.s32 v19, $0xE;
	v38 =	vmax.f32 v38, v35  }
0x54: {  	v56 =	vimm.s32 $0x0;
	v29 =	vsel vm0, v29, v38  }
0x55: {  	[tilespmem:$0x1FFD0] =	vst v39;
	v39 =	vsel vm0, $0xFFFFFFFF, v56;
	vm0 =	veq.s32 v19, $0xF;
	v29 =	vmax.f32 v29, v36  }
0x56: {  	v57 =	vimm.s32 $0x0;
	vm2 =	vne.s32 v19, $0xC;
	v29 =	vsel vm0, v38, v29  }
0x57: {  	[tilespmem:$0x1FFE0] =	vst v39;
	v39 =	vsel vm0, $0xFFFFFFFF, v57;
	vm0 =	vne.s32 v19, $0xF;
	vm1 =	veq.f32 v36, v29  }
0x58: {  	v59 =	vsub.f32 v29, v37;
	vm3 =	veq.f32 v34, v29;
	vm4 =	veq.f32 v33, v29  }
0x59: {  	vm0 =	vmand vm0, vm1;
	vm1 =	veq.f32 v35, v29;
	vm2 =	vmand vm2, vm4  }
0x5a: {  	vm4 =	veq.f32 v31, v29;
	v58 =	vsel vm0, $0xF, v1;
	vm0 =	vne.s32 v19, $0xE  }
0x5b: {  	v61 =	vmul.f32 $1.442695020e+00, v59;
	vm0 =	vmand vm0, vm1;
	vm1 =	vne.s32 v19, $0xD  }
0x5c: {  	v60 =	vsel vm0, $0xE, v58;
	vm0 =	vmand vm1, vm3;
	vm1 =	vne.s32 v19, $0xB  }
0x5d: {  	vm3 =	veq.f32 v32, v29;
	(erf) = vpow2.f32 v61;
	v33 =	vsel vm0, $0xD, v60  }
0x5e: {  	vm0 =	vne.s32 v19, $0xA;
	vm1 =	vmand vm1, vm3;
	vm3 =	veq.f32 v28, v29  }
0x5f: {  	v62 =	vsel vm2, $0xC, v33;
	vm0 =	vmand vm0, vm4;
	vm2 =	vne.s32 v19, $0x8  }
0x60: {  	vm4 =	veq.f32 v30, v29;
	v31 =	vsel vm1, $0xB, v62;
	vm1 =	vne.s32 v19, $0x9  }
0x61: {  	vm1 =	vmand vm1, vm4;
	v63 =	vsel vm0, $0xA, v31;
	vm0 =	vmand vm2, vm3  }
0x62: {  	vm2 =	veq.f32 v27, v29;
	v28 =	vsel vm1, $0x9, v63;
	vm1 =	vne.s32 v19, $0x7  }
0x63: {  	v27 =	vsel vm0, $0x8, v28;
	vm0 =	vmand vm1, vm2  }
0x64: {  	vm1 =	veq.f32 v26, v29;
	v27 =	vsel vm0, $0x7, v27;
	vm0 =	vne.s32 v19, $0x6  }
0x65: {  	vm2 =	vne.s32 v19, $0x5;
	vm0 =	vmand vm0, vm1;
	vm1 =	veq.f32 v25, v29  }
0x66: {  	v25 =	vsel vm0, $0x6, v27;
	vm0 =	vmand vm2, vm1;
	vm1 =	vne.s32 v19, $0x4;
	v26 =	vpop (erf)  }
0x67: {  	v25 =	vsel vm0, $0x5, v25;
	vm0 =	veq.f32 v24, v29;
	v24 =	vadd.f32 $1.000000000e+00, v26  }
0x68: {  	vm2 =	veq.f32 v23, v29;
	vm0 =	vmand vm1, vm0;
	vm1 =	vne.s32 v19, $0x3  }
0x69: {  	v23 =	vsel vm0, $0x4, v25;
	vm0 =	vmand vm1, vm2;
	(erf) = vrcp.f32 v24  }
0x6a: {  	vm1 =	vne.s32 v19, $0x2;
	v23 =	vsel vm0, $0x3, v23;
	vm0 =	veq.f32 v22, v29  }
0x6b: {  	s11 =	simm.s32 $0x10;
	vm2 =	veq.f32 v20, v29;
	vm0 =	vmand vm1, vm0  }
0x6c: {  	v20 =	vor.u32 s11, v0;
	vm1 =	vne.s32 v19, $0x1;
	v22 =	vsel vm0, $0x2, v23  }
0x6d: {  	vm0 =	vmand vm1, vm2;
	vm1 =	veq.f32 v21, v29;
	vm2 =	vne.s32 v19, $0x0  }
0x6e: {  	v23 =	vshll.u32 v20, $0x4;
	v21 =	vsel vm0, $0x1, v22;
	vm0 =	vmand vm2, vm1  }
0x6f: {  	v22 =	vor.u32 $0x1, v23;
	v24 =	vsel vm0, $0x0, v21;
	v21 =	vor.u32 $0x2, v23  }
0x70: {  	vm13 =	veq.s32 v24, $0xF;
	vm3 =	veq.s32 v24, $0xC;
	vm2 =	veq.s32 v24, $0xD  }
0x71: {  	vm1 =	veq.s32 v24, $0xE;
	vm6 =	veq.s32 v24, $0x9;
	vm5 =	veq.s32 v24, $0xA  }
0x72: {  	vm4 =	veq.s32 v24, $0xB;
	vm8 =	veq.s32 v24, $0x7;
	vm7 =	veq.s32 v24, $0x8  }
0x73: {  	[tilespmem:$0x1FFF0] =	vst v39;
	s11 =	simm.s32 $0x20;
	vm10 =	veq.s32 v24, $0x5;
	vm9 =	veq.s32 v24, $0x6;
	vm11 =	veq.s32 v24, $0x4;
	v25 =	vpop (erf)  }
.LBB2_2:
0x74: {  	v32 =	vld [tilespmem:$0x1FF20]  }
0x75: {  	v44 =	vld [tilespmem:$0x1FF10];
	_ =	sdelay $0x1  }
0x76: {  	v26 =	vmul.f32 v25, v26  }
0x77: {  	vm14 =	veq.s32 v24, $0x0;
	vm0 =	vmmov vm15  }
0x78: {  	vm15 =	veq.s32 v24, $0x1;
	v29 =	vnsel vm14, $0x0, v26;
	vm14 =	vnez.u8 v32  }
0x79: {  	v30 =	vnsel vm15, $0x0, v26;
	v29 =	vsel vm14, v25, v29;
	vm14 =	vnez.u8 v44  }
0x7a: {  	v30 =	vsel vm14, v25, v30;
	[tilespmem:v9+s8+$0x0] =	vst.idx.msk $0xffff, v29  }
0x7b: {  	[tilespmem:v12+s8+$0x0] =	vst.idx.msk $0xffff, v30;
	v12 =	vld [tilespmem:$0x1FF30]  }
0x7c: {  	v47 =	vld [tilespmem:$0x1FF40];
	_ =	sdelay $0x1  }
0x7d: {  	v27 =	vimm.s32 $0x0  }
0x7e: {  	vm12 =	veq.s32 v24, $0x2;
	v27 =	vsel vm13, $0xFFFFFFFF, v27  }
0x7f: {  	vm13 =	veq.s32 v24, $0x3;
	v46 =	vnsel vm12, $0x0, v26;
	vm12 =	vnez.u8 v12  }
0x80: {  	v33 =	vnsel vm13, $0x0, v26;
	v35 =	vsel vm12, v25, v46;
	vm12 =	vnez.u8 v47  }
0x81: {  	v29 =	vsel vm12, v25, v33;
	[tilespmem:v6+s8+$0x0] =	vst.idx.msk $0xffff, v35  }
0x82: {  	[tilespmem:v10+s8+$0x0] =	vst.idx.msk $0xffff, v29;
	v10 =	vld [tilespmem:$0x1FF50]  }
0x83: {  	v12 =	vmov v22;
	v22 =	vld [tilespmem:$0x1FF60];
	_ =	sdelay $0x3  }
0x84: {  	v49 =	vnsel vm11, $0x0, v26;
	v34 =	vnsel vm10, $0x0, v26;
	vm10 =	vnez.u8 v10  }
0x85: {  	v50 =	vsel vm10, v25, v49;
	vm10 =	vnez.u8 v22  }
0x86: {  	v22 =	vsel vm10, v25, v34;
	[tilespmem:v5+s8+$0x0] =	vst.idx.msk $0xffff, v50  }
0x87: {  	[tilespmem:v7+s8+$0x0] =	vst.idx.msk $0xffff, v22;
	v7 =	vld [tilespmem:$0x1FF70]  }
0x88: {  	v22 =	vld [tilespmem:$0x1FF80];
	_ =	sdelay $0x3  }
0x89: {  	v52 =	vnsel vm9, $0x0, v26;
	v53 =	vnsel vm8, $0x0, v26;
	vm8 =	vnez.u8 v7  }
0x8a: {  	v54 =	vsel vm8, v25, v52;
	vm8 =	vnez.u8 v22  }
0x8b: {  	v55 =	vnsel vm7, $0x0, v26;
	v22 =	vsel vm8, v25, v53;
	[tilespmem:v4+s8+$0x0] =	vst.idx.msk $0xffff, v54  }
0x8c: {  	[tilespmem:v13+s8+$0x0] =	vst.idx.msk $0xffff, v22;
	v13 =	vsel vm0, v25, v55;
	v22 =	vld [tilespmem:$0x1FF90]  }
0x8d: {  	[tilespmem:v14+s8+$0x0] =	vst.idx.msk $0xffff, v13;
	v13 =	vld [tilespmem:$0x1FFA0];
	_ =	sdelay $0x3  }
0x8e: {  	v56 =	vnsel vm6, $0x0, v26;
	vm0 =	vnez.u8 v22  }
0x8f: {  	v57 =	vnsel vm5, $0x0, v26;
	v22 =	vsel vm0, v25, v56;
	vm0 =	vnez.u8 v13;
	v13 =	vld [tilespmem:$0x1FFB0]  }
0x90: {  	v14 =	vsel vm0, v25, v57;
	[tilespmem:v11+s8+$0x0] =	vst.idx.msk $0xffff, v22;
	v11 =	vld [tilespmem:$0x1FFC0]  }
0x91: {  	[tilespmem:v8+s8+$0x0] =	vst.idx.msk $0xffff, v14;
	v8 =	vld [tilespmem:$0x1FFD0];
	_ =	sdelay $0x2  }
0x92: {  	v28 =	vor.u32 $0x4, v23;
	v58 =	vnsel vm4, $0x0, v26;
	vm0 =	vnez.u8 v13  }
0x93: {  	v59 =	vnsel vm3, $0x0, v26;
	v5 =	vmovc v28;
	v28 =	vsel vm0, v25, v58;
	vm0 =	vnez.u8 v11  }
0x94: {  	v22 =	vsel vm0, v25, v59;
	vm0 =	vnez.u8 v8;
	v8 =	vld [tilespmem:$0x1FFE0];
	_ =	sdelay $0x2  }
0x95: {  	v31 =	vor.u32 $0x5, v23;
	v45 =	vor.u32 $0x6, v23;
	v9 =	vmov v23  }
0x96: {  	[tilespmem:$0x1FF00] =	vst v27;
	v27 =	vor.u32 $0x3, v23;
	v60 =	vnsel vm2, $0x0, v26;
	v23 =	vor.u32 $0x7, v9  }
0x97: {  	v13 =	vmov v23;
	v23 =	vsel vm0, v25, v60;
	vm0 =	vnez.u8 v8;
	v8 =	vld [tilespmem:$0x1FF00];
	_ =	sdelay $0x2  }
0x98: {  	[tilespmem:v3+s8+$0x0] =	vst.idx.msk $0xffff, v28;
	v3 =	vld [tilespmem:$0x1FFF0]  }
0x99: {  	v61 =	vnsel vm1, $0x0, v26  }
0x9a: {  	v7 =	vmov v31;
	v31 =	vsel vm0, v25, v61;
	vm0 =	vnez.u8 v8  }
0x9b: {  	v62 =	vnsel vm0, $0x0, v26;
	v26 =	vshll.u32 v2, $0x1  }
0x9c: {  	[tilespmem:v17+s8+$0x0] =	vst.idx.msk $0xffff, v22;
	v17 =	vor.u32 $0x1, v26  }
0x9d: {  	[tilespmem:v15+s8+$0x0] =	vst.idx.msk $0xffff, v23;
	vm0 =	vnez.u8 v3  }
0x9e: {  	[tilespmem:v16+s8+$0x0] =	vst.idx.msk $0xffff, v31;
	v25 =	vsel vm0, v25, v62  }
0x9f: {  	v6 =	vmov v21;
	[tilespmem:v18+s8+$0x0] =	vst.idx.msk $0xffff, v25  }
0xa0: {  	v10 =	vmov v27;
	[tilespmem:v26+s9+$0x0] =	vst.idx.msk $0xffff, v19  }
0xa1: {  	[tilespmem:v17+s9+$0x0] =	vst.idx.msk $0xffff, v24  }
0xa2: {  	v2 =	vmov v20;
	v20 =	vld.idx.msk [tilespmem:v12+s2+$0x0], $0xffff  }
0xa3: {  	v21 =	vor.u32 $0x9, v9;
	v4 =	vmov v45;
	v23 =	vld.idx.msk [tilespmem:v9+s2+$0x0], $0xffff  }
0xa4: {  	v11 =	vmov v21;
	v21 =	vld.idx.msk [tilespmem:v6+s2+$0x0], $0xffff  }
0xa5: {  	v48 =	vor.u32 $0x8, v9;
	v22 =	vld.idx.msk [tilespmem:v10+s2+$0x0], $0xffff  }
0xa6: {  	v51 =	vor.u32 $0xA, v9;
	v24 =	vld.idx.msk [tilespmem:v5+s2+$0x0], $0xffff  }
0xa7: {  	v27 =	vor.u32 $0xB, v9;
	v8 =	vmov v51;
	v25 =	vld.idx.msk [tilespmem:v7+s2+$0x0], $0xffff  }
0xa8: {  	v3 =	vmov v27;
	v26 =	vld.idx.msk [tilespmem:v4+s2+$0x0], $0xffff;
	v37 =	vmax.f32 v23, v20  }
0xa9: {  	v17 =	vor.u32 $0xC, v9;
	v27 =	vld.idx.msk [tilespmem:v13+s2+$0x0], $0xffff;
	v18 =	vmax.f32 v37, v21  }
0xaa: {  	v15 =	vor.u32 $0xD, v9;
	v63 =	vld.idx.msk [tilespmem:v48+s2+$0x0], $0xffff;
	v19 =	vmax.f32 v18, v22  }
0xab: {  	v16 =	vor.u32 $0xE, v9;
	v28 =	vld.idx.msk [tilespmem:v11+s2+$0x0], $0xffff;
	v19 =	vmax.f32 v19, v24  }
0xac: {  	v42 =	vld.idx.msk [tilespmem:v8+s2+$0x0], $0xffff;
	v18 =	vor.u32 $0xF, v9;
	v19 =	vmax.f32 v19, v25  }
0xad: {  	v31 =	vld.idx.msk [tilespmem:v3+s2+$0x0], $0xffff;
	v19 =	vmax.f32 v19, v26  }
0xae: {  	v43 =	vld.idx.msk [tilespmem:v17+s2+$0x0], $0xffff;
	v19 =	vmax.f32 v19, v27  }
0xaf: {  	v44 =	vld.idx.msk [tilespmem:v15+s2+$0x0], $0xffff;
	v19 =	vmax.f32 v19, v63  }
0xb0: {  	v45 =	vld.idx.msk [tilespmem:v16+s2+$0x0], $0xffff;
	v19 =	vmax.f32 v19, v28  }
0xb1: {  	v35 =	vld.idx.msk [tilespmem:v18+s2+$0x0], $0xffff;
	v19 =	vmax.f32 v19, v42  }
0xb2: {  	v19 =	vmax.f32 v19, v31  }
0xb3: {  	v19 =	vmax.f32 v19, v43  }
0xb4: {  	v19 =	vmax.f32 v19, v44  }
0xb5: {  	v19 =	vmax.f32 v19, v45  }
0xb6: {  	v36 =	vmax.f32 v19, v35  }
0xb7: {  	vm0 =	veq.f32 v35, v36  }
0xb8: {  	v19 =	vsel vm0, $0xF, v1;
	vm0 =	veq.f32 v45, v36  }
0xb9: {  	v19 =	vsel vm0, $0xE, v19;
	vm0 =	veq.f32 v44, v36  }
0xba: {  	v19 =	vsel vm0, $0xD, v19;
	vm0 =	veq.f32 v43, v36  }
0xbb: {  	v19 =	vsel vm0, $0xC, v19;
	vm0 =	veq.f32 v31, v36  }
0xbc: {  	v19 =	vsel vm0, $0xB, v19;
	vm0 =	veq.f32 v42, v36  }
0xbd: {  	v19 =	vsel vm0, $0xA, v19;
	vm0 =	veq.f32 v28, v36  }
0xbe: {  	vm1 =	veq.f32 v63, v36;
	v19 =	vsel vm0, $0x9, v19  }
0xbf: {  	vm2 =	veq.f32 v27, v36;
	v19 =	vsel vm1, $0x8, v19  }
0xc0: {  	vm3 =	veq.f32 v26, v36;
	v19 =	vsel vm2, $0x7, v19  }
0xc1: {  	vm4 =	veq.f32 v25, v36;
	v19 =	vsel vm3, $0x6, v19  }
0xc2: {  	vm5 =	veq.f32 v24, v36;
	v19 =	vsel vm4, $0x5, v19  }
0xc3: {  	vm6 =	veq.f32 v22, v36;
	v19 =	vsel vm5, $0x4, v19  }
0xc4: {  	vm7 =	veq.f32 v21, v36;
	v19 =	vsel vm6, $0x3, v19  }
0xc5: {  	vm8 =	veq.f32 v20, v36;
	v19 =	vsel vm7, $0x2, v19  }
0xc6: {  	vm0 =	veq.f32 v23, v36;
	v19 =	vsel vm8, $0x1, v19  }
0xc7: {  	v19 =	vsel vm0, $0x0, v19  }
0xc8: {  	v38 =	vimm.s32 $0x0;
	vm0 =	veq.s32 v19, $0x1  }
0xc9: {  	vm1 =	veq.s32 v19, $0x0;
	v38 =	vsel vm0, $0xFFFFFFFF, v38;
	v46 =	vsel vm0, v23, v37  }
0xca: {  	[tilespmem:$0x1FF10] =	vst v38;
	v38 =	vsel vm1, v20, v46  }
0xcb: {  	v39 =	vimm.s32 $0x0;
	vm0 =	veq.s32 v19, $0x2;
	v38 =	vmax.f32 v38, v21  }
0xcc: {  	v47 =	vimm.s32 $0x0;
	v39 =	vsel vm1, $0xFFFFFFFF, v39;
	v37 =	vsel vm0, v37, v38  }
0xcd: {  	[tilespmem:$0x1FF20] =	vst v39;
	v39 =	vsel vm0, $0xFFFFFFFF, v47;
	vm0 =	veq.s32 v19, $0x3;
	v37 =	vmax.f32 v37, v22  }
0xce: {  	v14 =	vmov v48;
	v48 =	vimm.s32 $0x0;
	v38 =	vsel vm0, v38, v37  }
0xcf: {  	[tilespmem:$0x1FF30] =	vst v39;
	v39 =	vsel vm0, $0xFFFFFFFF, v48;
	vm0 =	veq.s32 v19, $0x4;
	v38 =	vmax.f32 v38, v24  }
0xd0: {  	v49 =	vimm.s32 $0x0;
	v37 =	vsel vm0, v37, v38  }
0xd1: {  	[tilespmem:$0x1FF40] =	vst v39;
	v39 =	vsel vm0, $0xFFFFFFFF, v49;
	vm0 =	veq.s32 v19, $0x5;
	v37 =	vmax.f32 v37, v25  }
0xd2: {  	v50 =	vimm.s32 $0x0;
	v38 =	vsel vm0, v38, v37  }
0xd3: {  	[tilespmem:$0x1FF50] =	vst v39;
	v39 =	vsel vm0, $0xFFFFFFFF, v50;
	vm0 =	veq.s32 v19, $0x6;
	v38 =	vmax.f32 v38, v26  }
0xd4: {  	v51 =	vimm.s32 $0x0;
	v37 =	vsel vm0, v37, v38  }
0xd5: {  	[tilespmem:$0x1FF60] =	vst v39;
	v39 =	vsel vm0, $0xFFFFFFFF, v51;
	vm0 =	veq.s32 v19, $0x7;
	v37 =	vmax.f32 v37, v27  }
0xd6: {  	v52 =	vimm.s32 $0x0;
	v38 =	vsel vm0, v38, v37  }
0xd7: {  	v53 =	vimm.s32 $0x0;
	vm15 =	veq.s32 v19, $0x8;
	v38 =	vmax.f32 v38, v63  }
0xd8: {  	v54 =	vimm.s32 $0x0;
	v55 =	vimm.s32 $0x0;
	v37 =	vsel vm15, v37, v38  }
0xd9: {  	[tilespmem:$0x1FF70] =	vst v39;
	v39 =	vsel vm0, $0xFFFFFFFF, v52;
	vm0 =	veq.s32 v19, $0x9;
	v37 =	vmax.f32 v37, v28  }
0xda: {  	v56 =	vimm.s32 $0x0;
	v57 =	vimm.s32 $0x0;
	v38 =	vsel vm0, v38, v37  }
0xdb: {  	[tilespmem:$0x1FF80] =	vst v39;
	v39 =	vsel vm0, $0xFFFFFFFF, v53;
	vm0 =	veq.s32 v19, $0xA;
	v38 =	vmax.f32 v38, v42  }
0xdc: {  	v58 =	vimm.s32 $0x0;
	v59 =	vimm.s32 $0x0;
	v37 =	vsel vm0, v37, v38  }
0xdd: {  	[tilespmem:$0x1FF90] =	vst v39;
	v39 =	vsel vm0, $0xFFFFFFFF, v54;
	vm0 =	veq.s32 v19, $0xB;
	v37 =	vmax.f32 v37, v31  }
0xde: {  	vm2 =	vne.s32 v19, $0x6;
	vm4 =	veq.s32 v19, $0xD;
	v38 =	vsel vm0, v38, v37  }
0xdf: {  	vm3 =	vne.s32 v19, $0x7;
	vm1 =	veq.s32 v19, $0xC;
	v38 =	vmax.f32 v38, v43  }
0xe0: {  	vm5 =	vne.s32 v19, $0x9;
	vm7 =	veq.s32 v19, $0xE;
	v37 =	vsel vm1, v37, v38  }
0xe1: {  	vm6 =	vne.s32 v19, $0xA;
	vm8 =	vne.s32 v19, $0xB;
	v37 =	vmax.f32 v37, v44  }
0xe2: {  	vm10 =	veq.s32 v19, $0xF;
	[tilespmem:$0x1FFA0] =	vst v39;
	v39 =	vsel vm0, $0xFFFFFFFF, v55;
	v38 =	vsel vm4, v38, v37  }
0xe3: {  	vm9 =	vne.s32 v19, $0xE;
	[tilespmem:$0x1FFB0] =	vst v39;
	v39 =	vsel vm1, $0xFFFFFFFF, v56;
	v38 =	vmax.f32 v38, v45  }
0xe4: {  	vm11 =	vne.s32 v19, $0xC;
	[tilespmem:$0x1FFC0] =	vst v39;
	v39 =	vsel vm4, $0xFFFFFFFF, v57;
	v37 =	vsel vm7, v37, v38  }
0xe5: {  	vm0 =	vne.s32 v19, $0x1;
	[tilespmem:$0x1FFD0] =	vst v39;
	v39 =	vsel vm7, $0xFFFFFFFF, v58;
	v37 =	vmax.f32 v37, v35  }
0xe6: {  	vm1 =	vne.s32 v19, $0x3;
	[tilespmem:$0x1FFE0] =	vst v39;
	v39 =	vsel vm10, $0xFFFFFFFF, v59;
	v37 =	vsel vm10, v38, v37  }
0xe7: {  	vm7 =	vne.s32 v19, $0xD;
	vm10 =	vne.s32 v19, $0xF;
	v60 =	vsub.f32 v37, v36  }
0xe8: {  	vm12 =	veq.f32 v35, v37;
	vm13 =	veq.f32 v44, v37;
	vm14 =	veq.f32 v43, v37  }
0xe9: {  	vm10 =	vmand vm10, vm12;
	vm12 =	veq.f32 v45, v37;
	v62 =	vmul.f32 $1.442695020e+00, v60  }
0xea: {  	vm7 =	vmand vm7, vm13;
	vm13 =	veq.f32 v26, v37;
	v61 =	vsel vm10, $0xF, v1  }
0xeb: {  	vm10 =	vmand vm11, vm14;
	vm9 =	vmand vm9, vm12;
	(erf) = vpow2.f32 v62  }
0xec: {  	vm11 =	veq.f32 v31, v37;
	vm12 =	veq.f32 v63, v37;
	v63 =	vsel vm9, $0xE, v61  }
0xed: {  	vm9 =	veq.f32 v27, v37;
	vm8 =	vmand vm8, vm11;
	v27 =	vsel vm7, $0xD, v63  }
0xee: {  	vm11 =	veq.f32 v28, v37;
	vm7 =	veq.f32 v42, v37;
	v26 =	vsel vm10, $0xC, v27  }
0xef: {  	vm6 =	vmand vm6, vm7;
	vm7 =	veq.f32 v24, v37;
	v24 =	vsel vm8, $0xB, v26  }
0xf0: {  	vm4 =	vne.s32 v19, $0x8;
	vm5 =	vmand vm5, vm11;
	v24 =	vsel vm6, $0xA, v24  }
0xf1: {  	vm4 =	vmand vm4, vm12;
	vm6 =	veq.f32 v22, v37;
	v22 =	vsel vm5, $0x9, v24  }
0xf2: {  	vm3 =	vmand vm3, vm9;
	vm5 =	veq.f32 v21, v37;
	v21 =	vsel vm4, $0x8, v22  }
0xf3: {  	vm2 =	vmand vm2, vm13;
	vm4 =	veq.f32 v20, v37;
	v20 =	vsel vm3, $0x7, v21  }
0xf4: {  	vm8 =	veq.f32 v25, v37;
	vm3 =	vne.s32 v19, $0x5;
	v20 =	vsel vm2, $0x6, v20;
	v26 =	vpop (erf)  }
0xf5: {  	vm2 =	vmand vm3, vm8;
	vm3 =	vne.s32 v19, $0x4;
	v21 =	vadd.f32 $1.000000000e+00, v26  }
0xf6: {  	vm1 =	vmand vm1, vm6;
	v20 =	vsel vm2, $0x5, v20;
	vm2 =	vmand vm3, vm7  }
0xf7: {  	v20 =	vsel vm2, $0x4, v20;
	vm2 =	vne.s32 v19, $0x2;
	(erf) = vrcp.f32 v21  }
0xf8: {  	vm10 =	veq.f32 v23, v37;
	v20 =	vsel vm1, $0x3, v20;
	vm1 =	vmand vm2, vm5  }
0xf9: {  	vm0 =	vmand vm0, vm4;
	v20 =	vsel vm1, $0x2, v20;
	vm1 =	vne.s32 v19, $0x0  }
0xfa: {  	s12 =	smov.u32 s11;
	v20 =	vsel vm0, $0x1, v20;
	vm0 =	vmand vm1, vm10  }
0xfb: {  	p0 =	sne.s32 s11, $0xF0;
	v24 =	vsel vm0, $0x0, v20;
	v20 =	vor.u32 s12, v0  }
.Ltmp0:
0xfc: {  	vm13 =	veq.s32 v24, $0xF;
	vm3 =	veq.s32 v24, $0xC;
	vm2 =	veq.s32 v24, $0xD;
	(pc) =	sbr.rel @p0 .LBB2_2-.Ltmp0, $4  }
0xfd: {  	vm1 =	veq.s32 v24, $0xE;
	vm6 =	veq.s32 v24, $0x9;
	vm5 =	veq.s32 v24, $0xA  }
0xfe: {  	vm4 =	veq.s32 v24, $0xB;
	vm8 =	veq.s32 v24, $0x7;
	vm7 =	veq.s32 v24, $0x8  }
0xff: {  	v23 =	vshll.u32 v20, $0x4;
	vm10 =	veq.s32 v24, $0x5;
	vm9 =	veq.s32 v24, $0x6  }
0x100: {  	s11 =	sadd.s32 $0x10, s11;
	[tilespmem:$0x1FFF0] =	vst v39;
	vm11 =	veq.s32 v24, $0x4;
	v22 =	vor.u32 $0x1, v23;
	v21 =	vor.u32 $0x2, v23;
	v25 =	vpop (erf)  }
0x101: {  	v29 =	vld [tilespmem:$0x1FF20]  }
0x102: {  	v52 =	vld [tilespmem:$0x1FF10]  }
0x103: {  	v26 =	vmul.f32 v25, v26;
	v55 =	vld [tilespmem:$0x1FF30]  }
0x104: {  	vm12 =	veq.s32 v24, $0x0;
	vm0 =	veq.s32 v24, $0x1;
	v56 =	vld [tilespmem:$0x1FF40]  }
0x105: {  	v59 =	vld [tilespmem:$0x1FF50];
	v27 =	vnsel vm12, $0x0, v26;
	v28 =	vnsel vm0, $0x0, v26  }
0x106: {  	vm12 =	veq.s32 v24, $0x2;
	v57 =	vnsel vm11, $0x0, v26;
	vm0 =	vnez.u8 v29  }
0x107: {  	v53 =	vnsel vm12, $0x0, v26;
	vm14 =	vnez.u8 v52;
	v27 =	vsel vm0, v25, v27  }
0x108: {  	vm12 =	vnez.u8 v55;
	v28 =	vsel vm14, v25, v28;
	vm0 =	veq.s32 v24, $0x3;
	[tilespmem:v9+s8+$0x0] =	vst.idx.msk $0xffff, v27  }
0x109: {  	vm14 =	vnez.u8 v56;
	v54 =	vnsel vm0, $0x0, v26;
	v27 =	vsel vm12, v25, v53;
	[tilespmem:v12+s8+$0x0] =	vst.idx.msk $0xffff, v28  }
0x10a: {  	v60 =	vld [tilespmem:$0x1FF60];
	v58 =	vnsel vm10, $0x0, v26;
	vm10 =	vnez.u8 v59;
	v9 =	vsel vm14, v25, v54;
	[tilespmem:v6+s8+$0x0] =	vst.idx.msk $0xffff, v27  }
0x10b: {  	v63 =	vld [tilespmem:$0x1FF70];
	v12 =	vsel vm10, v25, v57;
	[tilespmem:v10+s8+$0x0] =	vst.idx.msk $0xffff, v9  }
0x10c: {  	[tilespmem:v5+s8+$0x0] =	vst.idx.msk $0xffff, v12;
	v12 =	vld [tilespmem:$0x1FF80];
	_ =	sdelay $0x1  }
0x10d: {  	v30 =	vld [tilespmem:$0x1FF90]  }
0x10e: {  	v32 =	vld [tilespmem:$0x1FFA0];
	v2 =	vshll.u32 v2, $0x1;
	vm11 =	vnez.u8 v60  }
0x10f: {  	v33 =	vld [tilespmem:$0x1FFB0];
	v61 =	vnsel vm9, $0x0, v26;
	vm12 =	vnez.u8 v63;
	v6 =	vsel vm11, v25, v58  }
0x110: {  	v35 =	vld [tilespmem:$0x1FFC0];
	v62 =	vnsel vm8, $0x0, v26;
	v9 =	vsel vm12, v25, v61;
	[tilespmem:v7+s8+$0x0] =	vst.idx.msk $0xffff, v6;
	vm14 =	vnez.u8 v12  }
0x111: {  	v37 =	vld [tilespmem:$0x1FFD0];
	v38 =	vor.u32 $0x1, v2;
	v27 =	vnsel vm7, $0x0, v26;
	[tilespmem:v4+s8+$0x0] =	vst.idx.msk $0xffff, v9;
	v5 =	vsel vm14, v25, v62  }
0x112: {  	v39 =	vld [tilespmem:$0x1FFE0];
	v28 =	vnsel vm6, $0x0, v26;
	vm7 =	vnez.u8 v30;
	v4 =	vsel vm15, v25, v27;
	[tilespmem:v13+s8+$0x0] =	vst.idx.msk $0xffff, v5  }
0x113: {  	v41 =	vld [tilespmem:$0x1FFF0];
	v29 =	vnsel vm5, $0x0, v26;
	vm8 =	vnez.u8 v32;
	v6 =	vsel vm7, v25, v28;
	[tilespmem:v14+s8+$0x0] =	vst.idx.msk $0xffff, v4  }
0x114: {  	v31 =	vnsel vm4, $0x0, v26;
	vm9 =	vnez.u8 v33;
	v5 =	vsel vm8, v25, v29;
	[tilespmem:v11+s8+$0x0] =	vst.idx.msk $0xffff, v6  }
0x115: {  	v34 =	vnsel vm3, $0x0, v26;
	vm10 =	vnez.u8 v35;
	v4 =	vsel vm9, v25, v31;
	[tilespmem:v8+s8+$0x0] =	vst.idx.msk $0xffff, v5  }
0x116: {  	v36 =	vnsel vm2, $0x0, v26;
	vm11 =	vnez.u8 v37;
	v5 =	vsel vm10, v25, v34;
	[tilespmem:v3+s8+$0x0] =	vst.idx.msk $0xffff, v4  }
0x117: {  	vm12 =	vnez.u8 v39;
	v3 =	vnsel vm1, $0x0, v26;
	v4 =	vsel vm11, v25, v36;
	[tilespmem:v17+s8+$0x0] =	vst.idx.msk $0xffff, v5  }
0x118: {  	v40 =	vnsel vm13, $0x0, v26;
	vm13 =	vnez.u8 v41;
	v3 =	vsel vm12, v25, v3;
	[tilespmem:v15+s8+$0x0] =	vst.idx.msk $0xffff, v4  }
0x119: {  	v4 =	vsel vm13, v25, v40;
	[tilespmem:v16+s8+$0x0] =	vst.idx.msk $0xffff, v3  }
0x11a: {  	[tilespmem:v18+s8+$0x0] =	vst.idx.msk $0xffff, v4  }
0x11b: {  	v14 =	vor.u32 $0x3, v23;
	[tilespmem:v2+s9+$0x0] =	vst.idx.msk $0xffff, v19  }
0x11c: {  	v13 =	vor.u32 $0x4, v23;
	[tilespmem:v38+s9+$0x0] =	vst.idx.msk $0xffff, v24  }
0x11d: {  	v12 =	vor.u32 $0x5, v23;
	v16 =	vld.idx.msk [tilespmem:v22+s2+$0x0], $0xffff  }
0x11e: {  	v11 =	vor.u32 $0x6, v23;
	v17 =	vld.idx.msk [tilespmem:v23+s2+$0x0], $0xffff  }
0x11f: {  	v10 =	vor.u32 $0x7, v23;
	v18 =	vld.idx.msk [tilespmem:v21+s2+$0x0], $0xffff  }
0x120: {  	v9 =	vor.u32 $0x8, v23;
	v19 =	vld.idx.msk [tilespmem:v14+s2+$0x0], $0xffff  }
0x121: {  	v8 =	vor.u32 $0x9, v23;
	v24 =	vld.idx.msk [tilespmem:v13+s2+$0x0], $0xffff  }
0x122: {  	v6 =	vor.u32 $0xA, v23;
	v42 =	vld.idx.msk [tilespmem:v12+s2+$0x0], $0xffff  }
0x123: {  	v3 =	vor.u32 $0xB, v23;
	v43 =	vld.idx.msk [tilespmem:v11+s2+$0x0], $0xffff;
	v44 =	vmax.f32 v17, v16  }
0x124: {  	v4 =	vor.u32 $0xC, v23;
	v45 =	vld.idx.msk [tilespmem:v10+s2+$0x0], $0xffff;
	v46 =	vmax.f32 v44, v18  }
0x125: {  	v2 =	vor.u32 $0xD, v23;
	v28 =	vld.idx.msk [tilespmem:v9+s2+$0x0], $0xffff;
	v47 =	vmax.f32 v46, v19  }
0x126: {  	v5 =	vor.u32 $0xE, v23;
	v30 =	vld.idx.msk [tilespmem:v8+s2+$0x0], $0xffff;
	v48 =	vmax.f32 v47, v24  }
0x127: {  	v7 =	vor.u32 $0xF, v23;
	v31 =	vld.idx.msk [tilespmem:v6+s2+$0x0], $0xffff;
	v15 =	vmax.f32 v48, v42  }
0x128: {  	v32 =	vld.idx.msk [tilespmem:v3+s2+$0x0], $0xffff;
	v15 =	vmax.f32 v15, v43  }
0x129: {  	v33 =	vld.idx.msk [tilespmem:v4+s2+$0x0], $0xffff;
	v15 =	vmax.f32 v15, v45  }
0x12a: {  	v34 =	vld.idx.msk [tilespmem:v2+s2+$0x0], $0xffff;
	v15 =	vmax.f32 v15, v28  }
0x12b: {  	v35 =	vld.idx.msk [tilespmem:v5+s2+$0x0], $0xffff;
	v15 =	vmax.f32 v15, v30  }
0x12c: {  	v36 =	vld.idx.msk [tilespmem:v7+s2+$0x0], $0xffff;
	v15 =	vmax.f32 v15, v31  }
0x12d: {  	v15 =	vmax.f32 v15, v32  }
0x12e: {  	v15 =	vmax.f32 v15, v33  }
0x12f: {  	v15 =	vmax.f32 v15, v34  }
0x130: {  	v15 =	vmax.f32 v15, v35  }
0x131: {  	v37 =	vmax.f32 v15, v36  }
0x132: {  	vm14 =	veq.f32 v36, v37  }
0x133: {  	vm15 =	veq.f32 v35, v37;
	v49 =	vsel vm14, $0xF, v1  }
0x134: {  	vm4 =	veq.f32 v34, v37;
	v15 =	vsel vm15, $0xE, v49  }
0x135: {  	vm5 =	veq.f32 v33, v37;
	v15 =	vsel vm4, $0xD, v15  }
0x136: {  	vm6 =	veq.f32 v32, v37;
	v15 =	vsel vm5, $0xC, v15  }
0x137: {  	vm7 =	veq.f32 v31, v37;
	v15 =	vsel vm6, $0xB, v15  }
0x138: {  	vm8 =	veq.f32 v30, v37;
	v15 =	vsel vm7, $0xA, v15  }
0x139: {  	vm9 =	veq.f32 v28, v37;
	v15 =	vsel vm8, $0x9, v15  }
0x13a: {  	vm10 =	veq.f32 v45, v37;
	v15 =	vsel vm9, $0x8, v15  }
0x13b: {  	vm11 =	veq.f32 v43, v37;
	v15 =	vsel vm10, $0x7, v15  }
0x13c: {  	vm12 =	veq.f32 v42, v37;
	v15 =	vsel vm11, $0x6, v15  }
0x13d: {  	vm13 =	veq.f32 v24, v37;
	v15 =	vsel vm12, $0x5, v15  }
0x13e: {  	vm14 =	veq.f32 v19, v37;
	v15 =	vsel vm13, $0x4, v15  }
0x13f: {  	vm15 =	veq.f32 v18, v37;
	v15 =	vsel vm14, $0x3, v15  }
0x140: {  	vm4 =	veq.f32 v16, v37;
	v15 =	vsel vm15, $0x2, v15  }
0x141: {  	vm5 =	veq.f32 v17, v37;
	v15 =	vsel vm4, $0x1, v15  }
0x142: {  	v15 =	vsel vm5, $0x0, v15  }
0x143: {  	vm12 =	veq.s32 v15, $0x1  }
0x144: {  	vm15 =	veq.s32 v15, $0x0;
	v38 =	vsel vm12, v17, v44  }
0x145: {  	v38 =	vsel vm15, v16, v38  }
0x146: {  	vm13 =	veq.s32 v15, $0x2;
	v38 =	vmax.f32 v38, v18  }
0x147: {  	v29 =	vsel vm13, v44, v38  }
0x148: {  	vm14 =	veq.s32 v15, $0x3;
	v29 =	vmax.f32 v29, v19  }
0x149: {  	v38 =	vsel vm14, v38, v29  }
0x14a: {  	vm10 =	veq.s32 v15, $0x4;
	v38 =	vmax.f32 v38, v24  }
0x14b: {  	v29 =	vsel vm10, v29, v38  }
0x14c: {  	vm8 =	veq.s32 v15, $0x5;
	v29 =	vmax.f32 v29, v42  }
0x14d: {  	v38 =	vsel vm8, v38, v29  }
0x14e: {  	vm9 =	veq.s32 v15, $0x6;
	v38 =	vmax.f32 v38, v43  }
0x14f: {  	v29 =	vsel vm9, v29, v38  }
0x150: {  	vm11 =	veq.s32 v15, $0x7;
	v29 =	vmax.f32 v29, v45  }
0x151: {  	v38 =	vsel vm11, v38, v29  }
0x152: {  	vm6 =	veq.s32 v15, $0x8;
	v38 =	vmax.f32 v38, v28  }
0x153: {  	v29 =	vsel vm6, v29, v38  }
0x154: {  	vm5 =	veq.s32 v15, $0x9;
	v29 =	vmax.f32 v29, v30  }
0x155: {  	v38 =	vsel vm5, v38, v29  }
0x156: {  	v39 =	vimm.s32 $0x0;
	vm7 =	veq.s32 v15, $0xA;
	v38 =	vmax.f32 v38, v31  }
0x157: {  	v50 =	vimm.s32 $0x0;
	v39 =	vsel vm6, $0xFFFFFFFF, v39;
	v29 =	vsel vm7, v29, v38  }
0x158: {  	[tilespmem:$0x1FEB0] =	vst v39;
	v39 =	vsel vm7, $0xFFFFFFFF, v50;
	vm7 =	veq.s32 v15, $0xB;
	v29 =	vmax.f32 v29, v32  }
0x159: {  	v38 =	vsel vm7, v38, v29  }
0x15a: {  	vm6 =	veq.s32 v15, $0xC;
	v38 =	vmax.f32 v38, v33  }
0x15b: {  	v29 =	vsel vm6, v29, v38  }
0x15c: {  	vm4 =	veq.s32 v15, $0xD;
	v29 =	vmax.f32 v29, v34  }
0x15d: {  	v51 =	vimm.s32 $0x0;
	v38 =	vsel vm4, v38, v29  }
0x15e: {  	[tilespmem:$0x1FEC0] =	vst v39;
	v39 =	vsel vm4, $0xFFFFFFFF, v51;
	vm4 =	veq.s32 v15, $0xE;
	v38 =	vmax.f32 v38, v35  }
0x15f: {  	v52 =	vimm.s32 $0x0;
	v29 =	vsel vm4, v29, v38  }
0x160: {  	[tilespmem:$0x1FED0] =	vst v39;
	v39 =	vsel vm4, $0xFFFFFFFF, v52;
	vm4 =	veq.s32 v15, $0xF;
	v29 =	vmax.f32 v29, v36  }
0x161: {  	v29 =	vsel vm4, v38, v29  }
0x162: {  	v37 =	vsub.f32 v29, v37;
	_ =	sdelay $0x1  }
0x163: {  	v53 =	vimm.s32 $0x0;
	vm0 =	vne.s32 v15, $0xF;
	v54 =	vmul.f32 $1.442695020e+00, v37  }
0x164: {  	vm2 =	vne.s32 v15, $0xD;
	[tilespmem:$0x1FEE0] =	vst v39;
	v39 =	vsel vm4, $0xFFFFFFFF, v53;
	vm4 =	veq.f32 v36, v29  }
0x165: {  	vm1 =	veq.f32 v34, v29;
	vm0 =	vmand vm0, vm4;
	(erf) = vpow2.f32 v54  }
0x166: {  	vm4 =	veq.f32 v35, v29;
	v55 =	vsel vm0, $0xF, v1;
	vm0 =	vne.s32 v15, $0xE  }
0x167: {  	vm3 =	vmand vm0, vm4;
	vm0 =	vne.s32 v15, $0xC;
	vm4 =	veq.f32 v33, v29  }
0x168: {  	vm1 =	vmand vm2, vm1;
	vm0 =	vmand vm0, vm4;
	v56 =	vsel vm3, $0xE, v55  }
0x169: {  	vm4 =	veq.f32 v32, v29;
	v33 =	vsel vm1, $0xD, v56;
	vm1 =	vne.s32 v15, $0xB  }
0x16a: {  	vm2 =	vne.s32 v15, $0xA;
	vm3 =	veq.f32 v30, v29;
	vm1 =	vmand vm1, vm4  }
0x16b: {  	v57 =	vsel vm0, $0xC, v33;
	vm0 =	vne.s32 v15, $0x9;
	vm4 =	veq.f32 v31, v29  }
0x16c: {  	vm2 =	vmand vm2, vm4;
	v58 =	vsel vm1, $0xB, v57;
	vm0 =	vmand vm0, vm3  }
0x16d: {  	vm1 =	vne.s32 v15, $0x8;
	vm4 =	veq.f32 v28, v29;
	v30 =	vsel vm2, $0xA, v58  }
0x16e: {  	vm1 =	vmand vm1, vm4;
	vm4 =	veq.f32 v45, v29;
	v59 =	vsel vm0, $0x9, v30;
	v60 =	vpop (erf)  }
0x16f: {  	vm0 =	vne.s32 v15, $0x7;
	v28 =	vsel vm1, $0x8, v59;
	v61 =	vadd.f32 $1.000000000e+00, v60  }
0x170: {  	vm0 =	vmand vm0, vm4;
	vm1 =	vne.s32 v15, $0x6;
	vm4 =	veq.f32 v43, v29  }
0x171: {  	v62 =	vsel vm0, $0x7, v28;
	vm4 =	vmand vm1, vm4;
	(erf) = vrcp.f32 v61  }
0x172: {  	vm0 =	veq.f32 v42, v29;
	v26 =	vsel vm4, $0x6, v62;
	vm4 =	vne.s32 v15, $0x5  }
0x173: {  	vm1 =	veq.f32 v24, v29;
	vm0 =	vmand vm4, vm0;
	vm4 =	vne.s32 v15, $0x4  }
0x174: {  	v63 =	vsel vm0, $0x5, v26;
	vm4 =	vmand vm4, vm1  }
0x175: {  	vm0 =	vne.s32 v15, $0x3;
	v24 =	vsel vm4, $0x4, v63;
	vm4 =	veq.f32 v19, v29  }
0x176: {  	vm1 =	veq.f32 v18, v29;
	vm0 =	vmand vm0, vm4;
	vm4 =	vne.s32 v15, $0x2  }
0x177: {  	v28 =	vsel vm0, $0x3, v24;
	vm4 =	vmand vm4, vm1  }
0x178: {  	vm0 =	vne.s32 v15, $0x1;
	v18 =	vsel vm4, $0x2, v28;
	vm4 =	veq.f32 v16, v29  }
0x179: {  	vm1 =	veq.f32 v17, v29;
	vm0 =	vmand vm0, vm4;
	vm4 =	vne.s32 v15, $0x0  }
0x17a: {  	v31 =	vsel vm0, $0x1, v18;
	vm4 =	vmand vm4, vm1;
	v32 =	vpop (erf)  }
0x17b: {  	v16 =	vsel vm4, $0x0, v31;
	v33 =	vmul.f32 v32, v60  }
0x17c: {  	vm0 =	veq.s32 v16, $0x0;
	vm4 =	veq.s32 v16, $0x1  }
0x17d: {  	v34 =	vnsel vm0, $0x0, v33;
	v35 =	vnsel vm4, $0x0, v33;
	vm4 =	veq.s32 v16, $0x2  }
0x17e: {  	[tilespmem:$0x1FEF0] =	vst v39;
	v19 =	vsel vm15, v32, v34;
	v36 =	vnsel vm4, $0x0, v33;
	vm4 =	veq.s32 v16, $0x3  }
0x17f: {  	v24 =	vsel vm12, v32, v35;
	vm15 =	veq.s32 v16, $0x4;
	vm12 =	veq.s32 v16, $0x9;
	[tilespmem:v23+s8+$0x0] =	vst.idx.msk $0xffff, v19  }
0x180: {  	v51 =	vld [tilespmem:$0x1FEB0];
	v37 =	vnsel vm4, $0x0, v33;
	v38 =	vsel vm13, v32, v36;
	vm13 =	veq.s32 v16, $0x5;
	[tilespmem:v22+s8+$0x0] =	vst.idx.msk $0xffff, v24  }
0x181: {  	v40 =	vnsel vm15, $0x0, v33;
	vm4 =	veq.s32 v16, $0x6;
	v39 =	vsel vm14, v32, v37;
	[tilespmem:v21+s8+$0x0] =	vst.idx.msk $0xffff, v38  }
0x182: {  	v54 =	vld [tilespmem:$0x1FEC0];
	v49 =	vnsel vm12, $0x0, v33;
	v41 =	vnsel vm13, $0x0, v33;
	v42 =	vsel vm10, v32, v40;
	[tilespmem:v14+s8+$0x0] =	vst.idx.msk $0xffff, v39  }
0x183: {  	v43 =	vnsel vm4, $0x0, v33;
	vm10 =	veq.s32 v16, $0x7;
	v44 =	vsel vm8, v32, v41;
	[tilespmem:v13+s8+$0x0] =	vst.idx.msk $0xffff, v42  }
0x184: {  	vm13 =	veq.s32 v16, $0x8;
	v45 =	vnsel vm10, $0x0, v33;
	v46 =	vsel vm9, v32, v43;
	[tilespmem:v12+s8+$0x0] =	vst.idx.msk $0xffff, v44  }
0x185: {  	v60 =	vld [tilespmem:$0x1FED0];
	vm15 =	vnez.u8 v51;
	v48 =	vnsel vm13, $0x0, v33;
	v47 =	vsel vm11, v32, v45;
	[tilespmem:v11+s8+$0x0] =	vst.idx.msk $0xffff, v46  }
0x186: {  	vm14 =	veq.s32 v16, $0xA;
	vm4 =	veq.s32 v16, $0xB;
	v12 =	vsel vm15, v32, v48;
	[tilespmem:v10+s8+$0x0] =	vst.idx.msk $0xffff, v47  }
0x187: {  	v52 =	vsel vm5, v32, v49;
	v50 =	vnsel vm14, $0x0, v33;
	vm9 =	vnez.u8 v54;
	[tilespmem:v9+s8+$0x0] =	vst.idx.msk $0xffff, v12  }
0x188: {  	v53 =	vnsel vm4, $0x0, v33;
	vm8 =	veq.s32 v16, $0xC;
	v9 =	vsel vm9, v32, v50;
	[tilespmem:v8+s8+$0x0] =	vst.idx.msk $0xffff, v52  }
0x189: {  	vm10 =	veq.s32 v16, $0xD;
	v55 =	vsel vm7, v32, v53;
	v56 =	vnsel vm8, $0x0, v33;
	[tilespmem:v6+s8+$0x0] =	vst.idx.msk $0xffff, v9  }
0x18a: {  	vm12 =	vnez.u8 v60;
	v58 =	vnsel vm10, $0x0, v33;
	v57 =	vsel vm6, v32, v56;
	[tilespmem:v3+s8+$0x0] =	vst.idx.msk $0xffff, v55  }
0x18b: {  	v62 =	vld [tilespmem:$0x1FEE0];
	v6 =	vsel vm12, v32, v58;
	[tilespmem:v4+s8+$0x0] =	vst.idx.msk $0xffff, v57  }
0x18c: {  	[tilespmem:v2+s8+$0x0] =	vst.idx.msk $0xffff, v6;
	v2 =	vld [tilespmem:$0x1FEF0];
	_ =	sdelay $0x2  }
0x18d: {  	vm13 =	veq.s32 v16, $0xF;
	vm11 =	veq.s32 v16, $0xE;
	v3 =	vshll.u32 v20, $0x1  }
0x18e: {  	vm14 =	vnez.u8 v62;
	v59 =	vnsel vm11, $0x0, v33;
	v61 =	vor.u32 $0x1, v3  }
0x18f: {  	v63 =	vnsel vm13, $0x0, v33;
	v8 =	vsel vm14, v32, v59;
	vm15 =	vnez.u8 v2  }
0x190: {  	[tilespmem:v5+s8+$0x0] =	vst.idx.msk $0xffff, v8;
	v2 =	vsel vm15, v32, v63  }
0x191: {  	[tilespmem:v7+s8+$0x0] =	vst.idx.msk $0xffff, v2  }
0x192: {  	[tilespmem:v3+s9+$0x0] =	vst.idx.msk $0xffff, v15  }
0x193: {  	[tilespmem:v61+s9+$0x0] =	vst.idx.msk $0xffff, v16  }
0x194: {  	[hbm4b:s4+s2] =	stream.linear.scatter [tilespmem:s8], [sflag:$0x1], $0x1000, $0x38;
	[tilespmem:$0x2200] =	vst v63  }
0x195: {  	s10 =	sadd.s32 $0x1, s10;
	_ =	swait.ge [sflag:s7], $0x1000  }
0x196: {  	p0 =	sne.s32 s10, s6;
	[sflag:s7] =	ssyncset.done $0x0  }
.Ltmp1:
0x197: {  	[sflag:s7] =	ssyncadd.s32 $0xFFFFF000;
	(pc) =	sbr.rel @p0 .LBB2_1-.Ltmp1, $4  }
0x198: {  	[hbm4b:s5+s2] =	stream.linear.scatter [tilespmem:s9], [sflag:$0x1], $0x200, $0x38;
	[tilespmem:$0x2200] =	vst v63  }
0x199: {  	_ =	swait.ge [sflag:s7], $0x200  }
0x19a: {  	[sflag:s7] =	ssyncset.done $0x0  }
0x19b: {  	[sflag:s7] =	ssyncadd.s32 $0xFFFFFE00  }
0x19c: {  	_ =	sfence.sel $0x180000  }
0x19d: {  	[bflag:$0x0] =	sbarrier.arrive $0xFFFF  }
0x19e: {  	p0 =	sne.s32 s1, $0x0;
	_ =	strace $0x90000047  }
0x19f: {  	s0 =	sadd.s32 @!p0 $0x100000, s0;
	[bflag:$0x2] =	sbarrier.arrive $0xFFFF  }
0x1a0: {  	[sflag:s0] =	ssyncadd.tile.s32 @!p0 $0x1;
	_ =	shalt  }
.Lfunc_end2:
_tile_overlayer_lowered:
.L_overlay_start_2:
0x1a1: {  	(tag) =	ssettag $0x2  }
0x1a2: {  	s0 =	rddreg [dreg:$0x0];
	s2 =	stileid.u32  }
0x1a3: {  	s1 =	rddreg [dreg:$0x1];
	p0 =	sne.s32 s2, $0x0  }
0x1a4: {  	s3 =	rddreg [dreg:$0x2];
	[bflag:$0x3] =	sbarrier.arrive $0xFFFF;
	s2 =	simm.s32 @!p0 $0x1C01  }
0x1a5: {  	[timem:s3], [sflag:s2] =	dma.local @!p0 [hbm:s0], s1  }
0x1a6: {  	s0 =	simm.s32 @!p0 $0x1  }
0x1a7: {  	_ =	swait.ge @!p0 [sflag:s0], s1  }
0x1a8: {  	s1 =	ssub.s32 @!p0 $0x0, s1;
	[sflag:s0] =	ssyncset.done @!p0 $0x0  }
0x1a9: {  	[sflag:s0] =	ssyncadd.s32 @!p0 s1  }
0x1aa: {  	[bflag:$0x3] =	sbarrier.arrive $0xFFFF  }
0x1ab: {  	_ =	shalt  }

</sc_bundles>
